<compile_context>
chip_gen: v7x
topology: tpu7x:2x2x1
jax: 0.10.2.dev20260603
libtpu: 0.0.44.dev20260713+nightly
codegen_flags: <defaults>
</compile_context>

<pallas_src>
import functools

import jax
import jax.numpy as jnp
from jax import lax
from jax.experimental import pallas as pl
from jax.experimental.pallas import tpu as pltpu
from jax.experimental.pallas import tpu_sc as plsc

_VOCAB = 1000000
_MAX_POS = 512
_HIDDEN = 128
_B, _L = 1024, 200
_N = _B * _L
_EPS = 1e-12

_NC, _NS, _LANES = 2, 16, 16
_NW = _NC * _NS
_TOK_PER_W = _N // _NW
_C = 128
_NCHUNK = _TOK_PER_W // _C
_NV = _HIDDEN // _LANES


def _rsqrt(x):
    i = plsc.bitcast(x, jnp.int32)
    i = jnp.int32(0x5F3759DF) - (i >> 1)
    y = plsc.bitcast(i, jnp.float32)
    for _ in range(3):
        y = y * (1.5 - 0.5 * x * y * y)
    return y


def _tree_sum(vs):
    vs = list(vs)
    while len(vs) > 1:
        vs = [a + b for a, b in zip(vs[::2], vs[1::2])]
    return vs[0]


@functools.partial(
    pl.kernel,
    compiler_params=pltpu.CompilerParams(needs_layout_passes=False),
    out_type=jax.ShapeDtypeStruct((_N, _HIDDEN), jnp.float32),
    mesh=plsc.VectorSubcoreMesh(core_axis_name="c", subcore_axis_name="s"),
    scratch_types=[
        pltpu.VMEM((_NCHUNK, _C), jnp.int32),
        pltpu.VMEM((_NCHUNK, _C), jnp.int32),
        pltpu.VMEM((_C, _HIDDEN), jnp.float32),
        pltpu.VMEM((_C, _HIDDEN), jnp.float32),
        pltpu.VMEM((_MAX_POS, _HIDDEN), jnp.float32),
        pltpu.VMEM((_HIDDEN,), jnp.float32),
        pltpu.VMEM((_HIDDEN,), jnp.float32),
        pltpu.VMEM((_LANES, _LANES + 1), jnp.float32),
        pltpu.VMEM((_LANES, _LANES + 1), jnp.float32),
        pltpu.VMEM((2, _LANES + 1), jnp.float32),
        pltpu.SemaphoreType.DMA,
        pltpu.SemaphoreType.DMA,
        pltpu.SemaphoreType.DMA,
        pltpu.SemaphoreType.DMA,
    ],
)
def _emb_ln(ids_h, pids_h, word_h, pos_h, gam_h, bet_h, out_h,
            idxw_v, idxp_v, w0_v, w1_v, pos_v, gam_v, bet_v, s_v, q_v, ms_v,
            gsem0, gsem1, osem0, osem1):
    wid = lax.axis_index("s") * _NC + lax.axis_index("c")
    base = wid * _TOK_PER_W

    pltpu.sync_copy(ids_h.at[wid], idxw_v)
    pltpu.sync_copy(pids_h.at[wid], idxp_v)
    pltpu.sync_copy(pos_h, pos_v)
    pltpu.sync_copy(gam_h, gam_v)
    pltpu.sync_copy(bet_h, bet_v)

    gammas = [gam_v[pl.ds(j * _LANES, _LANES)] for j in range(_NV)]
    betas = [bet_v[pl.ds(j * _LANES, _LANES)] for j in range(_NV)]
    inv_h = jnp.float32(1.0 / _HIDDEN)

    bufs = (w0_v, w1_v)
    gsems = (gsem0, gsem1)
    osems = (osem0, osem1)

    pltpu.async_copy(word_h.at[idxw_v.at[0]], w0_v, gsem0)

    lane_iota = lax.iota(jnp.int32, _LANES)

    zerov = jnp.zeros((_LANES,), jnp.int32)
    onev = jnp.full((_LANES,), 1, jnp.int32)

    def process(ci, w_v, osem):
        civ = jnp.full((_LANES,), ci, jnp.int32)

        def group_body(g, carry):
            t0 = g * _LANES

            @plsc.parallel_loop(0, _LANES, 1, unroll=8)
            def _pass_a(k):
                t = t0 + k
                tv = jnp.full((_LANES,), t, jnp.int32)
                pid_vec = plsc.load_gather(idxp_v, [civ, tv])
                c = [w_v[t, pl.ds(j * _LANES, _LANES)]
                     + plsc.load_gather(pos_v,
                                        [pid_vec, lane_iota + j * _LANES])
                     for j in range(_NV)]
                for j in range(_NV):
                    w_v[t, pl.ds(j * _LANES, _LANES)] = c[j]
                colk = jnp.full((_LANES,), k, jnp.int32)
                plsc.store_scatter(s_v, [lane_iota, colk], _tree_sum(c))
                plsc.store_scatter(q_v, [lane_iota, colk],
                                   _tree_sum([x * x for x in c]))

            ssum = _tree_sum([s_v[r, pl.ds(0, _LANES)] for r in range(_LANES)])
            qsum = _tree_sum([q_v[r, pl.ds(0, _LANES)] for r in range(_LANES)])
            mean_v = ssum * inv_h
            var_v = qsum * inv_h - mean_v * mean_v
            scale_v = _rsqrt(var_v + _EPS)
            ms_v[0, pl.ds(0, _LANES)] = mean_v
            ms_v[1, pl.ds(0, _LANES)] = scale_v

            @plsc.parallel_loop(0, _LANES, 1, unroll=4)
            def _pass_b(k):
                t = t0 + k
                kv = jnp.full((_LANES,), k, jnp.int32)
                mv = plsc.load_gather(ms_v, [zerov, kv])
                sk = plsc.load_gather(ms_v, [onev, kv])
                for j in range(_NV):
                    cj = w_v[t, pl.ds(j * _LANES, _LANES)]
                    w_v[t, pl.ds(j * _LANES, _LANES)] = (
                        (cj - mv) * sk * gammas[j] + betas[j])

            pltpu.async_copy(
                w_v.at[pl.ds(t0, _LANES)],
                out_h.at[pl.ds(base + ci * _C + t0, _LANES)], osem)
            return carry
        lax.fori_loop(0, _C // _LANES, group_body, 0)

    def pair_body(i, carry):
        for b in range(2):
            ci = i * 2 + b
            nb = 1 - b
            pltpu.make_async_copy(word_h.at[idxw_v.at[ci]], bufs[b],
                                  gsems[b]).wait()
            @pl.when(ci + 1 < _NCHUNK)
            def _():
                @pl.when(ci >= 1)
                def _():
                    pltpu.make_async_copy(
                        bufs[nb],
                        out_h.at[pl.ds(base + (ci - 1) * _C, _C)],
                        osems[nb]).wait()
                pltpu.async_copy(word_h.at[idxw_v.at[ci + 1]], bufs[nb],
                                 gsems[nb])
            process(ci, bufs[b], osems[b])
        return carry

    lax.fori_loop(0, _NCHUNK // 2, pair_body, 0)
    pltpu.make_async_copy(
        bufs[0], out_h.at[pl.ds(base + (_NCHUNK - 2) * _C, _C)],
        osems[0]).wait()
    pltpu.make_async_copy(
        bufs[1], out_h.at[pl.ds(base + (_NCHUNK - 1) * _C, _C)],
        osems[1]).wait()


def kernel(input_ids, position_ids, word_emb, pos_emb, gamma, beta):
    ids = input_ids.reshape(_NW, _NCHUNK, _C).astype(jnp.int32)
    pids = position_ids.reshape(_NW, _NCHUNK, _C).astype(jnp.int32)
    out = _emb_ln(ids, pids, word_emb, pos_emb, gamma, beta)
    return out.reshape(_B, _L, _HIDDEN)

# --- scband reference (transcript-rebuilt; emitter-appended) ---
"""Pipeline reference for scband-text-embeddingsfor-roc-55405078119057 (READ-ONLY COPY).

The authoritative reference and input builder live on the scoring server;
editing this copy changes nothing except your own understanding.
"""

import jax, jax.numpy as jnp
import numpy as np

VOCAB = 1000000
MAX_POS = 512
HIDDEN = 128
B, L = 1024, 200
EPS = 1e-12


def setup_inputs(seed: int = 0) -> dict:
    key = jax.random.key(seed)
    k1, k2, k3, k4 = jax.random.split(key, 4)
    input_ids = jax.random.randint(k1, (B, L), 0, VOCAB, dtype=jnp.int64 if jax.config.jax_enable_x64 else jnp.int32).astype(jnp.int32)
    position_ids = jax.random.randint(k2, (B, L), 0, 200, dtype=jnp.int32)
    word_emb = jax.random.normal(k3, (VOCAB, HIDDEN), dtype=jnp.float32) * 0.02
    # padding_idx=0 -> zero row
    word_emb = word_emb.at[0].set(0.0)
    pos_emb = jax.random.normal(k4, (MAX_POS, HIDDEN), dtype=jnp.float32) * 0.02
    gamma = jnp.ones((HIDDEN,), dtype=jnp.float32)
    beta = jnp.zeros((HIDDEN,), dtype=jnp.float32)
    return {"input_ids": input_ids, "position_ids": position_ids, "word_emb": word_emb, "pos_emb": pos_emb, "gamma": gamma, "beta": beta}


def reference(input_ids, position_ids, word_emb, pos_emb, gamma, beta):
    words_embeddings = jnp.take(word_emb, input_ids, axis=0)
    position_embeddings = jnp.take(pos_emb, position_ids, axis=0)
    embeddings = words_embeddings + position_embeddings
    mean = jnp.mean(embeddings, axis=-1, keepdims=True)
    var = jnp.mean(jnp.square(embeddings - mean), axis=-1, keepdims=True)
    normed = (embeddings - mean) / jnp.sqrt(var + EPS)
    out = normed * gamma + beta
    # dropout is identity in eval mode
    return out

if __name__ == "__main__":
    import jax
    _d = setup_inputs()
    print(jax.jit(kernel)(*tuple(_d.values())))

</pallas_src>

<mosaic_0001>
#map = affine_map<(d0, d1) -> (0, 0, 0)>
#map1 = affine_map<(d0, d1) -> (0, 0)>
#map2 = affine_map<(d0, d1) -> (0)>
module attributes {stable_mosaic.version = 14 : i64} {
  func.func @_emb_ln(%arg0: i32, %arg1: i32, %arg2: memref<32x50x128xi32, #tpu.memory_space<hbm>>, %arg3: memref<32x50x128xi32, #tpu.memory_space<hbm>>, %arg4: memref<1000000x128xf32, #tpu.memory_space<hbm>>, %arg5: memref<512x128xf32, #tpu.memory_space<hbm>>, %arg6: memref<128xf32, #tpu.memory_space<hbm>>, %arg7: memref<128xf32, #tpu.memory_space<hbm>>, %arg8: memref<204800x128xf32, #tpu.memory_space<hbm>>, %arg9: memref<50x128xi32, #tpu.memory_space<vmem>>, %arg10: memref<50x128xi32, #tpu.memory_space<vmem>>, %arg11: memref<128x128xf32, #tpu.memory_space<vmem>>, %arg12: memref<128x128xf32, #tpu.memory_space<vmem>>, %arg13: memref<512x128xf32, #tpu.memory_space<vmem>>, %arg14: memref<128xf32, #tpu.memory_space<vmem>>, %arg15: memref<128xf32, #tpu.memory_space<vmem>>, %arg16: memref<16x17xf32, #tpu.memory_space<vmem>>, %arg17: memref<16x17xf32, #tpu.memory_space<vmem>>, %arg18: memref<2x17xf32, #tpu.memory_space<vmem>>, %arg19: memref<!tpu.dma_semaphore, #tpu.memory_space<semaphore_mem>>, %arg20: memref<!tpu.dma_semaphore, #tpu.memory_space<semaphore_mem>>, %arg21: memref<!tpu.dma_semaphore, #tpu.memory_space<semaphore_mem>>, %arg22: memref<!tpu.dma_semaphore, #tpu.memory_space<semaphore_mem>>) attributes {dimension_semantics = [#tpu.dimension_semantics<core_parallel>, #tpu.dimension_semantics<subcore_parallel>], iteration_bounds = array<i64: 2, 16>, scalar_prefetch = 0 : i64, scratch_operands = 14 : i64, tpu.core_type = #tpu.core_type<sc_vector_subcore>, window_params = [{transform_indices = #map}, {transform_indices = #map}, {transform_indices = #map1}, {transform_indices = #map1}, {transform_indices = #map2}, {transform_indices = #map2}, {transform_indices = #map1}]} {
    %mul3A = arith.constant 2 : i32
    %mul3A_0 = arith.muli %arg1, %mul3A : i32
    %add3A = arith.addi %mul3A_0, %arg0 : i32
    %mul3A_1 = arith.constant 6400 : i32
    %mul3A_2 = arith.muli %add3A, %mul3A_1 : i32
    "tpu.region"() ({
      %run_scoped3A = tpu.sem_alloc : memref<!tpu.dma_semaphore, #tpu.memory_space<semaphore_mem>>
      %dma_start3A_60 = arith.constant 0 : i32
      %dma_start3A_61 = arith.constant 0 : i32
      %dma_start3A_62 = tpu.memref_slice %arg2[%add3A, %dma_start3A_60, %dma_start3A_61] : memref<32x50x128xi32, #tpu.memory_space<hbm>> -> memref<1x50x128xi32, #tpu.memory_space<hbm>>
      %dma_start3A_63 = tpu.memref_squeeze %dma_start3A_62 : memref<1x50x128xi32, #tpu.memory_space<hbm>> -> memref<50x128xi32, #tpu.memory_space<hbm>>
      %dma_start3A_64 = arith.constant 0 : i32
      %dma_start3A_65 = arith.constant 0 : i32
      %dma_start3A_66 = tpu.memref_slice %arg2[%add3A, %dma_start3A_64, %dma_start3A_65] : memref<32x50x128xi32, #tpu.memory_space<hbm>> -> memref<1x50x128xi32, #tpu.memory_space<hbm>>
      %dma_start3A_67 = tpu.memref_squeeze %dma_start3A_66 : memref<1x50x128xi32, #tpu.memory_space<hbm>> -> memref<50x128xi32, #tpu.memory_space<hbm>>
      tpu.enqueue_dma source(%dma_start3A_67 : memref<50x128xi32, #tpu.memory_space<hbm>>) target(%arg9 : memref<50x128xi32, #tpu.memory_space<vmem>>) target_semaphore(%run_scoped3A : memref<!tpu.dma_semaphore, #tpu.memory_space<semaphore_mem>>)
      %dma_wait3A_68 = arith.constant 0 : i32
      %dma_wait3A_69 = arith.constant 0 : i32
      %dma_wait3A_70 = tpu.memref_slice %arg2[%add3A, %dma_wait3A_68, %dma_wait3A_69] : memref<32x50x128xi32, #tpu.memory_space<hbm>> -> memref<1x50x128xi32, #tpu.memory_space<hbm>>
      %dma_wait3A_71 = tpu.memref_squeeze %dma_wait3A_70 : memref<1x50x128xi32, #tpu.memory_space<hbm>> -> memref<50x128xi32, #tpu.memory_space<hbm>>
      %dma_wait3A_72 = arith.constant 0 : i32
      %dma_wait3A_73 = arith.constant 0 : i32
      %dma_wait3A_74 = tpu.memref_slice %arg2[%add3A, %dma_wait3A_72, %dma_wait3A_73] : memref<32x50x128xi32, #tpu.memory_space<hbm>> -> memref<1x50x128xi32, #tpu.memory_space<hbm>>
      %dma_wait3A_75 = tpu.memref_squeeze %dma_wait3A_74 : memref<1x50x128xi32, #tpu.memory_space<hbm>> -> memref<50x128xi32, #tpu.memory_space<hbm>>
      tpu.wait_dma2 semaphore(%run_scoped3A : memref<!tpu.dma_semaphore, #tpu.memory_space<semaphore_mem>>) src(%dma_wait3A_75 : memref<50x128xi32, #tpu.memory_space<hbm>>) dst(%arg9 : memref<50x128xi32, #tpu.memory_space<vmem>>)
      tpu.yield
    }) : () -> ()
    "tpu.region"() ({
      %run_scoped3A = tpu.sem_alloc : memref<!tpu.dma_semaphore, #tpu.memory_space<semaphore_mem>>
      %dma_start3A_60 = arith.constant 0 : i32
      %dma_start3A_61 = arith.constant 0 : i32
      %dma_start3A_62 = tpu.memref_slice %arg3[%add3A, %dma_start3A_60, %dma_start3A_61] : memref<32x50x128xi32, #tpu.memory_space<hbm>> -> memref<1x50x128xi32, #tpu.memory_space<hbm>>
      %dma_start3A_63 = tpu.memref_squeeze %dma_start3A_62 : memref<1x50x128xi32, #tpu.memory_space<hbm>> -> memref<50x128xi32, #tpu.memory_space<hbm>>
      %dma_start3A_64 = arith.constant 0 : i32
      %dma_start3A_65 = arith.constant 0 : i32
      %dma_start3A_66 = tpu.memref_slice %arg3[%add3A, %dma_start3A_64, %dma_start3A_65] : memref<32x50x128xi32, #tpu.memory_space<hbm>> -> memref<1x50x128xi32, #tpu.memory_space<hbm>>
      %dma_start3A_67 = tpu.memref_squeeze %dma_start3A_66 : memref<1x50x128xi32, #tpu.memory_space<hbm>> -> memref<50x128xi32, #tpu.memory_space<hbm>>
      tpu.enqueue_dma source(%dma_start3A_67 : memref<50x128xi32, #tpu.memory_space<hbm>>) target(%arg10 : memref<50x128xi32, #tpu.memory_space<vmem>>) target_semaphore(%run_scoped3A : memref<!tpu.dma_semaphore, #tpu.memory_space<semaphore_mem>>)
      %dma_wait3A_68 = arith.constant 0 : i32
      %dma_wait3A_69 = arith.constant 0 : i32
      %dma_wait3A_70 = tpu.memref_slice %arg3[%add3A, %dma_wait3A_68, %dma_wait3A_69] : memref<32x50x128xi32, #tpu.memory_space<hbm>> -> memref<1x50x128xi32, #tpu.memory_space<hbm>>
      %dma_wait3A_71 = tpu.memref_squeeze %dma_wait3A_70 : memref<1x50x128xi32, #tpu.memory_space<hbm>> -> memref<50x128xi32, #tpu.memory_space<hbm>>
      %dma_wait3A_72 = arith.constant 0 : i32
      %dma_wait3A_73 = arith.constant 0 : i32
      %dma_wait3A_74 = tpu.memref_slice %arg3[%add3A, %dma_wait3A_72, %dma_wait3A_73] : memref<32x50x128xi32, #tpu.memory_space<hbm>> -> memref<1x50x128xi32, #tpu.memory_space<hbm>>
      %dma_wait3A_75 = tpu.memref_squeeze %dma_wait3A_74 : memref<1x50x128xi32, #tpu.memory_space<hbm>> -> memref<50x128xi32, #tpu.memory_space<hbm>>
      tpu.wait_dma2 semaphore(%run_scoped3A : memref<!tpu.dma_semaphore, #tpu.memory_space<semaphore_mem>>) src(%dma_wait3A_75 : memref<50x128xi32, #tpu.memory_space<hbm>>) dst(%arg10 : memref<50x128xi32, #tpu.memory_space<vmem>>)
      tpu.yield
    }) : () -> ()
    "tpu.region"() ({
      %run_scoped3A = tpu.sem_alloc : memref<!tpu.dma_semaphore, #tpu.memory_space<semaphore_mem>>
      tpu.enqueue_dma source(%arg5 : memref<512x128xf32, #tpu.memory_space<hbm>>) target(%arg13 : memref<512x128xf32, #tpu.memory_space<vmem>>) target_semaphore(%run_scoped3A : memref<!tpu.dma_semaphore, #tpu.memory_space<semaphore_mem>>)
      tpu.wait_dma2 semaphore(%run_scoped3A : memref<!tpu.dma_semaphore, #tpu.memory_space<semaphore_mem>>) src(%arg5 : memref<512x128xf32, #tpu.memory_space<hbm>>) dst(%arg13 : memref<512x128xf32, #tpu.memory_space<vmem>>)
      tpu.yield
    }) : () -> ()
    "tpu.region"() ({
      %run_scoped3A = tpu.sem_alloc : memref<!tpu.dma_semaphore, #tpu.memory_space<semaphore_mem>>
      tpu.enqueue_dma source(%arg6 : memref<128xf32, #tpu.memory_space<hbm>>) target(%arg14 : memref<128xf32, #tpu.memory_space<vmem>>) target_semaphore(%run_scoped3A : memref<!tpu.dma_semaphore, #tpu.memory_space<semaphore_mem>>)
      tpu.wait_dma2 semaphore(%run_scoped3A : memref<!tpu.dma_semaphore, #tpu.memory_space<semaphore_mem>>) src(%arg6 : memref<128xf32, #tpu.memory_space<hbm>>) dst(%arg14 : memref<128xf32, #tpu.memory_space<vmem>>)
      tpu.yield
    }) : () -> ()
    "tpu.region"() ({
      %run_scoped3A = tpu.sem_alloc : memref<!tpu.dma_semaphore, #tpu.memory_space<semaphore_mem>>
      tpu.enqueue_dma source(%arg7 : memref<128xf32, #tpu.memory_space<hbm>>) target(%arg15 : memref<128xf32, #tpu.memory_space<vmem>>) target_semaphore(%run_scoped3A : memref<!tpu.dma_semaphore, #tpu.memory_space<semaphore_mem>>)
      tpu.wait_dma2 semaphore(%run_scoped3A : memref<!tpu.dma_semaphore, #tpu.memory_space<semaphore_mem>>) src(%arg7 : memref<128xf32, #tpu.memory_space<hbm>>) dst(%arg15 : memref<128xf32, #tpu.memory_space<vmem>>)
      tpu.yield
    }) : () -> ()
    %get3A = arith.constant 0 : index
    %get3A_3 = tpu.vector_load %arg14[%get3A] {strides = array<i32>} : memref<128xf32, #tpu.memory_space<vmem>>, vector<16xf32>,
    %get3A_4 = arith.constant 16 : index
    %get3A_5 = tpu.vector_load %arg14[%get3A_4] {strides = array<i32>} : memref<128xf32, #tpu.memory_space<vmem>>, vector<16xf32>,
    %get3A_6 = arith.constant 32 : index
    %get3A_7 = tpu.vector_load %arg14[%get3A_6] {strides = array<i32>} : memref<128xf32, #tpu.memory_space<vmem>>, vector<16xf32>,
    %get3A_8 = arith.constant 48 : index
    %get3A_9 = tpu.vector_load %arg14[%get3A_8] {strides = array<i32>} : memref<128xf32, #tpu.memory_space<vmem>>, vector<16xf32>,
    %get3A_10 = arith.constant 64 : index
    %get3A_11 = tpu.vector_load %arg14[%get3A_10] {strides = array<i32>} : memref<128xf32, #tpu.memory_space<vmem>>, vector<16xf32>,
    %get3A_12 = arith.constant 80 : index
    %get3A_13 = tpu.vector_load %arg14[%get3A_12] {strides = array<i32>} : memref<128xf32, #tpu.memory_space<vmem>>, vector<16xf32>,
    %get3A_14 = arith.constant 96 : index
    %get3A_15 = tpu.vector_load %arg14[%get3A_14] {strides = array<i32>} : memref<128xf32, #tpu.memory_space<vmem>>, vector<16xf32>,
    %get3A_16 = arith.constant 112 : index
    %get3A_17 = tpu.vector_load %arg14[%get3A_16] {strides = array<i32>} : memref<128xf32, #tpu.memory_space<vmem>>, vector<16xf32>,
    %get3A_18 = arith.constant 0 : index
    %get3A_19 = tpu.vector_load %arg15[%get3A_18] {strides = array<i32>} : memref<128xf32, #tpu.memory_space<vmem>>, vector<16xf32>,
    %get3A_20 = arith.constant 16 : index
    %get3A_21 = tpu.vector_load %arg15[%get3A_20] {strides = array<i32>} : memref<128xf32, #tpu.memory_space<vmem>>, vector<16xf32>,
    %get3A_22 = arith.constant 32 : index
    %get3A_23 = tpu.vector_load %arg15[%get3A_22] {strides = array<i32>} : memref<128xf32, #tpu.memory_space<vmem>>, vector<16xf32>,
    %get3A_24 = arith.constant 48 : index
    %get3A_25 = tpu.vector_load %arg15[%get3A_24] {strides = array<i32>} : memref<128xf32, #tpu.memory_space<vmem>>, vector<16xf32>,
    %get3A_26 = arith.constant 64 : index
    %get3A_27 = tpu.vector_load %arg15[%get3A_26] {strides = array<i32>} : memref<128xf32, #tpu.memory_space<vmem>>, vector<16xf32>,
    %get3A_28 = arith.constant 80 : index
    %get3A_29 = tpu.vector_load %arg15[%get3A_28] {strides = array<i32>} : memref<128xf32, #tpu.memory_space<vmem>>, vector<16xf32>,
    %get3A_30 = arith.constant 96 : index
    %get3A_31 = tpu.vector_load %arg15[%get3A_30] {strides = array<i32>} : memref<128xf32, #tpu.memory_space<vmem>>, vector<16xf32>,
    %get3A_32 = arith.constant 112 : index
    %get3A_33 = tpu.vector_load %arg15[%get3A_32] {strides = array<i32>} : memref<128xf32, #tpu.memory_space<vmem>>, vector<16xf32>,
    %dma_start3A = arith.constant 0 : i32
    %dma_start3A_34 = arith.constant 0 : i32
    %dma_start3A_35 = tpu.memref_slice %arg9[%dma_start3A, %dma_start3A_34] : memref<50x128xi32, #tpu.memory_space<vmem>> -> memref<1x128xi32, #tpu.memory_space<vmem>>
    %dma_start3A_36 = tpu.memref_squeeze %dma_start3A_35 : memref<1x128xi32, #tpu.memory_space<vmem>> -> memref<128xi32, #tpu.memory_space<vmem>>
    %dma_start3A_37 = arith.constant 0 : i32
    %dma_start3A_38 = arith.constant 0 : i32
    %dma_start3A_39 = tpu.memref_slice %arg4[%dma_start3A_37, %dma_start3A_38] : memref<1000000x128xf32, #tpu.memory_space<hbm>> -> memref<1000000x128xf32, #tpu.memory_space<hbm>>
    tpu.enqueue_indirect_dma source(%dma_start3A_39 : memref<1000000x128xf32, #tpu.memory_space<hbm>>) target(%arg11 : memref<128x128xf32, #tpu.memory_space<vmem>>) offsets(%dma_start3A_36 : memref<128xi32, #tpu.memory_space<vmem>>) semaphore(%arg19 : memref<!tpu.dma_semaphore, #tpu.memory_space<semaphore_mem>>)
    %iota3A = tpu.iota {dimensions = array<i32: 0>} : vector<16xi32>
    %broadcast_in_dim3A = arith.constant 0 : i32
    %broadcast_in_dim3A_40 = vector.broadcast %broadcast_in_dim3A : i32 to vector<16xi32>
    %broadcast_in_dim3A_41 = arith.constant 1 : i32
    %broadcast_in_dim3A_42 = vector.broadcast %broadcast_in_dim3A_41 : i32 to vector<16xi32>
    %scan3A = arith.constant 0 : i32
    %scan3A_43 = arith.constant 7.812500e-03 : f32
    %scan3A_44 = arith.constant 0 : i32
    %scan3A_45 = arith.constant 25 : i32
    %scan3A_46 = arith.addi %scan3A_44, %scan3A_45 : i32
    %scan3A_47 = arith.constant 1 : i32
    scf.for %scan3A_60 = %scan3A_44 to %scan3A_46 step %scan3A_47  : i32 {
      %mul3A_61 = arith.constant 2 : i32
      %mul3A_62 = arith.muli %scan3A_60, %mul3A_61 : i32
      %add3A_63 = arith.constant 0 : i32
      %add3A_64 = arith.addi %mul3A_62, %add3A_63 : i32
      %dma_wait3A_65 = arith.constant 0 : i32
      %dma_wait3A_66 = tpu.memref_slice %arg9[%add3A_64, %dma_wait3A_65] : memref<50x128xi32, #tpu.memory_space<vmem>> -> memref<1x128xi32, #tpu.memory_space<vmem>>
      %dma_wait3A_67 = tpu.memref_squeeze %dma_wait3A_66 : memref<1x128xi32, #tpu.memory_space<vmem>> -> memref<128xi32, #tpu.memory_space<vmem>>
      %dma_wait3A_68 = arith.constant 0 : i32
      %dma_wait3A_69 = arith.constant 0 : i32
      %dma_wait3A_70 = tpu.memref_slice %arg4[%dma_wait3A_68, %dma_wait3A_69] : memref<1000000x128xf32, #tpu.memory_space<hbm>> -> memref<1000000x128xf32, #tpu.memory_space<hbm>>
      tpu.wait_indirect_dma semaphore(%arg19 : memref<!tpu.dma_semaphore, #tpu.memory_space<semaphore_mem>>) src(%dma_wait3A_70 : memref<1000000x128xf32, #tpu.memory_space<hbm>>) dst(%arg11 : memref<128x128xf32, #tpu.memory_space<vmem>>)
      %add3A_71 = arith.constant 1 : i32
      %add3A_72 = arith.addi %add3A_64, %add3A_71 : i32
      %lt3A = arith.constant 50 : i32
      %lt3A_73 = arith.cmpi slt, %add3A_72, %lt3A : i32
      %convert_element_type3A = arith.extui %lt3A_73 : i1 to i32
      %cond3A = arith.constant 0 : i32
      %cond3A_74 = arith.cmpi ne, %convert_element_type3A, %cond3A : i32
      scf.if %cond3A_74 {
        %ge3A = arith.constant 1 : i32
        %ge3A_106 = arith.cmpi sge, %add3A_64, %ge3A : i32
        %convert_element_type3A_107 = arith.extui %ge3A_106 : i1 to i32
        %cond3A_108 = arith.constant 0 : i32
        %cond3A_109 = arith.cmpi ne, %convert_element_type3A_107, %cond3A_108 : i32
        scf.if %cond3A_109 {
          %sub3A = arith.constant 1 : i32
          %sub3A_118 = arith.subi %add3A_64, %sub3A : i32
          %mul3A_119 = arith.constant 128 : i32
          %mul3A_120 = arith.muli %sub3A_118, %mul3A_119 : i32
          %add3A_121 = arith.addi %mul3A_2, %mul3A_120 : i32
          %dma_wait3A_122 = arith.constant 0 : i32
          %dma_wait3A_123 = tpu.memref_slice %arg8[%add3A_121, %dma_wait3A_122] : memref<204800x128xf32, #tpu.memory_space<hbm>> -> memref<128x128xf32, #tpu.memory_space<hbm>>
          %dma_wait3A_124 = arith.constant 0 : i32
          %dma_wait3A_125 = tpu.memref_slice %arg8[%add3A_121, %dma_wait3A_124] : memref<204800x128xf32, #tpu.memory_space<hbm>> -> memref<128x128xf32, #tpu.memory_space<hbm>>
          tpu.wait_dma2 semaphore(%arg22 : memref<!tpu.dma_semaphore, #tpu.memory_space<semaphore_mem>>) src(%arg12 : memref<128x128xf32, #tpu.memory_space<vmem>>) dst(%dma_wait3A_125 : memref<128x128xf32, #tpu.memory_space<hbm>>)
        } else {
        }
        %add3A_110 = arith.constant 1 : i32
        %add3A_111 = arith.addi %add3A_64, %add3A_110 : i32
        %dma_start3A_112 = arith.constant 0 : i32
        %dma_start3A_113 = tpu.memref_slice %arg9[%add3A_111, %dma_start3A_112] : memref<50x128xi32, #tpu.memory_space<vmem>> -> memref<1x128xi32, #tpu.memory_space<vmem>>
        %dma_start3A_114 = tpu.memref_squeeze %dma_start3A_113 : memref<1x128xi32, #tpu.memory_space<vmem>> -> memref<128xi32, #tpu.memory_space<vmem>>
        %dma_start3A_115 = arith.constant 0 : i32
        %dma_start3A_116 = arith.constant 0 : i32
        %dma_start3A_117 = tpu.memref_slice %arg4[%dma_start3A_115, %dma_start3A_116] : memref<1000000x128xf32, #tpu.memory_space<hbm>> -> memref<1000000x128xf32, #tpu.memory_space<hbm>>
        tpu.enqueue_indirect_dma source(%dma_start3A_117 : memref<1000000x128xf32, #tpu.memory_space<hbm>>) target(%arg12 : memref<128x128xf32, #tpu.memory_space<vmem>>) offsets(%dma_start3A_114 : memref<128xi32, #tpu.memory_space<vmem>>) semaphore(%arg20 : memref<!tpu.dma_semaphore, #tpu.memory_space<semaphore_mem>>)
      } else {
      }
      %broadcast_in_dim3A_75 = vector.broadcast %add3A_64 : i32 to vector<16xi32>
      %scan3A_76 = arith.constant 0 : i32
      %scan3A_77 = arith.constant 0 : i32
      %scan3A_78 = arith.constant 8 : i32
      %scan3A_79 = arith.addi %scan3A_77, %scan3A_78 : i32
      %scan3A_80 = arith.constant 1 : i32
      scf.for %scan3A_106 = %scan3A_77 to %scan3A_79 step %scan3A_80  : i32 {
        %mul3A_107 = arith.constant 16 : i32
        %mul3A_108 = arith.muli %scan3A_106, %mul3A_107 : i32
        %parallel_loop3A = arith.constant 0 : i32
        %parallel_loop3A_109 = arith.constant 16 : i32
        %parallel_loop3A_110 = arith.constant 1 : i32
        scf.for %parallel_loop3A_332 = %parallel_loop3A to %parallel_loop3A_109 step %parallel_loop3A_110  : i32 {
          %parallel_loop3A_333 = arith.addi %mul3A_108, %parallel_loop3A_332 : i32
          %parallel_loop3A_334 = vector.broadcast %parallel_loop3A_333 : i32 to vector<16xi32>
          %parallel_loop3A_335 = tpu.vector_load_idx %arg10[%broadcast_in_dim3A_75, %parallel_loop3A_334] : memref<50x128xi32, #tpu.memory_space<vmem>>[vector<16xi32>, vector<16xi32>], vector<16xi32>,
          %parallel_loop3A_336 = arith.index_cast %parallel_loop3A_333 : i32 to index
          %parallel_loop3A_337 = arith.constant 0 : index
          %parallel_loop3A_338 = tpu.vector_load %arg11[%parallel_loop3A_336, %parallel_loop3A_337] {strides = array<i32>} : memref<128x128xf32, #tpu.memory_space<vmem>>, vector<16xf32>,
          %parallel_loop3A_339 = arith.constant 0 : i32
          %parallel_loop3A_340 = vector.broadcast %parallel_loop3A_339 : i32 to vector<16xi32>
          %parallel_loop3A_341 = arith.addi %iota3A, %parallel_loop3A_340 : vector<16xi32>
          %parallel_loop3A_342 = tpu.vector_load_idx %arg13[%parallel_loop3A_335, %parallel_loop3A_341] : memref<512x128xf32, #tpu.memory_space<vmem>>[vector<16xi32>, vector<16xi32>], vector<16xf32>,
          %parallel_loop3A_343 = arith.addf %parallel_loop3A_338, %parallel_loop3A_342 : vector<16xf32>
          %parallel_loop3A_344 = arith.index_cast %parallel_loop3A_333 : i32 to index
          %parallel_loop3A_345 = arith.constant 16 : index
          %parallel_loop3A_346 = tpu.vector_load %arg11[%parallel_loop3A_344, %parallel_loop3A_345] {strides = array<i32>} : memref<128x128xf32, #tpu.memory_space<vmem>>, vector<16xf32>,
          %parallel_loop3A_347 = arith.constant 16 : i32
          %parallel_loop3A_348 = vector.broadcast %parallel_loop3A_347 : i32 to vector<16xi32>
          %parallel_loop3A_349 = arith.addi %iota3A, %parallel_loop3A_348 : vector<16xi32>
          %parallel_loop3A_350 = tpu.vector_load_idx %arg13[%parallel_loop3A_335, %parallel_loop3A_349] : memref<512x128xf32, #tpu.memory_space<vmem>>[vector<16xi32>, vector<16xi32>], vector<16xf32>,
          %parallel_loop3A_351 = arith.addf %parallel_loop3A_346, %parallel_loop3A_350 : vector<16xf32>
          %parallel_loop3A_352 = arith.index_cast %parallel_loop3A_333 : i32 to index
          %parallel_loop3A_353 = arith.constant 32 : index
          %parallel_loop3A_354 = tpu.vector_load %arg11[%parallel_loop3A_352, %parallel_loop3A_353] {strides = array<i32>} : memref<128x128xf32, #tpu.memory_space<vmem>>, vector<16xf32>,
          %parallel_loop3A_355 = arith.constant 32 : i32
          %parallel_loop3A_356 = vector.broadcast %parallel_loop3A_355 : i32 to vector<16xi32>
          %parallel_loop3A_357 = arith.addi %iota3A, %parallel_loop3A_356 : vector<16xi32>
          %parallel_loop3A_358 = tpu.vector_load_idx %arg13[%parallel_loop3A_335, %parallel_loop3A_357] : memref<512x128xf32, #tpu.memory_space<vmem>>[vector<16xi32>, vector<16xi32>], vector<16xf32>,
          %parallel_loop3A_359 = arith.addf %parallel_loop3A_354, %parallel_loop3A_358 : vector<16xf32>
          %parallel_loop3A_360 = arith.index_cast %parallel_loop3A_333 : i32 to index
          %parallel_loop3A_361 = arith.constant 48 : index
          %parallel_loop3A_362 = tpu.vector_load %arg11[%parallel_loop3A_360, %parallel_loop3A_361] {strides = array<i32>} : memref<128x128xf32, #tpu.memory_space<vmem>>, vector<16xf32>,
          %parallel_loop3A_363 = arith.constant 48 : i32
          %parallel_loop3A_364 = vector.broadcast %parallel_loop3A_363 : i32 to vector<16xi32>
          %parallel_loop3A_365 = arith.addi %iota3A, %parallel_loop3A_364 : vector<16xi32>
          %parallel_loop3A_366 = tpu.vector_load_idx %arg13[%parallel_loop3A_335, %parallel_loop3A_365] : memref<512x128xf32, #tpu.memory_space<vmem>>[vector<16xi32>, vector<16xi32>], vector<16xf32>,
          %parallel_loop3A_367 = arith.addf %parallel_loop3A_362, %parallel_loop3A_366 : vector<16xf32>
          %parallel_loop3A_368 = arith.index_cast %parallel_loop3A_333 : i32 to index
          %parallel_loop3A_369 = arith.constant 64 : index
          %parallel_loop3A_370 = tpu.vector_load %arg11[%parallel_loop3A_368, %parallel_loop3A_369] {strides = array<i32>} : memref<128x128xf32, #tpu.memory_space<vmem>>, vector<16xf32>,
          %parallel_loop3A_371 = arith.constant 64 : i32
          %parallel_loop3A_372 = vector.broadcast %parallel_loop3A_371 : i32 to vector<16xi32>
          %parallel_loop3A_373 = arith.addi %iota3A, %parallel_loop3A_372 : vector<16xi32>
          %parallel_loop3A_374 = tpu.vector_load_idx %arg13[%parallel_loop3A_335, %parallel_loop3A_373] : memref<512x128xf32, #tpu.memory_space<vmem>>[vector<16xi32>, vector<16xi32>], vector<16xf32>,
          %parallel_loop3A_375 = arith.addf %parallel_loop3A_370, %parallel_loop3A_374 : vector<16xf32>
          %parallel_loop3A_376 = arith.index_cast %parallel_loop3A_333 : i32 to index
          %parallel_loop3A_377 = arith.constant 80 : index
          %parallel_loop3A_378 = tpu.vector_load %arg11[%parallel_loop3A_376, %parallel_loop3A_377] {strides = array<i32>} : memref<128x128xf32, #tpu.memory_space<vmem>>, vector<16xf32>,
          %parallel_loop3A_379 = arith.constant 80 : i32
          %parallel_loop3A_380 = vector.broadcast %parallel_loop3A_379 : i32 to vector<16xi32>
          %parallel_loop3A_381 = arith.addi %iota3A, %parallel_loop3A_380 : vector<16xi32>
          %parallel_loop3A_382 = tpu.vector_load_idx %arg13[%parallel_loop3A_335, %parallel_loop3A_381] : memref<512x128xf32, #tpu.memory_space<vmem>>[vector<16xi32>, vector<16xi32>], vector<16xf32>,
          %parallel_loop3A_383 = arith.addf %parallel_loop3A_378, %parallel_loop3A_382 : vector<16xf32>
          %parallel_loop3A_384 = arith.index_cast %parallel_loop3A_333 : i32 to index
          %parallel_loop3A_385 = arith.constant 96 : index
          %parallel_loop3A_386 = tpu.vector_load %arg11[%parallel_loop3A_384, %parallel_loop3A_385] {strides = array<i32>} : memref<128x128xf32, #tpu.memory_space<vmem>>, vector<16xf32>,
          %parallel_loop3A_387 = arith.constant 96 : i32
          %parallel_loop3A_388 = vector.broadcast %parallel_loop3A_387 : i32 to vector<16xi32>
          %parallel_loop3A_389 = arith.addi %iota3A, %parallel_loop3A_388 : vector<16xi32>
          %parallel_loop3A_390 = tpu.vector_load_idx %arg13[%parallel_loop3A_335, %parallel_loop3A_389] : memref<512x128xf32, #tpu.memory_space<vmem>>[vector<16xi32>, vector<16xi32>], vector<16xf32>,
          %parallel_loop3A_391 = arith.addf %parallel_loop3A_386, %parallel_loop3A_390 : vector<16xf32>
          %parallel_loop3A_392 = arith.index_cast %parallel_loop3A_333 : i32 to index
          %parallel_loop3A_393 = arith.constant 112 : index
          %parallel_loop3A_394 = tpu.vector_load %arg11[%parallel_loop3A_392, %parallel_loop3A_393] {strides = array<i32>} : memref<128x128xf32, #tpu.memory_space<vmem>>, vector<16xf32>,
          %parallel_loop3A_395 = arith.constant 112 : i32
          %parallel_loop3A_396 = vector.broadcast %parallel_loop3A_395 : i32 to vector<16xi32>
          %parallel_loop3A_397 = arith.addi %iota3A, %parallel_loop3A_396 : vector<16xi32>
          %parallel_loop3A_398 = tpu.vector_load_idx %arg13[%parallel_loop3A_335, %parallel_loop3A_397] : memref<512x128xf32, #tpu.memory_space<vmem>>[vector<16xi32>, vector<16xi32>], vector<16xf32>,
          %parallel_loop3A_399 = arith.addf %parallel_loop3A_394, %parallel_loop3A_398 : vector<16xf32>
          %parallel_loop3A_400 = arith.index_cast %parallel_loop3A_333 : i32 to index
          %parallel_loop3A_401 = arith.constant 0 : index
          %parallel_loop3A_402 = tpu.vector_load %arg11[%parallel_loop3A_400, %parallel_loop3A_401] {strides = array<i32>} : memref<128x128xf32, #tpu.memory_space<vmem>>, vector<16xf32>,
          tpu.vector_store %arg11[%parallel_loop3A_400, %parallel_loop3A_401], %parallel_loop3A_343 {strides = array<i32>} : memref<128x128xf32, #tpu.memory_space<vmem>>, vector<16xf32>,
          %parallel_loop3A_403 = arith.index_cast %parallel_loop3A_333 : i32 to index
          %parallel_loop3A_404 = arith.constant 16 : index
          %parallel_loop3A_405 = tpu.vector_load %arg11[%parallel_loop3A_403, %parallel_loop3A_404] {strides = array<i32>} : memref<128x128xf32, #tpu.memory_space<vmem>>, vector<16xf32>,
          tpu.vector_store %arg11[%parallel_loop3A_403, %parallel_loop3A_404], %parallel_loop3A_351 {strides = array<i32>} : memref<128x128xf32, #tpu.memory_space<vmem>>, vector<16xf32>,
          %parallel_loop3A_406 = arith.index_cast %parallel_loop3A_333 : i32 to index
          %parallel_loop3A_407 = arith.constant 32 : index
          %parallel_loop3A_408 = tpu.vector_load %arg11[%parallel_loop3A_406, %parallel_loop3A_407] {strides = array<i32>} : memref<128x128xf32, #tpu.memory_space<vmem>>, vector<16xf32>,
          tpu.vector_store %arg11[%parallel_loop3A_406, %parallel_loop3A_407], %parallel_loop3A_359 {strides = array<i32>} : memref<128x128xf32, #tpu.memory_space<vmem>>, vector<16xf32>,
          %parallel_loop3A_409 = arith.index_cast %parallel_loop3A_333 : i32 to index
          %parallel_loop3A_410 = arith.constant 48 : index
          %parallel_loop3A_411 = tpu.vector_load %arg11[%parallel_loop3A_409, %parallel_loop3A_410] {strides = array<i32>} : memref<128x128xf32, #tpu.memory_space<vmem>>, vector<16xf32>,
          tpu.vector_store %arg11[%parallel_loop3A_409, %parallel_loop3A_410], %parallel_loop3A_367 {strides = array<i32>} : memref<128x128xf32, #tpu.memory_space<vmem>>, vector<16xf32>,
          %parallel_loop3A_412 = arith.index_cast %parallel_loop3A_333 : i32 to index
          %parallel_loop3A_413 = arith.constant 64 : index
          %parallel_loop3A_414 = tpu.vector_load %arg11[%parallel_loop3A_412, %parallel_loop3A_413] {strides = array<i32>} : memref<128x128xf32, #tpu.memory_space<vmem>>, vector<16xf32>,
          tpu.vector_store %arg11[%parallel_loop3A_412, %parallel_loop3A_413], %parallel_loop3A_375 {strides = array<i32>} : memref<128x128xf32, #tpu.memory_space<vmem>>, vector<16xf32>,
          %parallel_loop3A_415 = arith.index_cast %parallel_loop3A_333 : i32 to index
          %parallel_loop3A_416 = arith.constant 80 : index
          %parallel_loop3A_417 = tpu.vector_load %arg11[%parallel_loop3A_415, %parallel_loop3A_416] {strides = array<i32>} : memref<128x128xf32, #tpu.memory_space<vmem>>, vector<16xf32>,
          tpu.vector_store %arg11[%parallel_loop3A_415, %parallel_loop3A_416], %parallel_loop3A_383 {strides = array<i32>} : memref<128x128xf32, #tpu.memory_space<vmem>>, vector<16xf32>,
          %parallel_loop3A_418 = arith.index_cast %parallel_loop3A_333 : i32 to index
          %parallel_loop3A_419 = arith.constant 96 : index
          %parallel_loop3A_420 = tpu.vector_load %arg11[%parallel_loop3A_418, %parallel_loop3A_419] {strides = array<i32>} : memref<128x128xf32, #tpu.memory_space<vmem>>, vector<16xf32>,
          tpu.vector_store %arg11[%parallel_loop3A_418, %parallel_loop3A_419], %parallel_loop3A_391 {strides = array<i32>} : memref<128x128xf32, #tpu.memory_space<vmem>>, vector<16xf32>,
          %parallel_loop3A_421 = arith.index_cast %parallel_loop3A_333 : i32 to index
          %parallel_loop3A_422 = arith.constant 112 : index
          %parallel_loop3A_423 = tpu.vector_load %arg11[%parallel_loop3A_421, %parallel_loop3A_422] {strides = array<i32>} : memref<128x128xf32, #tpu.memory_space<vmem>>, vector<16xf32>,
          tpu.vector_store %arg11[%parallel_loop3A_421, %parallel_loop3A_422], %parallel_loop3A_399 {strides = array<i32>} : memref<128x128xf32, #tpu.memory_space<vmem>>, vector<16xf32>,
          %parallel_loop3A_424 = vector.broadcast %parallel_loop3A_332 : i32 to vector<16xi32>
          %parallel_loop3A_425 = arith.addf %parallel_loop3A_343, %parallel_loop3A_351 : vector<16xf32>
          %parallel_loop3A_426 = arith.addf %parallel_loop3A_359, %parallel_loop3A_367 : vector<16xf32>
          %parallel_loop3A_427 = arith.addf %parallel_loop3A_375, %parallel_loop3A_383 : vector<16xf32>
          %parallel_loop3A_428 = arith.addf %parallel_loop3A_391, %parallel_loop3A_399 : vector<16xf32>
          %parallel_loop3A_429 = arith.addf %parallel_loop3A_425, %parallel_loop3A_426 : vector<16xf32>
          %parallel_loop3A_430 = arith.addf %parallel_loop3A_427, %parallel_loop3A_428 : vector<16xf32>
          %parallel_loop3A_431 = arith.addf %parallel_loop3A_429, %parallel_loop3A_430 : vector<16xf32>
          tpu.vector_store_idx %arg16[%iota3A, %parallel_loop3A_424], %parallel_loop3A_431 : memref<16x17xf32, #tpu.memory_space<vmem>>[vector<16xi32>, vector<16xi32>], vector<16xf32>,
          %parallel_loop3A_432 = arith.mulf %parallel_loop3A_343, %parallel_loop3A_343 : vector<16xf32>
          %parallel_loop3A_433 = arith.mulf %parallel_loop3A_351, %parallel_loop3A_351 : vector<16xf32>
          %parallel_loop3A_434 = arith.mulf %parallel_loop3A_359, %parallel_loop3A_359 : vector<16xf32>
          %parallel_loop3A_435 = arith.mulf %parallel_loop3A_367, %parallel_loop3A_367 : vector<16xf32>
          %parallel_loop3A_436 = arith.mulf %parallel_loop3A_375, %parallel_loop3A_375 : vector<16xf32>
          %parallel_loop3A_437 = arith.mulf %parallel_loop3A_383, %parallel_loop3A_383 : vector<16xf32>
          %parallel_loop3A_438 = arith.mulf %parallel_loop3A_391, %parallel_loop3A_391 : vector<16xf32>
          %parallel_loop3A_439 = arith.mulf %parallel_loop3A_399, %parallel_loop3A_399 : vector<16xf32>
          %parallel_loop3A_440 = arith.addf %parallel_loop3A_432, %parallel_loop3A_433 : vector<16xf32>
          %parallel_loop3A_441 = arith.addf %parallel_loop3A_434, %parallel_loop3A_435 : vector<16xf32>
          %parallel_loop3A_442 = arith.addf %parallel_loop3A_436, %parallel_loop3A_437 : vector<16xf32>
          %parallel_loop3A_443 = arith.addf %parallel_loop3A_438, %parallel_loop3A_439 : vector<16xf32>
          %parallel_loop3A_444 = arith.addf %parallel_loop3A_440, %parallel_loop3A_441 : vector<16xf32>
          %parallel_loop3A_445 = arith.addf %parallel_loop3A_442, %parallel_loop3A_443 : vector<16xf32>
          %parallel_loop3A_446 = arith.addf %parallel_loop3A_444, %parallel_loop3A_445 : vector<16xf32>
          tpu.vector_store_idx %arg17[%iota3A, %parallel_loop3A_424], %parallel_loop3A_446 : memref<16x17xf32, #tpu.memory_space<vmem>>[vector<16xi32>, vector<16xi32>], vector<16xf32>,
        } {sc.loop_unroll_factor = 8 : i64, sc.parallel_access}
        %get3A_111 = arith.constant 0 : i32
        %get3A_112 = arith.index_cast %get3A_111 : i32 to index
        %get3A_113 = arith.constant 0 : index
        %get3A_114 = tpu.vector_load %arg16[%get3A_112, %get3A_113] {strides = array<i32>} : memref<16x17xf32, #tpu.memory_space<vmem>>, vector<16xf32>,
        %get3A_115 = arith.constant 1 : i32
        %get3A_116 = arith.index_cast %get3A_115 : i32 to index
        %get3A_117 = arith.constant 0 : index
        %get3A_118 = tpu.vector_load %arg16[%get3A_116, %get3A_117] {strides = array<i32>} : memref<16x17xf32, #tpu.memory_space<vmem>>, vector<16xf32>,
        %get3A_119 = arith.constant 2 : i32
        %get3A_120 = arith.index_cast %get3A_119 : i32 to index
        %get3A_121 = arith.constant 0 : index
        %get3A_122 = tpu.vector_load %arg16[%get3A_120, %get3A_121] {strides = array<i32>} : memref<16x17xf32, #tpu.memory_space<vmem>>, vector<16xf32>,
        %get3A_123 = arith.constant 3 : i32
        %get3A_124 = arith.index_cast %get3A_123 : i32 to index
        %get3A_125 = arith.constant 0 : index
        %get3A_126 = tpu.vector_load %arg16[%get3A_124, %get3A_125] {strides = array<i32>} : memref<16x17xf32, #tpu.memory_space<vmem>>, vector<16xf32>,
        %get3A_127 = arith.constant 4 : i32
        %get3A_128 = arith.index_cast %get3A_127 : i32 to index
        %get3A_129 = arith.constant 0 : index
        %get3A_130 = tpu.vector_load %arg16[%get3A_128, %get3A_129] {strides = array<i32>} : memref<16x17xf32, #tpu.memory_space<vmem>>, vector<16xf32>,
        %get3A_131 = arith.constant 5 : i32
        %get3A_132 = arith.index_cast %get3A_131 : i32 to index
        %get3A_133 = arith.constant 0 : index
        %get3A_134 = tpu.vector_load %arg16[%get3A_132, %get3A_133] {strides = array<i32>} : memref<16x17xf32, #tpu.memory_space<vmem>>, vector<16xf32>,
        %get3A_135 = arith.constant 6 : i32
        %get3A_136 = arith.index_cast %get3A_135 : i32 to index
        %get3A_137 = arith.constant 0 : index
        %get3A_138 = tpu.vector_load %arg16[%get3A_136, %get3A_137] {strides = array<i32>} : memref<16x17xf32, #tpu.memory_space<vmem>>, vector<16xf32>,
        %get3A_139 = arith.constant 7 : i32
        %get3A_140 = arith.index_cast %get3A_139 : i32 to index
        %get3A_141 = arith.constant 0 : index
        %get3A_142 = tpu.vector_load %arg16[%get3A_140, %get3A_141] {strides = array<i32>} : memref<16x17xf32, #tpu.memory_space<vmem>>, vector<16xf32>,
        %get3A_143 = arith.constant 8 : i32
        %get3A_144 = arith.index_cast %get3A_143 : i32 to index
        %get3A_145 = arith.constant 0 : index
        %get3A_146 = tpu.vector_load %arg16[%get3A_144, %get3A_145] {strides = array<i32>} : memref<16x17xf32, #tpu.memory_space<vmem>>, vector<16xf32>,
        %get3A_147 = arith.constant 9 : i32
        %get3A_148 = arith.index_cast %get3A_147 : i32 to index
        %get3A_149 = arith.constant 0 : index
        %get3A_150 = tpu.vector_load %arg16[%get3A_148, %get3A_149] {strides = array<i32>} : memref<16x17xf32, #tpu.memory_space<vmem>>, vector<16xf32>,
        %get3A_151 = arith.constant 10 : i32
        %get3A_152 = arith.index_cast %get3A_151 : i32 to index
        %get3A_153 = arith.constant 0 : index
        %get3A_154 = tpu.vector_load %arg16[%get3A_152, %get3A_153] {strides = array<i32>} : memref<16x17xf32, #tpu.memory_space<vmem>>, vector<16xf32>,
        %get3A_155 = arith.constant 11 : i32
        %get3A_156 = arith.index_cast %get3A_155 : i32 to index
        %get3A_157 = arith.constant 0 : index
        %get3A_158 = tpu.vector_load %arg16[%get3A_156, %get3A_157] {strides = array<i32>} : memref<16x17xf32, #tpu.memory_space<vmem>>, vector<16xf32>,
        %get3A_159 = arith.constant 12 : i32
        %get3A_160 = arith.index_cast %get3A_159 : i32 to index
        %get3A_161 = arith.constant 0 : index
        %get3A_162 = tpu.vector_load %arg16[%get3A_160, %get3A_161] {strides = array<i32>} : memref<16x17xf32, #tpu.memory_space<vmem>>, vector<16xf32>,
        %get3A_163 = arith.constant 13 : i32
        %get3A_164 = arith.index_cast %get3A_163 : i32 to index
        %get3A_165 = arith.constant 0 : index
        %get3A_166 = tpu.vector_load %arg16[%get3A_164, %get3A_165] {strides = array<i32>} : memref<16x17xf32, #tpu.memory_space<vmem>>, vector<16xf32>,
        %get3A_167 = arith.constant 14 : i32
        %get3A_168 = arith.index_cast %get3A_167 : i32 to index
        %get3A_169 = arith.constant 0 : index
        %get3A_170 = tpu.vector_load %arg16[%get3A_168, %get3A_169] {strides = array<i32>} : memref<16x17xf32, #tpu.memory_space<vmem>>, vector<16xf32>,
        %get3A_171 = arith.constant 15 : i32
        %get3A_172 = arith.index_cast %get3A_171 : i32 to index
        %get3A_173 = arith.constant 0 : index
        %get3A_174 = tpu.vector_load %arg16[%get3A_172, %get3A_173] {strides = array<i32>} : memref<16x17xf32, #tpu.memory_space<vmem>>, vector<16xf32>,
        %add3A_175 = arith.addf %get3A_114, %get3A_118 : vector<16xf32>
        %add3A_176 = arith.addf %get3A_122, %get3A_126 : vector<16xf32>
        %add3A_177 = arith.addf %get3A_130, %get3A_134 : vector<16xf32>
        %add3A_178 = arith.addf %get3A_138, %get3A_142 : vector<16xf32>
        %add3A_179 = arith.addf %get3A_146, %get3A_150 : vector<16xf32>
        %add3A_180 = arith.addf %get3A_154, %get3A_158 : vector<16xf32>
        %add3A_181 = arith.addf %get3A_162, %get3A_166 : vector<16xf32>
        %add3A_182 = arith.addf %get3A_170, %get3A_174 : vector<16xf32>
        %add3A_183 = arith.addf %add3A_175, %add3A_176 : vector<16xf32>
        %add3A_184 = arith.addf %add3A_177, %add3A_178 : vector<16xf32>
        %add3A_185 = arith.addf %add3A_179, %add3A_180 : vector<16xf32>
        %add3A_186 = arith.addf %add3A_181, %add3A_182 : vector<16xf32>
        %add3A_187 = arith.addf %add3A_183, %add3A_184 : vector<16xf32>
        %add3A_188 = arith.addf %add3A_185, %add3A_186 : vector<16xf32>
        %add3A_189 = arith.addf %add3A_187, %add3A_188 : vector<16xf32>
        %get3A_190 = arith.constant 0 : i32
        %get3A_191 = arith.index_cast %get3A_190 : i32 to index
        %get3A_192 = arith.constant 0 : index
        %get3A_193 = tpu.vector_load %arg17[%get3A_191, %get3A_192] {strides = array<i32>} : memref<16x17xf32, #tpu.memory_space<vmem>>, vector<16xf32>,
        %get3A_194 = arith.constant 1 : i32
        %get3A_195 = arith.index_cast %get3A_194 : i32 to index
        %get3A_196 = arith.constant 0 : index
        %get3A_197 = tpu.vector_load %arg17[%get3A_195, %get3A_196] {strides = array<i32>} : memref<16x17xf32, #tpu.memory_space<vmem>>, vector<16xf32>,
        %get3A_198 = arith.constant 2 : i32
        %get3A_199 = arith.index_cast %get3A_198 : i32 to index
        %get3A_200 = arith.constant 0 : index
        %get3A_201 = tpu.vector_load %arg17[%get3A_199, %get3A_200] {strides = array<i32>} : memref<16x17xf32, #tpu.memory_space<vmem>>, vector<16xf32>,
        %get3A_202 = arith.constant 3 : i32
        %get3A_203 = arith.index_cast %get3A_202 : i32 to index
        %get3A_204 = arith.constant 0 : index
        %get3A_205 = tpu.vector_load %arg17[%get3A_203, %get3A_204] {strides = array<i32>} : memref<16x17xf32, #tpu.memory_space<vmem>>, vector<16xf32>,
        %get3A_206 = arith.constant 4 : i32
        %get3A_207 = arith.index_cast %get3A_206 : i32 to index
        %get3A_208 = arith.constant 0 : index
        %get3A_209 = tpu.vector_load %arg17[%get3A_207, %get3A_208] {strides = array<i32>} : memref<16x17xf32, #tpu.memory_space<vmem>>, vector<16xf32>,
        %get3A_210 = arith.constant 5 : i32
        %get3A_211 = arith.index_cast %get3A_210 : i32 to index
        %get3A_212 = arith.constant 0 : index
        %get3A_213 = tpu.vector_load %arg17[%get3A_211, %get3A_212] {strides = array<i32>} : memref<16x17xf32, #tpu.memory_space<vmem>>, vector<16xf32>,
        %get3A_214 = arith.constant 6 : i32
        %get3A_215 = arith.index_cast %get3A_214 : i32 to index
        %get3A_216 = arith.constant 0 : index
        %get3A_217 = tpu.vector_load %arg17[%get3A_215, %get3A_216] {strides = array<i32>} : memref<16x17xf32, #tpu.memory_space<vmem>>, vector<16xf32>,
        %get3A_218 = arith.constant 7 : i32
        %get3A_219 = arith.index_cast %get3A_218 : i32 to index
        %get3A_220 = arith.constant 0 : index
        %get3A_221 = tpu.vector_load %arg17[%get3A_219, %get3A_220] {strides = array<i32>} : memref<16x17xf32, #tpu.memory_space<vmem>>, vector<16xf32>,
        %get3A_222 = arith.constant 8 : i32
        %get3A_223 = arith.index_cast %get3A_222 : i32 to index
        %get3A_224 = arith.constant 0 : index
        %get3A_225 = tpu.vector_load %arg17[%get3A_223, %get3A_224] {strides = array<i32>} : memref<16x17xf32, #tpu.memory_space<vmem>>, vector<16xf32>,
        %get3A_226 = arith.constant 9 : i32
        %get3A_227 = arith.index_cast %get3A_226 : i32 to index
        %get3A_228 = arith.constant 0 : index
        %get3A_229 = tpu.vector_load %arg17[%get3A_227, %get3A_228] {strides = array<i32>} : memref<16x17xf32, #tpu.memory_space<vmem>>, vector<16xf32>,
        %get3A_230 = arith.constant 10 : i32
        %get3A_231 = arith.index_cast %get3A_230 : i32 to index
        %get3A_232 = arith.constant 0 : index
        %get3A_233 = tpu.vector_load %arg17[%get3A_231, %get3A_232] {strides = array<i32>} : memref<16x17xf32, #tpu.memory_space<vmem>>, vector<16xf32>,
        %get3A_234 = arith.constant 11 : i32
        %get3A_235 = arith.index_cast %get3A_234 : i32 to index
        %get3A_236 = arith.constant 0 : index
        %get3A_237 = tpu.vector_load %arg17[%get3A_235, %get3A_236] {strides = array<i32>} : memref<16x17xf32, #tpu.memory_space<vmem>>, vector<16xf32>,
        %get3A_238 = arith.constant 12 : i32
        %get3A_239 = arith.index_cast %get3A_238 : i32 to index
        %get3A_240 = arith.constant 0 : index
        %get3A_241 = tpu.vector_load %arg17[%get3A_239, %get3A_240] {strides = array<i32>} : memref<16x17xf32, #tpu.memory_space<vmem>>, vector<16xf32>,
        %get3A_242 = arith.constant 13 : i32
        %get3A_243 = arith.index_cast %get3A_242 : i32 to index
        %get3A_244 = arith.constant 0 : index
        %get3A_245 = tpu.vector_load %arg17[%get3A_243, %get3A_244] {strides = array<i32>} : memref<16x17xf32, #tpu.memory_space<vmem>>, vector<16xf32>,
        %get3A_246 = arith.constant 14 : i32
        %get3A_247 = arith.index_cast %get3A_246 : i32 to index
        %get3A_248 = arith.constant 0 : index
        %get3A_249 = tpu.vector_load %arg17[%get3A_247, %get3A_248] {strides = array<i32>} : memref<16x17xf32, #tpu.memory_space<vmem>>, vector<16xf32>,
        %get3A_250 = arith.constant 15 : i32
        %get3A_251 = arith.index_cast %get3A_250 : i32 to index
        %get3A_252 = arith.constant 0 : index
        %get3A_253 = tpu.vector_load %arg17[%get3A_251, %get3A_252] {strides = array<i32>} : memref<16x17xf32, #tpu.memory_space<vmem>>, vector<16xf32>,
        %add3A_254 = arith.addf %get3A_193, %get3A_197 : vector<16xf32>
        %add3A_255 = arith.addf %get3A_201, %get3A_205 : vector<16xf32>
        %add3A_256 = arith.addf %get3A_209, %get3A_213 : vector<16xf32>
        %add3A_257 = arith.addf %get3A_217, %get3A_221 : vector<16xf32>
        %add3A_258 = arith.addf %get3A_225, %get3A_229 : vector<16xf32>
        %add3A_259 = arith.addf %get3A_233, %get3A_237 : vector<16xf32>
        %add3A_260 = arith.addf %get3A_241, %get3A_245 : vector<16xf32>
        %add3A_261 = arith.addf %get3A_249, %get3A_253 : vector<16xf32>
        %add3A_262 = arith.addf %add3A_254, %add3A_255 : vector<16xf32>
        %add3A_263 = arith.addf %add3A_256, %add3A_257 : vector<16xf32>
        %add3A_264 = arith.addf %add3A_258, %add3A_259 : vector<16xf32>
        %add3A_265 = arith.addf %add3A_260, %add3A_261 : vector<16xf32>
        %add3A_266 = arith.addf %add3A_262, %add3A_263 : vector<16xf32>
        %add3A_267 = arith.addf %add3A_264, %add3A_265 : vector<16xf32>
        %add3A_268 = arith.addf %add3A_266, %add3A_267 : vector<16xf32>
        %mul3A_269 = vector.broadcast %scan3A_43 : f32 to vector<16xf32>
        %mul3A_270 = arith.mulf %add3A_189, %mul3A_269 : vector<16xf32>
        %mul3A_271 = vector.broadcast %scan3A_43 : f32 to vector<16xf32>
        %mul3A_272 = arith.mulf %add3A_268, %mul3A_271 : vector<16xf32>
        %mul3A_273 = arith.mulf %mul3A_270, %mul3A_270 : vector<16xf32>
        %sub3A = arith.subf %mul3A_272, %mul3A_273 : vector<16xf32>
        %add3A_274 = arith.constant 9.99999996E-13 : f32
        %add3A_275 = vector.broadcast %add3A_274 : f32 to vector<16xf32>
        %add3A_276 = arith.addf %sub3A, %add3A_275 : vector<16xf32>
        %bitcast3A = vector.bitcast %add3A_276 : vector<16xf32> to vector<16xi32>
        %shift_right_arithmetic3A = arith.constant 1 : i32
        %shift_right_arithmetic3A_277 = vector.broadcast %shift_right_arithmetic3A : i32 to vector<16xi32>
        %shift_right_arithmetic3A_278 = arith.shrsi %bitcast3A, %shift_right_arithmetic3A_277 : vector<16xi32>
        %sub3A_279 = arith.constant 1597463007 : i32
        %sub3A_280 = vector.broadcast %sub3A_279 : i32 to vector<16xi32>
        %sub3A_281 = arith.subi %sub3A_280, %shift_right_arithmetic3A_278 : vector<16xi32>
        %bitcast3A_282 = vector.bitcast %sub3A_281 : vector<16xi32> to vector<16xf32>
        %mul3A_283 = arith.constant 5.000000e-01 : f32
        %mul3A_284 = vector.broadcast %mul3A_283 : f32 to vector<16xf32>
        %mul3A_285 = arith.mulf %mul3A_284, %add3A_276 : vector<16xf32>
        %mul3A_286 = arith.mulf %mul3A_285, %bitcast3A_282 : vector<16xf32>
        %mul3A_287 = arith.mulf %mul3A_286, %bitcast3A_282 : vector<16xf32>
        %sub3A_288 = arith.constant 1.500000e+00 : f32
        %sub3A_289 = vector.broadcast %sub3A_288 : f32 to vector<16xf32>
        %sub3A_290 = arith.subf %sub3A_289, %mul3A_287 : vector<16xf32>
        %mul3A_291 = arith.mulf %bitcast3A_282, %sub3A_290 : vector<16xf32>
        %mul3A_292 = arith.constant 5.000000e-01 : f32
        %mul3A_293 = vector.broadcast %mul3A_292 : f32 to vector<16xf32>
        %mul3A_294 = arith.mulf %mul3A_293, %add3A_276 : vector<16xf32>
        %mul3A_295 = arith.mulf %mul3A_294, %mul3A_291 : vector<16xf32>
        %mul3A_296 = arith.mulf %mul3A_295, %mul3A_291 : vector<16xf32>
        %sub3A_297 = arith.constant 1.500000e+00 : f32
        %sub3A_298 = vector.broadcast %sub3A_297 : f32 to vector<16xf32>
        %sub3A_299 = arith.subf %sub3A_298, %mul3A_296 : vector<16xf32>
        %mul3A_300 = arith.mulf %mul3A_291, %sub3A_299 : vector<16xf32>
        %mul3A_301 = arith.constant 5.000000e-01 : f32
        %mul3A_302 = vector.broadcast %mul3A_301 : f32 to vector<16xf32>
        %mul3A_303 = arith.mulf %mul3A_302, %add3A_276 : vector<16xf32>
        %mul3A_304 = arith.mulf %mul3A_303, %mul3A_300 : vector<16xf32>
        %mul3A_305 = arith.mulf %mul3A_304, %mul3A_300 : vector<16xf32>
        %sub3A_306 = arith.constant 1.500000e+00 : f32
        %sub3A_307 = vector.broadcast %sub3A_306 : f32 to vector<16xf32>
        %sub3A_308 = arith.subf %sub3A_307, %mul3A_305 : vector<16xf32>
        %mul3A_309 = arith.mulf %mul3A_300, %sub3A_308 : vector<16xf32>
        %swap3A = arith.constant 0 : i32
        %swap3A_310 = arith.index_cast %swap3A : i32 to index
        %swap3A_311 = arith.constant 0 : index
        %swap3A_312 = tpu.vector_load %arg18[%swap3A_310, %swap3A_311] {strides = array<i32>} : memref<2x17xf32, #tpu.memory_space<vmem>>, vector<16xf32>,
        tpu.vector_store %arg18[%swap3A_310, %swap3A_311], %mul3A_270 {strides = array<i32>} : memref<2x17xf32, #tpu.memory_space<vmem>>, vector<16xf32>,
        %swap3A_313 = arith.constant 1 : i32
        %swap3A_314 = arith.index_cast %swap3A_313 : i32 to index
        %swap3A_315 = arith.constant 0 : index
        %swap3A_316 = tpu.vector_load %arg18[%swap3A_314, %swap3A_315] {strides = array<i32>} : memref<2x17xf32, #tpu.memory_space<vmem>>, vector<16xf32>,
        tpu.vector_store %arg18[%swap3A_314, %swap3A_315], %mul3A_309 {strides = array<i32>} : memref<2x17xf32, #tpu.memory_space<vmem>>, vector<16xf32>,
        %parallel_loop3A_317 = arith.constant 0 : i32
        %parallel_loop3A_318 = arith.constant 16 : i32
        %parallel_loop3A_319 = arith.constant 1 : i32
        scf.for %parallel_loop3A_332 = %parallel_loop3A_317 to %parallel_loop3A_318 step %parallel_loop3A_319  : i32 {
          %parallel_loop3A_333 = arith.addi %mul3A_108, %parallel_loop3A_332 : i32
          %parallel_loop3A_334 = vector.broadcast %parallel_loop3A_332 : i32 to vector<16xi32>
          %parallel_loop3A_335 = tpu.vector_load_idx %arg18[%broadcast_in_dim3A_40, %parallel_loop3A_334] : memref<2x17xf32, #tpu.memory_space<vmem>>[vector<16xi32>, vector<16xi32>], vector<16xf32>,
          %parallel_loop3A_336 = tpu.vector_load_idx %arg18[%broadcast_in_dim3A_42, %parallel_loop3A_334] : memref<2x17xf32, #tpu.memory_space<vmem>>[vector<16xi32>, vector<16xi32>], vector<16xf32>,
          %parallel_loop3A_337 = arith.index_cast %parallel_loop3A_333 : i32 to index
          %parallel_loop3A_338 = arith.constant 0 : index
          %parallel_loop3A_339 = tpu.vector_load %arg11[%parallel_loop3A_337, %parallel_loop3A_338] {strides = array<i32>} : memref<128x128xf32, #tpu.memory_space<vmem>>, vector<16xf32>,
          %parallel_loop3A_340 = arith.subf %parallel_loop3A_339, %parallel_loop3A_335 : vector<16xf32>
          %parallel_loop3A_341 = arith.mulf %parallel_loop3A_340, %parallel_loop3A_336 : vector<16xf32>
          %parallel_loop3A_342 = arith.mulf %parallel_loop3A_341, %get3A_3 : vector<16xf32>
          %parallel_loop3A_343 = arith.addf %parallel_loop3A_342, %get3A_19 : vector<16xf32>
          %parallel_loop3A_344 = arith.index_cast %parallel_loop3A_333 : i32 to index
          %parallel_loop3A_345 = arith.constant 0 : index
          %parallel_loop3A_346 = tpu.vector_load %arg11[%parallel_loop3A_344, %parallel_loop3A_345] {strides = array<i32>} : memref<128x128xf32, #tpu.memory_space<vmem>>, vector<16xf32>,
          tpu.vector_store %arg11[%parallel_loop3A_344, %parallel_loop3A_345], %parallel_loop3A_343 {strides = array<i32>} : memref<128x128xf32, #tpu.memory_space<vmem>>, vector<16xf32>,
          %parallel_loop3A_347 = arith.index_cast %parallel_loop3A_333 : i32 to index
          %parallel_loop3A_348 = arith.constant 16 : index
          %parallel_loop3A_349 = tpu.vector_load %arg11[%parallel_loop3A_347, %parallel_loop3A_348] {strides = array<i32>} : memref<128x128xf32, #tpu.memory_space<vmem>>, vector<16xf32>,
          %parallel_loop3A_350 = arith.subf %parallel_loop3A_349, %parallel_loop3A_335 : vector<16xf32>
          %parallel_loop3A_351 = arith.mulf %parallel_loop3A_350, %parallel_loop3A_336 : vector<16xf32>
          %parallel_loop3A_352 = arith.mulf %parallel_loop3A_351, %get3A_5 : vector<16xf32>
          %parallel_loop3A_353 = arith.addf %parallel_loop3A_352, %get3A_21 : vector<16xf32>
          %parallel_loop3A_354 = arith.index_cast %parallel_loop3A_333 : i32 to index
          %parallel_loop3A_355 = arith.constant 16 : index
          %parallel_loop3A_356 = tpu.vector_load %arg11[%parallel_loop3A_354, %parallel_loop3A_355] {strides = array<i32>} : memref<128x128xf32, #tpu.memory_space<vmem>>, vector<16xf32>,
          tpu.vector_store %arg11[%parallel_loop3A_354, %parallel_loop3A_355], %parallel_loop3A_353 {strides = array<i32>} : memref<128x128xf32, #tpu.memory_space<vmem>>, vector<16xf32>,
          %parallel_loop3A_357 = arith.index_cast %parallel_loop3A_333 : i32 to index
          %parallel_loop3A_358 = arith.constant 32 : index
          %parallel_loop3A_359 = tpu.vector_load %arg11[%parallel_loop3A_357, %parallel_loop3A_358] {strides = array<i32>} : memref<128x128xf32, #tpu.memory_space<vmem>>, vector<16xf32>,
          %parallel_loop3A_360 = arith.subf %parallel_loop3A_359, %parallel_loop3A_335 : vector<16xf32>
          %parallel_loop3A_361 = arith.mulf %parallel_loop3A_360, %parallel_loop3A_336 : vector<16xf32>
          %parallel_loop3A_362 = arith.mulf %parallel_loop3A_361, %get3A_7 : vector<16xf32>
          %parallel_loop3A_363 = arith.addf %parallel_loop3A_362, %get3A_23 : vector<16xf32>
          %parallel_loop3A_364 = arith.index_cast %parallel_loop3A_333 : i32 to index
          %parallel_loop3A_365 = arith.constant 32 : index
          %parallel_loop3A_366 = tpu.vector_load %arg11[%parallel_loop3A_364, %parallel_loop3A_365] {strides = array<i32>} : memref<128x128xf32, #tpu.memory_space<vmem>>, vector<16xf32>,
          tpu.vector_store %arg11[%parallel_loop3A_364, %parallel_loop3A_365], %parallel_loop3A_363 {strides = array<i32>} : memref<128x128xf32, #tpu.memory_space<vmem>>, vector<16xf32>,
          %parallel_loop3A_367 = arith.index_cast %parallel_loop3A_333 : i32 to index
          %parallel_loop3A_368 = arith.constant 48 : index
          %parallel_loop3A_369 = tpu.vector_load %arg11[%parallel_loop3A_367, %parallel_loop3A_368] {strides = array<i32>} : memref<128x128xf32, #tpu.memory_space<vmem>>, vector<16xf32>,
          %parallel_loop3A_370 = arith.subf %parallel_loop3A_369, %parallel_loop3A_335 : vector<16xf32>
          %parallel_loop3A_371 = arith.mulf %parallel_loop3A_370, %parallel_loop3A_336 : vector<16xf32>
          %parallel_loop3A_372 = arith.mulf %parallel_loop3A_371, %get3A_9 : vector<16xf32>
          %parallel_loop3A_373 = arith.addf %parallel_loop3A_372, %get3A_25 : vector<16xf32>
          %parallel_loop3A_374 = arith.index_cast %parallel_loop3A_333 : i32 to index
          %parallel_loop3A_375 = arith.constant 48 : index
          %parallel_loop3A_376 = tpu.vector_load %arg11[%parallel_loop3A_374, %parallel_loop3A_375] {strides = array<i32>} : memref<128x128xf32, #tpu.memory_space<vmem>>, vector<16xf32>,
          tpu.vector_store %arg11[%parallel_loop3A_374, %parallel_loop3A_375], %parallel_loop3A_373 {strides = array<i32>} : memref<128x128xf32, #tpu.memory_space<vmem>>, vector<16xf32>,
          %parallel_loop3A_377 = arith.index_cast %parallel_loop3A_333 : i32 to index
          %parallel_loop3A_378 = arith.constant 64 : index
          %parallel_loop3A_379 = tpu.vector_load %arg11[%parallel_loop3A_377, %parallel_loop3A_378] {strides = array<i32>} : memref<128x128xf32, #tpu.memory_space<vmem>>, vector<16xf32>,
          %parallel_loop3A_380 = arith.subf %parallel_loop3A_379, %parallel_loop3A_335 : vector<16xf32>
          %parallel_loop3A_381 = arith.mulf %parallel_loop3A_380, %parallel_loop3A_336 : vector<16xf32>
          %parallel_loop3A_382 = arith.mulf %parallel_loop3A_381, %get3A_11 : vector<16xf32>
          %parallel_loop3A_383 = arith.addf %parallel_loop3A_382, %get3A_27 : vector<16xf32>
          %parallel_loop3A_384 = arith.index_cast %parallel_loop3A_333 : i32 to index
          %parallel_loop3A_385 = arith.constant 64 : index
          %parallel_loop3A_386 = tpu.vector_load %arg11[%parallel_loop3A_384, %parallel_loop3A_385] {strides = array<i32>} : memref<128x128xf32, #tpu.memory_space<vmem>>, vector<16xf32>,
          tpu.vector_store %arg11[%parallel_loop3A_384, %parallel_loop3A_385], %parallel_loop3A_383 {strides = array<i32>} : memref<128x128xf32, #tpu.memory_space<vmem>>, vector<16xf32>,
          %parallel_loop3A_387 = arith.index_cast %parallel_loop3A_333 : i32 to index
          %parallel_loop3A_388 = arith.constant 80 : index
          %parallel_loop3A_389 = tpu.vector_load %arg11[%parallel_loop3A_387, %parallel_loop3A_388] {strides = array<i32>} : memref<128x128xf32, #tpu.memory_space<vmem>>, vector<16xf32>,
          %parallel_loop3A_390 = arith.subf %parallel_loop3A_389, %parallel_loop3A_335 : vector<16xf32>
          %parallel_loop3A_391 = arith.mulf %parallel_loop3A_390, %parallel_loop3A_336 : vector<16xf32>
          %parallel_loop3A_392 = arith.mulf %parallel_loop3A_391, %get3A_13 : vector<16xf32>
          %parallel_loop3A_393 = arith.addf %parallel_loop3A_392, %get3A_29 : vector<16xf32>
          %parallel_loop3A_394 = arith.index_cast %parallel_loop3A_333 : i32 to index
          %parallel_loop3A_395 = arith.constant 80 : index
          %parallel_loop3A_396 = tpu.vector_load %arg11[%parallel_loop3A_394, %parallel_loop3A_395] {strides = array<i32>} : memref<128x128xf32, #tpu.memory_space<vmem>>, vector<16xf32>,
          tpu.vector_store %arg11[%parallel_loop3A_394, %parallel_loop3A_395], %parallel_loop3A_393 {strides = array<i32>} : memref<128x128xf32, #tpu.memory_space<vmem>>, vector<16xf32>,
          %parallel_loop3A_397 = arith.index_cast %parallel_loop3A_333 : i32 to index
          %parallel_loop3A_398 = arith.constant 96 : index
          %parallel_loop3A_399 = tpu.vector_load %arg11[%parallel_loop3A_397, %parallel_loop3A_398] {strides = array<i32>} : memref<128x128xf32, #tpu.memory_space<vmem>>, vector<16xf32>,
          %parallel_loop3A_400 = arith.subf %parallel_loop3A_399, %parallel_loop3A_335 : vector<16xf32>
          %parallel_loop3A_401 = arith.mulf %parallel_loop3A_400, %parallel_loop3A_336 : vector<16xf32>
          %parallel_loop3A_402 = arith.mulf %parallel_loop3A_401, %get3A_15 : vector<16xf32>
          %parallel_loop3A_403 = arith.addf %parallel_loop3A_402, %get3A_31 : vector<16xf32>
          %parallel_loop3A_404 = arith.index_cast %parallel_loop3A_333 : i32 to index
          %parallel_loop3A_405 = arith.constant 96 : index
          %parallel_loop3A_406 = tpu.vector_load %arg11[%parallel_loop3A_404, %parallel_loop3A_405] {strides = array<i32>} : memref<128x128xf32, #tpu.memory_space<vmem>>, vector<16xf32>,
          tpu.vector_store %arg11[%parallel_loop3A_404, %parallel_loop3A_405], %parallel_loop3A_403 {strides = array<i32>} : memref<128x128xf32, #tpu.memory_space<vmem>>, vector<16xf32>,
          %parallel_loop3A_407 = arith.index_cast %parallel_loop3A_333 : i32 to index
          %parallel_loop3A_408 = arith.constant 112 : index
          %parallel_loop3A_409 = tpu.vector_load %arg11[%parallel_loop3A_407, %parallel_loop3A_408] {strides = array<i32>} : memref<128x128xf32, #tpu.memory_space<vmem>>, vector<16xf32>,
          %parallel_loop3A_410 = arith.subf %parallel_loop3A_409, %parallel_loop3A_335 : vector<16xf32>
          %parallel_loop3A_411 = arith.mulf %parallel_loop3A_410, %parallel_loop3A_336 : vector<16xf32>
          %parallel_loop3A_412 = arith.mulf %parallel_loop3A_411, %get3A_17 : vector<16xf32>
          %parallel_loop3A_413 = arith.addf %parallel_loop3A_412, %get3A_33 : vector<16xf32>
          %parallel_loop3A_414 = arith.index_cast %parallel_loop3A_333 : i32 to index
          %parallel_loop3A_415 = arith.constant 112 : index
          %parallel_loop3A_416 = tpu.vector_load %arg11[%parallel_loop3A_414, %parallel_loop3A_415] {strides = array<i32>} : memref<128x128xf32, #tpu.memory_space<vmem>>, vector<16xf32>,
          tpu.vector_store %arg11[%parallel_loop3A_414, %parallel_loop3A_415], %parallel_loop3A_413 {strides = array<i32>} : memref<128x128xf32, #tpu.memory_space<vmem>>, vector<16xf32>,
        } {sc.loop_unroll_factor = 4 : i64, sc.parallel_access}
        %mul3A_320 = arith.constant 128 : i32
        %mul3A_321 = arith.muli %add3A_64, %mul3A_320 : i32
        %add3A_322 = arith.addi %mul3A_2, %mul3A_321 : i32
        %add3A_323 = arith.addi %add3A_322, %mul3A_108 : i32
        %dma_start3A_324 = arith.constant 0 : i32
        %dma_start3A_325 = tpu.memref_slice %arg11[%mul3A_108, %dma_start3A_324] : memref<128x128xf32, #tpu.memory_space<vmem>> -> memref<16x128xf32, #tpu.memory_space<vmem>>
        %dma_start3A_326 = arith.constant 0 : i32
        %dma_start3A_327 = tpu.memref_slice %arg8[%add3A_323, %dma_start3A_326] : memref<204800x128xf32, #tpu.memory_space<hbm>> -> memref<16x128xf32, #tpu.memory_space<hbm>>
        %dma_start3A_328 = arith.constant 0 : i32
        %dma_start3A_329 = tpu.memref_slice %arg8[%add3A_323, %dma_start3A_328] : memref<204800x128xf32, #tpu.memory_space<hbm>> -> memref<16x128xf32, #tpu.memory_space<hbm>>
        %dma_start3A_330 = arith.constant 0 : i32
        %dma_start3A_331 = tpu.memref_slice %arg11[%mul3A_108, %dma_start3A_330] : memref<128x128xf32, #tpu.memory_space<vmem>> -> memref<16x128xf32, #tpu.memory_space<vmem>>
        tpu.enqueue_dma source(%dma_start3A_331 : memref<16x128xf32, #tpu.memory_space<vmem>>) target(%dma_start3A_329 : memref<16x128xf32, #tpu.memory_space<hbm>>) target_semaphore(%arg21 : memref<!tpu.dma_semaphore, #tpu.memory_space<semaphore_mem>>)
      }
      %scan3A_81 = arith.constant 8 : i32
      %mul3A_82 = arith.constant 2 : i32
      %mul3A_83 = arith.muli %scan3A_60, %mul3A_82 : i32
      %add3A_84 = arith.constant 1 : i32
      %add3A_85 = arith.addi %mul3A_83, %add3A_84 : i32
      %dma_wait3A_86 = arith.constant 0 : i32
      %dma_wait3A_87 = tpu.memref_slice %arg9[%add3A_85, %dma_wait3A_86] : memref<50x128xi32, #tpu.memory_space<vmem>> -> memref<1x128xi32, #tpu.memory_space<vmem>>
      %dma_wait3A_88 = tpu.memref_squeeze %dma_wait3A_87 : memref<1x128xi32, #tpu.memory_space<vmem>> -> memref<128xi32, #tpu.memory_space<vmem>>
      %dma_wait3A_89 = arith.constant 0 : i32
      %dma_wait3A_90 = arith.constant 0 : i32
      %dma_wait3A_91 = tpu.memref_slice %arg4[%dma_wait3A_89, %dma_wait3A_90] : memref<1000000x128xf32, #tpu.memory_space<hbm>> -> memref<1000000x128xf32, #tpu.memory_space<hbm>>
      tpu.wait_indirect_dma semaphore(%arg20 : memref<!tpu.dma_semaphore, #tpu.memory_space<semaphore_mem>>) src(%dma_wait3A_91 : memref<1000000x128xf32, #tpu.memory_space<hbm>>) dst(%arg12 : memref<128x128xf32, #tpu.memory_space<vmem>>)
      %add3A_92 = arith.constant 1 : i32
      %add3A_93 = arith.addi %add3A_85, %add3A_92 : i32
      %lt3A_94 = arith.constant 50 : i32
      %lt3A_95 = arith.cmpi slt, %add3A_93, %lt3A_94 : i32
      %convert_element_type3A_96 = arith.extui %lt3A_95 : i1 to i32
      %cond3A_97 = arith.constant 0 : i32
      %cond3A_98 = arith.cmpi ne, %convert_element_type3A_96, %cond3A_97 : i32
      scf.if %cond3A_98 {
        %ge3A = arith.constant 1 : i32
        %ge3A_106 = arith.cmpi sge, %add3A_85, %ge3A : i32
        %convert_element_type3A_107 = arith.extui %ge3A_106 : i1 to i32
        %cond3A_108 = arith.constant 0 : i32
        %cond3A_109 = arith.cmpi ne, %convert_element_type3A_107, %cond3A_108 : i32
        scf.if %cond3A_109 {
          %sub3A = arith.constant 1 : i32
          %sub3A_118 = arith.subi %add3A_85, %sub3A : i32
          %mul3A_119 = arith.constant 128 : i32
          %mul3A_120 = arith.muli %sub3A_118, %mul3A_119 : i32
          %add3A_121 = arith.addi %mul3A_2, %mul3A_120 : i32
          %dma_wait3A_122 = arith.constant 0 : i32
          %dma_wait3A_123 = tpu.memref_slice %arg8[%add3A_121, %dma_wait3A_122] : memref<204800x128xf32, #tpu.memory_space<hbm>> -> memref<128x128xf32, #tpu.memory_space<hbm>>
          %dma_wait3A_124 = arith.constant 0 : i32
          %dma_wait3A_125 = tpu.memref_slice %arg8[%add3A_121, %dma_wait3A_124] : memref<204800x128xf32, #tpu.memory_space<hbm>> -> memref<128x128xf32, #tpu.memory_space<hbm>>
          tpu.wait_dma2 semaphore(%arg21 : memref<!tpu.dma_semaphore, #tpu.memory_space<semaphore_mem>>) src(%arg11 : memref<128x128xf32, #tpu.memory_space<vmem>>) dst(%dma_wait3A_125 : memref<128x128xf32, #tpu.memory_space<hbm>>)
        } else {
        }
        %add3A_110 = arith.constant 1 : i32
        %add3A_111 = arith.addi %add3A_85, %add3A_110 : i32
        %dma_start3A_112 = arith.constant 0 : i32
        %dma_start3A_113 = tpu.memref_slice %arg9[%add3A_111, %dma_start3A_112] : memref<50x128xi32, #tpu.memory_space<vmem>> -> memref<1x128xi32, #tpu.memory_space<vmem>>
        %dma_start3A_114 = tpu.memref_squeeze %dma_start3A_113 : memref<1x128xi32, #tpu.memory_space<vmem>> -> memref<128xi32, #tpu.memory_space<vmem>>
        %dma_start3A_115 = arith.constant 0 : i32
        %dma_start3A_116 = arith.constant 0 : i32
        %dma_start3A_117 = tpu.memref_slice %arg4[%dma_start3A_115, %dma_start3A_116] : memref<1000000x128xf32, #tpu.memory_space<hbm>> -> memref<1000000x128xf32, #tpu.memory_space<hbm>>
        tpu.enqueue_indirect_dma source(%dma_start3A_117 : memref<1000000x128xf32, #tpu.memory_space<hbm>>) target(%arg11 : memref<128x128xf32, #tpu.memory_space<vmem>>) offsets(%dma_start3A_114 : memref<128xi32, #tpu.memory_space<vmem>>) semaphore(%arg19 : memref<!tpu.dma_semaphore, #tpu.memory_space<semaphore_mem>>)
      } else {
      }
      %broadcast_in_dim3A_99 = vector.broadcast %add3A_85 : i32 to vector<16xi32>
      %scan3A_100 = arith.constant 0 : i32
      %scan3A_101 = arith.constant 0 : i32
      %scan3A_102 = arith.constant 8 : i32
      %scan3A_103 = arith.addi %scan3A_101, %scan3A_102 : i32
      %scan3A_104 = arith.constant 1 : i32
      scf.for %scan3A_106 = %scan3A_101 to %scan3A_103 step %scan3A_104  : i32 {
        %mul3A_107 = arith.constant 16 : i32
        %mul3A_108 = arith.muli %scan3A_106, %mul3A_107 : i32
        %parallel_loop3A = arith.constant 0 : i32
        %parallel_loop3A_109 = arith.constant 16 : i32
        %parallel_loop3A_110 = arith.constant 1 : i32
        scf.for %parallel_loop3A_332 = %parallel_loop3A to %parallel_loop3A_109 step %parallel_loop3A_110  : i32 {
          %parallel_loop3A_333 = arith.addi %mul3A_108, %parallel_loop3A_332 : i32
          %parallel_loop3A_334 = vector.broadcast %parallel_loop3A_333 : i32 to vector<16xi32>
          %parallel_loop3A_335 = tpu.vector_load_idx %arg10[%broadcast_in_dim3A_99, %parallel_loop3A_334] : memref<50x128xi32, #tpu.memory_space<vmem>>[vector<16xi32>, vector<16xi32>], vector<16xi32>,
          %parallel_loop3A_336 = arith.index_cast %parallel_loop3A_333 : i32 to index
          %parallel_loop3A_337 = arith.constant 0 : index
          %parallel_loop3A_338 = tpu.vector_load %arg12[%parallel_loop3A_336, %parallel_loop3A_337] {strides = array<i32>} : memref<128x128xf32, #tpu.memory_space<vmem>>, vector<16xf32>,
          %parallel_loop3A_339 = arith.constant 0 : i32
          %parallel_loop3A_340 = vector.broadcast %parallel_loop3A_339 : i32 to vector<16xi32>
          %parallel_loop3A_341 = arith.addi %iota3A, %parallel_loop3A_340 : vector<16xi32>
          %parallel_loop3A_342 = tpu.vector_load_idx %arg13[%parallel_loop3A_335, %parallel_loop3A_341] : memref<512x128xf32, #tpu.memory_space<vmem>>[vector<16xi32>, vector<16xi32>], vector<16xf32>,
          %parallel_loop3A_343 = arith.addf %parallel_loop3A_338, %parallel_loop3A_342 : vector<16xf32>
          %parallel_loop3A_344 = arith.index_cast %parallel_loop3A_333 : i32 to index
          %parallel_loop3A_345 = arith.constant 16 : index
          %parallel_loop3A_346 = tpu.vector_load %arg12[%parallel_loop3A_344, %parallel_loop3A_345] {strides = array<i32>} : memref<128x128xf32, #tpu.memory_space<vmem>>, vector<16xf32>,
          %parallel_loop3A_347 = arith.constant 16 : i32
          %parallel_loop3A_348 = vector.broadcast %parallel_loop3A_347 : i32 to vector<16xi32>
          %parallel_loop3A_349 = arith.addi %iota3A, %parallel_loop3A_348 : vector<16xi32>
          %parallel_loop3A_350 = tpu.vector_load_idx %arg13[%parallel_loop3A_335, %parallel_loop3A_349] : memref<512x128xf32, #tpu.memory_space<vmem>>[vector<16xi32>, vector<16xi32>], vector<16xf32>,
          %parallel_loop3A_351 = arith.addf %parallel_loop3A_346, %parallel_loop3A_350 : vector<16xf32>
          %parallel_loop3A_352 = arith.index_cast %parallel_loop3A_333 : i32 to index
          %parallel_loop3A_353 = arith.constant 32 : index
          %parallel_loop3A_354 = tpu.vector_load %arg12[%parallel_loop3A_352, %parallel_loop3A_353] {strides = array<i32>} : memref<128x128xf32, #tpu.memory_space<vmem>>, vector<16xf32>,
          %parallel_loop3A_355 = arith.constant 32 : i32
          %parallel_loop3A_356 = vector.broadcast %parallel_loop3A_355 : i32 to vector<16xi32>
          %parallel_loop3A_357 = arith.addi %iota3A, %parallel_loop3A_356 : vector<16xi32>
          %parallel_loop3A_358 = tpu.vector_load_idx %arg13[%parallel_loop3A_335, %parallel_loop3A_357] : memref<512x128xf32, #tpu.memory_space<vmem>>[vector<16xi32>, vector<16xi32>], vector<16xf32>,
          %parallel_loop3A_359 = arith.addf %parallel_loop3A_354, %parallel_loop3A_358 : vector<16xf32>
          %parallel_loop3A_360 = arith.index_cast %parallel_loop3A_333 : i32 to index
          %parallel_loop3A_361 = arith.constant 48 : index
          %parallel_loop3A_362 = tpu.vector_load %arg12[%parallel_loop3A_360, %parallel_loop3A_361] {strides = array<i32>} : memref<128x128xf32, #tpu.memory_space<vmem>>, vector<16xf32>,
          %parallel_loop3A_363 = arith.constant 48 : i32
          %parallel_loop3A_364 = vector.broadcast %parallel_loop3A_363 : i32 to vector<16xi32>
          %parallel_loop3A_365 = arith.addi %iota3A, %parallel_loop3A_364 : vector<16xi32>
          %parallel_loop3A_366 = tpu.vector_load_idx %arg13[%parallel_loop3A_335, %parallel_loop3A_365] : memref<512x128xf32, #tpu.memory_space<vmem>>[vector<16xi32>, vector<16xi32>], vector<16xf32>,
          %parallel_loop3A_367 = arith.addf %parallel_loop3A_362, %parallel_loop3A_366 : vector<16xf32>
          %parallel_loop3A_368 = arith.index_cast %parallel_loop3A_333 : i32 to index
          %parallel_loop3A_369 = arith.constant 64 : index
          %parallel_loop3A_370 = tpu.vector_load %arg12[%parallel_loop3A_368, %parallel_loop3A_369] {strides = array<i32>} : memref<128x128xf32, #tpu.memory_space<vmem>>, vector<16xf32>,
          %parallel_loop3A_371 = arith.constant 64 : i32
          %parallel_loop3A_372 = vector.broadcast %parallel_loop3A_371 : i32 to vector<16xi32>
          %parallel_loop3A_373 = arith.addi %iota3A, %parallel_loop3A_372 : vector<16xi32>
          %parallel_loop3A_374 = tpu.vector_load_idx %arg13[%parallel_loop3A_335, %parallel_loop3A_373] : memref<512x128xf32, #tpu.memory_space<vmem>>[vector<16xi32>, vector<16xi32>], vector<16xf32>,
          %parallel_loop3A_375 = arith.addf %parallel_loop3A_370, %parallel_loop3A_374 : vector<16xf32>
          %parallel_loop3A_376 = arith.index_cast %parallel_loop3A_333 : i32 to index
          %parallel_loop3A_377 = arith.constant 80 : index
          %parallel_loop3A_378 = tpu.vector_load %arg12[%parallel_loop3A_376, %parallel_loop3A_377] {strides = array<i32>} : memref<128x128xf32, #tpu.memory_space<vmem>>, vector<16xf32>,
          %parallel_loop3A_379 = arith.constant 80 : i32
          %parallel_loop3A_380 = vector.broadcast %parallel_loop3A_379 : i32 to vector<16xi32>
          %parallel_loop3A_381 = arith.addi %iota3A, %parallel_loop3A_380 : vector<16xi32>
          %parallel_loop3A_382 = tpu.vector_load_idx %arg13[%parallel_loop3A_335, %parallel_loop3A_381] : memref<512x128xf32, #tpu.memory_space<vmem>>[vector<16xi32>, vector<16xi32>], vector<16xf32>,
          %parallel_loop3A_383 = arith.addf %parallel_loop3A_378, %parallel_loop3A_382 : vector<16xf32>
          %parallel_loop3A_384 = arith.index_cast %parallel_loop3A_333 : i32 to index
          %parallel_loop3A_385 = arith.constant 96 : index
          %parallel_loop3A_386 = tpu.vector_load %arg12[%parallel_loop3A_384, %parallel_loop3A_385] {strides = array<i32>} : memref<128x128xf32, #tpu.memory_space<vmem>>, vector<16xf32>,
          %parallel_loop3A_387 = arith.constant 96 : i32
          %parallel_loop3A_388 = vector.broadcast %parallel_loop3A_387 : i32 to vector<16xi32>
          %parallel_loop3A_389 = arith.addi %iota3A, %parallel_loop3A_388 : vector<16xi32>
          %parallel_loop3A_390 = tpu.vector_load_idx %arg13[%parallel_loop3A_335, %parallel_loop3A_389] : memref<512x128xf32, #tpu.memory_space<vmem>>[vector<16xi32>, vector<16xi32>], vector<16xf32>,
          %parallel_loop3A_391 = arith.addf %parallel_loop3A_386, %parallel_loop3A_390 : vector<16xf32>
          %parallel_loop3A_392 = arith.index_cast %parallel_loop3A_333 : i32 to index
          %parallel_loop3A_393 = arith.constant 112 : index
          %parallel_loop3A_394 = tpu.vector_load %arg12[%parallel_loop3A_392, %parallel_loop3A_393] {strides = array<i32>} : memref<128x128xf32, #tpu.memory_space<vmem>>, vector<16xf32>,
          %parallel_loop3A_395 = arith.constant 112 : i32
          %parallel_loop3A_396 = vector.broadcast %parallel_loop3A_395 : i32 to vector<16xi32>
          %parallel_loop3A_397 = arith.addi %iota3A, %parallel_loop3A_396 : vector<16xi32>
          %parallel_loop3A_398 = tpu.vector_load_idx %arg13[%parallel_loop3A_335, %parallel_loop3A_397] : memref<512x128xf32, #tpu.memory_space<vmem>>[vector<16xi32>, vector<16xi32>], vector<16xf32>,
          %parallel_loop3A_399 = arith.addf %parallel_loop3A_394, %parallel_loop3A_398 : vector<16xf32>
          %parallel_loop3A_400 = arith.index_cast %parallel_loop3A_333 : i32 to index
          %parallel_loop3A_401 = arith.constant 0 : index
          %parallel_loop3A_402 = tpu.vector_load %arg12[%parallel_loop3A_400, %parallel_loop3A_401] {strides = array<i32>} : memref<128x128xf32, #tpu.memory_space<vmem>>, vector<16xf32>,
          tpu.vector_store %arg12[%parallel_loop3A_400, %parallel_loop3A_401], %parallel_loop3A_343 {strides = array<i32>} : memref<128x128xf32, #tpu.memory_space<vmem>>, vector<16xf32>,
          %parallel_loop3A_403 = arith.index_cast %parallel_loop3A_333 : i32 to index
          %parallel_loop3A_404 = arith.constant 16 : index
          %parallel_loop3A_405 = tpu.vector_load %arg12[%parallel_loop3A_403, %parallel_loop3A_404] {strides = array<i32>} : memref<128x128xf32, #tpu.memory_space<vmem>>, vector<16xf32>,
          tpu.vector_store %arg12[%parallel_loop3A_403, %parallel_loop3A_404], %parallel_loop3A_351 {strides = array<i32>} : memref<128x128xf32, #tpu.memory_space<vmem>>, vector<16xf32>,
          %parallel_loop3A_406 = arith.index_cast %parallel_loop3A_333 : i32 to index
          %parallel_loop3A_407 = arith.constant 32 : index
          %parallel_loop3A_408 = tpu.vector_load %arg12[%parallel_loop3A_406, %parallel_loop3A_407] {strides = array<i32>} : memref<128x128xf32, #tpu.memory_space<vmem>>, vector<16xf32>,
          tpu.vector_store %arg12[%parallel_loop3A_406, %parallel_loop3A_407], %parallel_loop3A_359 {strides = array<i32>} : memref<128x128xf32, #tpu.memory_space<vmem>>, vector<16xf32>,
          %parallel_loop3A_409 = arith.index_cast %parallel_loop3A_333 : i32 to index
          %parallel_loop3A_410 = arith.constant 48 : index
          %parallel_loop3A_411 = tpu.vector_load %arg12[%parallel_loop3A_409, %parallel_loop3A_410] {strides = array<i32>} : memref<128x128xf32, #tpu.memory_space<vmem>>, vector<16xf32>,
          tpu.vector_store %arg12[%parallel_loop3A_409, %parallel_loop3A_410], %parallel_loop3A_367 {strides = array<i32>} : memref<128x128xf32, #tpu.memory_space<vmem>>, vector<16xf32>,
          %parallel_loop3A_412 = arith.index_cast %parallel_loop3A_333 : i32 to index
          %parallel_loop3A_413 = arith.constant 64 : index
          %parallel_loop3A_414 = tpu.vector_load %arg12[%parallel_loop3A_412, %parallel_loop3A_413] {strides = array<i32>} : memref<128x128xf32, #tpu.memory_space<vmem>>, vector<16xf32>,
          tpu.vector_store %arg12[%parallel_loop3A_412, %parallel_loop3A_413], %parallel_loop3A_375 {strides = array<i32>} : memref<128x128xf32, #tpu.memory_space<vmem>>, vector<16xf32>,
          %parallel_loop3A_415 = arith.index_cast %parallel_loop3A_333 : i32 to index
          %parallel_loop3A_416 = arith.constant 80 : index
          %parallel_loop3A_417 = tpu.vector_load %arg12[%parallel_loop3A_415, %parallel_loop3A_416] {strides = array<i32>} : memref<128x128xf32, #tpu.memory_space<vmem>>, vector<16xf32>,
          tpu.vector_store %arg12[%parallel_loop3A_415, %parallel_loop3A_416], %parallel_loop3A_383 {strides = array<i32>} : memref<128x128xf32, #tpu.memory_space<vmem>>, vector<16xf32>,
          %parallel_loop3A_418 = arith.index_cast %parallel_loop3A_333 : i32 to index
          %parallel_loop3A_419 = arith.constant 96 : index
          %parallel_loop3A_420 = tpu.vector_load %arg12[%parallel_loop3A_418, %parallel_loop3A_419] {strides = array<i32>} : memref<128x128xf32, #tpu.memory_space<vmem>>, vector<16xf32>,
          tpu.vector_store %arg12[%parallel_loop3A_418, %parallel_loop3A_419], %parallel_loop3A_391 {strides = array<i32>} : memref<128x128xf32, #tpu.memory_space<vmem>>, vector<16xf32>,
          %parallel_loop3A_421 = arith.index_cast %parallel_loop3A_333 : i32 to index
          %parallel_loop3A_422 = arith.constant 112 : index
          %parallel_loop3A_423 = tpu.vector_load %arg12[%parallel_loop3A_421, %parallel_loop3A_422] {strides = array<i32>} : memref<128x128xf32, #tpu.memory_space<vmem>>, vector<16xf32>,
          tpu.vector_store %arg12[%parallel_loop3A_421, %parallel_loop3A_422], %parallel_loop3A_399 {strides = array<i32>} : memref<128x128xf32, #tpu.memory_space<vmem>>, vector<16xf32>,
          %parallel_loop3A_424 = vector.broadcast %parallel_loop3A_332 : i32 to vector<16xi32>
          %parallel_loop3A_425 = arith.addf %parallel_loop3A_343, %parallel_loop3A_351 : vector<16xf32>
          %parallel_loop3A_426 = arith.addf %parallel_loop3A_359, %parallel_loop3A_367 : vector<16xf32>
          %parallel_loop3A_427 = arith.addf %parallel_loop3A_375, %parallel_loop3A_383 : vector<16xf32>
          %parallel_loop3A_428 = arith.addf %parallel_loop3A_391, %parallel_loop3A_399 : vector<16xf32>
          %parallel_loop3A_429 = arith.addf %parallel_loop3A_425, %parallel_loop3A_426 : vector<16xf32>
          %parallel_loop3A_430 = arith.addf %parallel_loop3A_427, %parallel_loop3A_428 : vector<16xf32>
          %parallel_loop3A_431 = arith.addf %parallel_loop3A_429, %parallel_loop3A_430 : vector<16xf32>
          tpu.vector_store_idx %arg16[%iota3A, %parallel_loop3A_424], %parallel_loop3A_431 : memref<16x17xf32, #tpu.memory_space<vmem>>[vector<16xi32>, vector<16xi32>], vector<16xf32>,
          %parallel_loop3A_432 = arith.mulf %parallel_loop3A_343, %parallel_loop3A_343 : vector<16xf32>
          %parallel_loop3A_433 = arith.mulf %parallel_loop3A_351, %parallel_loop3A_351 : vector<16xf32>
          %parallel_loop3A_434 = arith.mulf %parallel_loop3A_359, %parallel_loop3A_359 : vector<16xf32>
          %parallel_loop3A_435 = arith.mulf %parallel_loop3A_367, %parallel_loop3A_367 : vector<16xf32>
          %parallel_loop3A_436 = arith.mulf %parallel_loop3A_375, %parallel_loop3A_375 : vector<16xf32>
          %parallel_loop3A_437 = arith.mulf %parallel_loop3A_383, %parallel_loop3A_383 : vector<16xf32>
          %parallel_loop3A_438 = arith.mulf %parallel_loop3A_391, %parallel_loop3A_391 : vector<16xf32>
          %parallel_loop3A_439 = arith.mulf %parallel_loop3A_399, %parallel_loop3A_399 : vector<16xf32>
          %parallel_loop3A_440 = arith.addf %parallel_loop3A_432, %parallel_loop3A_433 : vector<16xf32>
          %parallel_loop3A_441 = arith.addf %parallel_loop3A_434, %parallel_loop3A_435 : vector<16xf32>
          %parallel_loop3A_442 = arith.addf %parallel_loop3A_436, %parallel_loop3A_437 : vector<16xf32>
          %parallel_loop3A_443 = arith.addf %parallel_loop3A_438, %parallel_loop3A_439 : vector<16xf32>
          %parallel_loop3A_444 = arith.addf %parallel_loop3A_440, %parallel_loop3A_441 : vector<16xf32>
          %parallel_loop3A_445 = arith.addf %parallel_loop3A_442, %parallel_loop3A_443 : vector<16xf32>
          %parallel_loop3A_446 = arith.addf %parallel_loop3A_444, %parallel_loop3A_445 : vector<16xf32>
          tpu.vector_store_idx %arg17[%iota3A, %parallel_loop3A_424], %parallel_loop3A_446 : memref<16x17xf32, #tpu.memory_space<vmem>>[vector<16xi32>, vector<16xi32>], vector<16xf32>,
        } {sc.loop_unroll_factor = 8 : i64, sc.parallel_access}
        %get3A_111 = arith.constant 0 : i32
        %get3A_112 = arith.index_cast %get3A_111 : i32 to index
        %get3A_113 = arith.constant 0 : index
        %get3A_114 = tpu.vector_load %arg16[%get3A_112, %get3A_113] {strides = array<i32>} : memref<16x17xf32, #tpu.memory_space<vmem>>, vector<16xf32>,
        %get3A_115 = arith.constant 1 : i32
        %get3A_116 = arith.index_cast %get3A_115 : i32 to index
        %get3A_117 = arith.constant 0 : index
        %get3A_118 = tpu.vector_load %arg16[%get3A_116, %get3A_117] {strides = array<i32>} : memref<16x17xf32, #tpu.memory_space<vmem>>, vector<16xf32>,
        %get3A_119 = arith.constant 2 : i32
        %get3A_120 = arith.index_cast %get3A_119 : i32 to index
        %get3A_121 = arith.constant 0 : index
        %get3A_122 = tpu.vector_load %arg16[%get3A_120, %get3A_121] {strides = array<i32>} : memref<16x17xf32, #tpu.memory_space<vmem>>, vector<16xf32>,
        %get3A_123 = arith.constant 3 : i32
        %get3A_124 = arith.index_cast %get3A_123 : i32 to index
        %get3A_125 = arith.constant 0 : index
        %get3A_126 = tpu.vector_load %arg16[%get3A_124, %get3A_125] {strides = array<i32>} : memref<16x17xf32, #tpu.memory_space<vmem>>, vector<16xf32>,
        %get3A_127 = arith.constant 4 : i32
        %get3A_128 = arith.index_cast %get3A_127 : i32 to index
        %get3A_129 = arith.constant 0 : index
        %get3A_130 = tpu.vector_load %arg16[%get3A_128, %get3A_129] {strides = array<i32>} : memref<16x17xf32, #tpu.memory_space<vmem>>, vector<16xf32>,
        %get3A_131 = arith.constant 5 : i32
        %get3A_132 = arith.index_cast %get3A_131 : i32 to index
        %get3A_133 = arith.constant 0 : index
        %get3A_134 = tpu.vector_load %arg16[%get3A_132, %get3A_133] {strides = array<i32>} : memref<16x17xf32, #tpu.memory_space<vmem>>, vector<16xf32>,
        %get3A_135 = arith.constant 6 : i32
        %get3A_136 = arith.index_cast %get3A_135 : i32 to index
        %get3A_137 = arith.constant 0 : index
        %get3A_138 = tpu.vector_load %arg16[%get3A_136, %get3A_137] {strides = array<i32>} : memref<16x17xf32, #tpu.memory_space<vmem>>, vector<16xf32>,
        %get3A_139 = arith.constant 7 : i32
        %get3A_140 = arith.index_cast %get3A_139 : i32 to index
        %get3A_141 = arith.constant 0 : index
        %get3A_142 = tpu.vector_load %arg16[%get3A_140, %get3A_141] {strides = array<i32>} : memref<16x17xf32, #tpu.memory_space<vmem>>, vector<16xf32>,
        %get3A_143 = arith.constant 8 : i32
        %get3A_144 = arith.index_cast %get3A_143 : i32 to index
        %get3A_145 = arith.constant 0 : index
        %get3A_146 = tpu.vector_load %arg16[%get3A_144, %get3A_145] {strides = array<i32>} : memref<16x17xf32, #tpu.memory_space<vmem>>, vector<16xf32>,
        %get3A_147 = arith.constant 9 : i32
        %get3A_148 = arith.index_cast %get3A_147 : i32 to index
        %get3A_149 = arith.constant 0 : index
        %get3A_150 = tpu.vector_load %arg16[%get3A_148, %get3A_149] {strides = array<i32>} : memref<16x17xf32, #tpu.memory_space<vmem>>, vector<16xf32>,
        %get3A_151 = arith.constant 10 : i32
        %get3A_152 = arith.index_cast %get3A_151 : i32 to index
        %get3A_153 = arith.constant 0 : index
        %get3A_154 = tpu.vector_load %arg16[%get3A_152, %get3A_153] {strides = array<i32>} : memref<16x17xf32, #tpu.memory_space<vmem>>, vector<16xf32>,
        %get3A_155 = arith.constant 11 : i32
        %get3A_156 = arith.index_cast %get3A_155 : i32 to index
        %get3A_157 = arith.constant 0 : index
        %get3A_158 = tpu.vector_load %arg16[%get3A_156, %get3A_157] {strides = array<i32>} : memref<16x17xf32, #tpu.memory_space<vmem>>, vector<16xf32>,
        %get3A_159 = arith.constant 12 : i32
        %get3A_160 = arith.index_cast %get3A_159 : i32 to index
        %get3A_161 = arith.constant 0 : index
        %get3A_162 = tpu.vector_load %arg16[%get3A_160, %get3A_161] {strides = array<i32>} : memref<16x17xf32, #tpu.memory_space<vmem>>, vector<16xf32>,
        %get3A_163 = arith.constant 13 : i32
        %get3A_164 = arith.index_cast %get3A_163 : i32 to index
        %get3A_165 = arith.constant 0 : index
        %get3A_166 = tpu.vector_load %arg16[%get3A_164, %get3A_165] {strides = array<i32>} : memref<16x17xf32, #tpu.memory_space<vmem>>, vector<16xf32>,
        %get3A_167 = arith.constant 14 : i32
        %get3A_168 = arith.index_cast %get3A_167 : i32 to index
        %get3A_169 = arith.constant 0 : index
        %get3A_170 = tpu.vector_load %arg16[%get3A_168, %get3A_169] {strides = array<i32>} : memref<16x17xf32, #tpu.memory_space<vmem>>, vector<16xf32>,
        %get3A_171 = arith.constant 15 : i32
        %get3A_172 = arith.index_cast %get3A_171 : i32 to index
        %get3A_173 = arith.constant 0 : index
        %get3A_174 = tpu.vector_load %arg16[%get3A_172, %get3A_173] {strides = array<i32>} : memref<16x17xf32, #tpu.memory_space<vmem>>, vector<16xf32>,
        %add3A_175 = arith.addf %get3A_114, %get3A_118 : vector<16xf32>
        %add3A_176 = arith.addf %get3A_122, %get3A_126 : vector<16xf32>
        %add3A_177 = arith.addf %get3A_130, %get3A_134 : vector<16xf32>
        %add3A_178 = arith.addf %get3A_138, %get3A_142 : vector<16xf32>
        %add3A_179 = arith.addf %get3A_146, %get3A_150 : vector<16xf32>
        %add3A_180 = arith.addf %get3A_154, %get3A_158 : vector<16xf32>
        %add3A_181 = arith.addf %get3A_162, %get3A_166 : vector<16xf32>
        %add3A_182 = arith.addf %get3A_170, %get3A_174 : vector<16xf32>
        %add3A_183 = arith.addf %add3A_175, %add3A_176 : vector<16xf32>
        %add3A_184 = arith.addf %add3A_177, %add3A_178 : vector<16xf32>
        %add3A_185 = arith.addf %add3A_179, %add3A_180 : vector<16xf32>
        %add3A_186 = arith.addf %add3A_181, %add3A_182 : vector<16xf32>
        %add3A_187 = arith.addf %add3A_183, %add3A_184 : vector<16xf32>
        %add3A_188 = arith.addf %add3A_185, %add3A_186 : vector<16xf32>
        %add3A_189 = arith.addf %add3A_187, %add3A_188 : vector<16xf32>
        %get3A_190 = arith.constant 0 : i32
        %get3A_191 = arith.index_cast %get3A_190 : i32 to index
        %get3A_192 = arith.constant 0 : index
        %get3A_193 = tpu.vector_load %arg17[%get3A_191, %get3A_192] {strides = array<i32>} : memref<16x17xf32, #tpu.memory_space<vmem>>, vector<16xf32>,
        %get3A_194 = arith.constant 1 : i32
        %get3A_195 = arith.index_cast %get3A_194 : i32 to index
        %get3A_196 = arith.constant 0 : index
        %get3A_197 = tpu.vector_load %arg17[%get3A_195, %get3A_196] {strides = array<i32>} : memref<16x17xf32, #tpu.memory_space<vmem>>, vector<16xf32>,
        %get3A_198 = arith.constant 2 : i32
        %get3A_199 = arith.index_cast %get3A_198 : i32 to index
        %get3A_200 = arith.constant 0 : index
        %get3A_201 = tpu.vector_load %arg17[%get3A_199, %get3A_200] {strides = array<i32>} : memref<16x17xf32, #tpu.memory_space<vmem>>, vector<16xf32>,
        %get3A_202 = arith.constant 3 : i32
        %get3A_203 = arith.index_cast %get3A_202 : i32 to index
        %get3A_204 = arith.constant 0 : index
        %get3A_205 = tpu.vector_load %arg17[%get3A_203, %get3A_204] {strides = array<i32>} : memref<16x17xf32, #tpu.memory_space<vmem>>, vector<16xf32>,
        %get3A_206 = arith.constant 4 : i32
        %get3A_207 = arith.index_cast %get3A_206 : i32 to index
        %get3A_208 = arith.constant 0 : index
        %get3A_209 = tpu.vector_load %arg17[%get3A_207, %get3A_208] {strides = array<i32>} : memref<16x17xf32, #tpu.memory_space<vmem>>, vector<16xf32>,
        %get3A_210 = arith.constant 5 : i32
        %get3A_211 = arith.index_cast %get3A_210 : i32 to index
        %get3A_212 = arith.constant 0 : index
        %get3A_213 = tpu.vector_load %arg17[%get3A_211, %get3A_212] {strides = array<i32>} : memref<16x17xf32, #tpu.memory_space<vmem>>, vector<16xf32>,
        %get3A_214 = arith.constant 6 : i32
        %get3A_215 = arith.index_cast %get3A_214 : i32 to index
        %get3A_216 = arith.constant 0 : index
        %get3A_217 = tpu.vector_load %arg17[%get3A_215, %get3A_216] {strides = array<i32>} : memref<16x17xf32, #tpu.memory_space<vmem>>, vector<16xf32>,
        %get3A_218 = arith.constant 7 : i32
        %get3A_219 = arith.index_cast %get3A_218 : i32 to index
        %get3A_220 = arith.constant 0 : index
        %get3A_221 = tpu.vector_load %arg17[%get3A_219, %get3A_220] {strides = array<i32>} : memref<16x17xf32, #tpu.memory_space<vmem>>, vector<16xf32>,
        %get3A_222 = arith.constant 8 : i32
        %get3A_223 = arith.index_cast %get3A_222 : i32 to index
        %get3A_224 = arith.constant 0 : index
        %get3A_225 = tpu.vector_load %arg17[%get3A_223, %get3A_224] {strides = array<i32>} : memref<16x17xf32, #tpu.memory_space<vmem>>, vector<16xf32>,
        %get3A_226 = arith.constant 9 : i32
        %get3A_227 = arith.index_cast %get3A_226 : i32 to index
        %get3A_228 = arith.constant 0 : index
        %get3A_229 = tpu.vector_load %arg17[%get3A_227, %get3A_228] {strides = array<i32>} : memref<16x17xf32, #tpu.memory_space<vmem>>, vector<16xf32>,
        %get3A_230 = arith.constant 10 : i32
        %get3A_231 = arith.index_cast %get3A_230 : i32 to index
        %get3A_232 = arith.constant 0 : index
        %get3A_233 = tpu.vector_load %arg17[%get3A_231, %get3A_232] {strides = array<i32>} : memref<16x17xf32, #tpu.memory_space<vmem>>, vector<16xf32>,
        %get3A_234 = arith.constant 11 : i32
        %get3A_235 = arith.index_cast %get3A_234 : i32 to index
        %get3A_236 = arith.constant 0 : index
        %get3A_237 = tpu.vector_load %arg17[%get3A_235, %get3A_236] {strides = array<i32>} : memref<16x17xf32, #tpu.memory_space<vmem>>, vector<16xf32>,
        %get3A_238 = arith.constant 12 : i32
        %get3A_239 = arith.index_cast %get3A_238 : i32 to index
        %get3A_240 = arith.constant 0 : index
        %get3A_241 = tpu.vector_load %arg17[%get3A_239, %get3A_240] {strides = array<i32>} : memref<16x17xf32, #tpu.memory_space<vmem>>, vector<16xf32>,
        %get3A_242 = arith.constant 13 : i32
        %get3A_243 = arith.index_cast %get3A_242 : i32 to index
        %get3A_244 = arith.constant 0 : index
        %get3A_245 = tpu.vector_load %arg17[%get3A_243, %get3A_244] {strides = array<i32>} : memref<16x17xf32, #tpu.memory_space<vmem>>, vector<16xf32>,
        %get3A_246 = arith.constant 14 : i32
        %get3A_247 = arith.index_cast %get3A_246 : i32 to index
        %get3A_248 = arith.constant 0 : index
        %get3A_249 = tpu.vector_load %arg17[%get3A_247, %get3A_248] {strides = array<i32>} : memref<16x17xf32, #tpu.memory_space<vmem>>, vector<16xf32>,
        %get3A_250 = arith.constant 15 : i32
        %get3A_251 = arith.index_cast %get3A_250 : i32 to index
        %get3A_252 = arith.constant 0 : index
        %get3A_253 = tpu.vector_load %arg17[%get3A_251, %get3A_252] {strides = array<i32>} : memref<16x17xf32, #tpu.memory_space<vmem>>, vector<16xf32>,
        %add3A_254 = arith.addf %get3A_193, %get3A_197 : vector<16xf32>
        %add3A_255 = arith.addf %get3A_201, %get3A_205 : vector<16xf32>
        %add3A_256 = arith.addf %get3A_209, %get3A_213 : vector<16xf32>
        %add3A_257 = arith.addf %get3A_217, %get3A_221 : vector<16xf32>
        %add3A_258 = arith.addf %get3A_225, %get3A_229 : vector<16xf32>
        %add3A_259 = arith.addf %get3A_233, %get3A_237 : vector<16xf32>
        %add3A_260 = arith.addf %get3A_241, %get3A_245 : vector<16xf32>
        %add3A_261 = arith.addf %get3A_249, %get3A_253 : vector<16xf32>
        %add3A_262 = arith.addf %add3A_254, %add3A_255 : vector<16xf32>
        %add3A_263 = arith.addf %add3A_256, %add3A_257 : vector<16xf32>
        %add3A_264 = arith.addf %add3A_258, %add3A_259 : vector<16xf32>
        %add3A_265 = arith.addf %add3A_260, %add3A_261 : vector<16xf32>
        %add3A_266 = arith.addf %add3A_262, %add3A_263 : vector<16xf32>
        %add3A_267 = arith.addf %add3A_264, %add3A_265 : vector<16xf32>
        %add3A_268 = arith.addf %add3A_266, %add3A_267 : vector<16xf32>
        %mul3A_269 = vector.broadcast %scan3A_43 : f32 to vector<16xf32>
        %mul3A_270 = arith.mulf %add3A_189, %mul3A_269 : vector<16xf32>
        %mul3A_271 = vector.broadcast %scan3A_43 : f32 to vector<16xf32>
        %mul3A_272 = arith.mulf %add3A_268, %mul3A_271 : vector<16xf32>
        %mul3A_273 = arith.mulf %mul3A_270, %mul3A_270 : vector<16xf32>
        %sub3A = arith.subf %mul3A_272, %mul3A_273 : vector<16xf32>
        %add3A_274 = arith.constant 9.99999996E-13 : f32
        %add3A_275 = vector.broadcast %add3A_274 : f32 to vector<16xf32>
        %add3A_276 = arith.addf %sub3A, %add3A_275 : vector<16xf32>
        %bitcast3A = vector.bitcast %add3A_276 : vector<16xf32> to vector<16xi32>
        %shift_right_arithmetic3A = arith.constant 1 : i32
        %shift_right_arithmetic3A_277 = vector.broadcast %shift_right_arithmetic3A : i32 to vector<16xi32>
        %shift_right_arithmetic3A_278 = arith.shrsi %bitcast3A, %shift_right_arithmetic3A_277 : vector<16xi32>
        %sub3A_279 = arith.constant 1597463007 : i32
        %sub3A_280 = vector.broadcast %sub3A_279 : i32 to vector<16xi32>
        %sub3A_281 = arith.subi %sub3A_280, %shift_right_arithmetic3A_278 : vector<16xi32>
        %bitcast3A_282 = vector.bitcast %sub3A_281 : vector<16xi32> to vector<16xf32>
        %mul3A_283 = arith.constant 5.000000e-01 : f32
        %mul3A_284 = vector.broadcast %mul3A_283 : f32 to vector<16xf32>
        %mul3A_285 = arith.mulf %mul3A_284, %add3A_276 : vector<16xf32>
        %mul3A_286 = arith.mulf %mul3A_285, %bitcast3A_282 : vector<16xf32>
        %mul3A_287 = arith.mulf %mul3A_286, %bitcast3A_282 : vector<16xf32>
        %sub3A_288 = arith.constant 1.500000e+00 : f32
        %sub3A_289 = vector.broadcast %sub3A_288 : f32 to vector<16xf32>
        %sub3A_290 = arith.subf %sub3A_289, %mul3A_287 : vector<16xf32>
        %mul3A_291 = arith.mulf %bitcast3A_282, %sub3A_290 : vector<16xf32>
        %mul3A_292 = arith.constant 5.000000e-01 : f32
        %mul3A_293 = vector.broadcast %mul3A_292 : f32 to vector<16xf32>
        %mul3A_294 = arith.mulf %mul3A_293, %add3A_276 : vector<16xf32>
        %mul3A_295 = arith.mulf %mul3A_294, %mul3A_291 : vector<16xf32>
        %mul3A_296 = arith.mulf %mul3A_295, %mul3A_291 : vector<16xf32>
        %sub3A_297 = arith.constant 1.500000e+00 : f32
        %sub3A_298 = vector.broadcast %sub3A_297 : f32 to vector<16xf32>
        %sub3A_299 = arith.subf %sub3A_298, %mul3A_296 : vector<16xf32>
        %mul3A_300 = arith.mulf %mul3A_291, %sub3A_299 : vector<16xf32>
        %mul3A_301 = arith.constant 5.000000e-01 : f32
        %mul3A_302 = vector.broadcast %mul3A_301 : f32 to vector<16xf32>
        %mul3A_303 = arith.mulf %mul3A_302, %add3A_276 : vector<16xf32>
        %mul3A_304 = arith.mulf %mul3A_303, %mul3A_300 : vector<16xf32>
        %mul3A_305 = arith.mulf %mul3A_304, %mul3A_300 : vector<16xf32>
        %sub3A_306 = arith.constant 1.500000e+00 : f32
        %sub3A_307 = vector.broadcast %sub3A_306 : f32 to vector<16xf32>
        %sub3A_308 = arith.subf %sub3A_307, %mul3A_305 : vector<16xf32>
        %mul3A_309 = arith.mulf %mul3A_300, %sub3A_308 : vector<16xf32>
        %swap3A = arith.constant 0 : i32
        %swap3A_310 = arith.index_cast %swap3A : i32 to index
        %swap3A_311 = arith.constant 0 : index
        %swap3A_312 = tpu.vector_load %arg18[%swap3A_310, %swap3A_311] {strides = array<i32>} : memref<2x17xf32, #tpu.memory_space<vmem>>, vector<16xf32>,
        tpu.vector_store %arg18[%swap3A_310, %swap3A_311], %mul3A_270 {strides = array<i32>} : memref<2x17xf32, #tpu.memory_space<vmem>>, vector<16xf32>,
        %swap3A_313 = arith.constant 1 : i32
        %swap3A_314 = arith.index_cast %swap3A_313 : i32 to index
        %swap3A_315 = arith.constant 0 : index
        %swap3A_316 = tpu.vector_load %arg18[%swap3A_314, %swap3A_315] {strides = array<i32>} : memref<2x17xf32, #tpu.memory_space<vmem>>, vector<16xf32>,
        tpu.vector_store %arg18[%swap3A_314, %swap3A_315], %mul3A_309 {strides = array<i32>} : memref<2x17xf32, #tpu.memory_space<vmem>>, vector<16xf32>,
        %parallel_loop3A_317 = arith.constant 0 : i32
        %parallel_loop3A_318 = arith.constant 16 : i32
        %parallel_loop3A_319 = arith.constant 1 : i32
        scf.for %parallel_loop3A_332 = %parallel_loop3A_317 to %parallel_loop3A_318 step %parallel_loop3A_319  : i32 {
          %parallel_loop3A_333 = arith.addi %mul3A_108, %parallel_loop3A_332 : i32
          %parallel_loop3A_334 = vector.broadcast %parallel_loop3A_332 : i32 to vector<16xi32>
          %parallel_loop3A_335 = tpu.vector_load_idx %arg18[%broadcast_in_dim3A_40, %parallel_loop3A_334] : memref<2x17xf32, #tpu.memory_space<vmem>>[vector<16xi32>, vector<16xi32>], vector<16xf32>,
          %parallel_loop3A_336 = tpu.vector_load_idx %arg18[%broadcast_in_dim3A_42, %parallel_loop3A_334] : memref<2x17xf32, #tpu.memory_space<vmem>>[vector<16xi32>, vector<16xi32>], vector<16xf32>,
          %parallel_loop3A_337 = arith.index_cast %parallel_loop3A_333 : i32 to index
          %parallel_loop3A_338 = arith.constant 0 : index
          %parallel_loop3A_339 = tpu.vector_load %arg12[%parallel_loop3A_337, %parallel_loop3A_338] {strides = array<i32>} : memref<128x128xf32, #tpu.memory_space<vmem>>, vector<16xf32>,
          %parallel_loop3A_340 = arith.subf %parallel_loop3A_339, %parallel_loop3A_335 : vector<16xf32>
          %parallel_loop3A_341 = arith.mulf %parallel_loop3A_340, %parallel_loop3A_336 : vector<16xf32>
          %parallel_loop3A_342 = arith.mulf %parallel_loop3A_341, %get3A_3 : vector<16xf32>
          %parallel_loop3A_343 = arith.addf %parallel_loop3A_342, %get3A_19 : vector<16xf32>
          %parallel_loop3A_344 = arith.index_cast %parallel_loop3A_333 : i32 to index
          %parallel_loop3A_345 = arith.constant 0 : index
          %parallel_loop3A_346 = tpu.vector_load %arg12[%parallel_loop3A_344, %parallel_loop3A_345] {strides = array<i32>} : memref<128x128xf32, #tpu.memory_space<vmem>>, vector<16xf32>,
          tpu.vector_store %arg12[%parallel_loop3A_344, %parallel_loop3A_345], %parallel_loop3A_343 {strides = array<i32>} : memref<128x128xf32, #tpu.memory_space<vmem>>, vector<16xf32>,
          %parallel_loop3A_347 = arith.index_cast %parallel_loop3A_333 : i32 to index
          %parallel_loop3A_348 = arith.constant 16 : index
          %parallel_loop3A_349 = tpu.vector_load %arg12[%parallel_loop3A_347, %parallel_loop3A_348] {strides = array<i32>} : memref<128x128xf32, #tpu.memory_space<vmem>>, vector<16xf32>,
          %parallel_loop3A_350 = arith.subf %parallel_loop3A_349, %parallel_loop3A_335 : vector<16xf32>
          %parallel_loop3A_351 = arith.mulf %parallel_loop3A_350, %parallel_loop3A_336 : vector<16xf32>
          %parallel_loop3A_352 = arith.mulf %parallel_loop3A_351, %get3A_5 : vector<16xf32>
          %parallel_loop3A_353 = arith.addf %parallel_loop3A_352, %get3A_21 : vector<16xf32>
          %parallel_loop3A_354 = arith.index_cast %parallel_loop3A_333 : i32 to index
          %parallel_loop3A_355 = arith.constant 16 : index
          %parallel_loop3A_356 = tpu.vector_load %arg12[%parallel_loop3A_354, %parallel_loop3A_355] {strides = array<i32>} : memref<128x128xf32, #tpu.memory_space<vmem>>, vector<16xf32>,
          tpu.vector_store %arg12[%parallel_loop3A_354, %parallel_loop3A_355], %parallel_loop3A_353 {strides = array<i32>} : memref<128x128xf32, #tpu.memory_space<vmem>>, vector<16xf32>,
          %parallel_loop3A_357 = arith.index_cast %parallel_loop3A_333 : i32 to index
          %parallel_loop3A_358 = arith.constant 32 : index
          %parallel_loop3A_359 = tpu.vector_load %arg12[%parallel_loop3A_357, %parallel_loop3A_358] {strides = array<i32>} : memref<128x128xf32, #tpu.memory_space<vmem>>, vector<16xf32>,
          %parallel_loop3A_360 = arith.subf %parallel_loop3A_359, %parallel_loop3A_335 : vector<16xf32>
          %parallel_loop3A_361 = arith.mulf %parallel_loop3A_360, %parallel_loop3A_336 : vector<16xf32>
          %parallel_loop3A_362 = arith.mulf %parallel_loop3A_361, %get3A_7 : vector<16xf32>
          %parallel_loop3A_363 = arith.addf %parallel_loop3A_362, %get3A_23 : vector<16xf32>
          %parallel_loop3A_364 = arith.index_cast %parallel_loop3A_333 : i32 to index
          %parallel_loop3A_365 = arith.constant 32 : index
          %parallel_loop3A_366 = tpu.vector_load %arg12[%parallel_loop3A_364, %parallel_loop3A_365] {strides = array<i32>} : memref<128x128xf32, #tpu.memory_space<vmem>>, vector<16xf32>,
          tpu.vector_store %arg12[%parallel_loop3A_364, %parallel_loop3A_365], %parallel_loop3A_363 {strides = array<i32>} : memref<128x128xf32, #tpu.memory_space<vmem>>, vector<16xf32>,
          %parallel_loop3A_367 = arith.index_cast %parallel_loop3A_333 : i32 to index
          %parallel_loop3A_368 = arith.constant 48 : index
          %parallel_loop3A_369 = tpu.vector_load %arg12[%parallel_loop3A_367, %parallel_loop3A_368] {strides = array<i32>} : memref<128x128xf32, #tpu.memory_space<vmem>>, vector<16xf32>,
          %parallel_loop3A_370 = arith.subf %parallel_loop3A_369, %parallel_loop3A_335 : vector<16xf32>
          %parallel_loop3A_371 = arith.mulf %parallel_loop3A_370, %parallel_loop3A_336 : vector<16xf32>
          %parallel_loop3A_372 = arith.mulf %parallel_loop3A_371, %get3A_9 : vector<16xf32>
          %parallel_loop3A_373 = arith.addf %parallel_loop3A_372, %get3A_25 : vector<16xf32>
          %parallel_loop3A_374 = arith.index_cast %parallel_loop3A_333 : i32 to index
          %parallel_loop3A_375 = arith.constant 48 : index
          %parallel_loop3A_376 = tpu.vector_load %arg12[%parallel_loop3A_374, %parallel_loop3A_375] {strides = array<i32>} : memref<128x128xf32, #tpu.memory_space<vmem>>, vector<16xf32>,
          tpu.vector_store %arg12[%parallel_loop3A_374, %parallel_loop3A_375], %parallel_loop3A_373 {strides = array<i32>} : memref<128x128xf32, #tpu.memory_space<vmem>>, vector<16xf32>,
          %parallel_loop3A_377 = arith.index_cast %parallel_loop3A_333 : i32 to index
          %parallel_loop3A_378 = arith.constant 64 : index
          %parallel_loop3A_379 = tpu.vector_load %arg12[%parallel_loop3A_377, %parallel_loop3A_378] {strides = array<i32>} : memref<128x128xf32, #tpu.memory_space<vmem>>, vector<16xf32>,
          %parallel_loop3A_380 = arith.subf %parallel_loop3A_379, %parallel_loop3A_335 : vector<16xf32>
          %parallel_loop3A_381 = arith.mulf %parallel_loop3A_380, %parallel_loop3A_336 : vector<16xf32>
          %parallel_loop3A_382 = arith.mulf %parallel_loop3A_381, %get3A_11 : vector<16xf32>
          %parallel_loop3A_383 = arith.addf %parallel_loop3A_382, %get3A_27 : vector<16xf32>
          %parallel_loop3A_384 = arith.index_cast %parallel_loop3A_333 : i32 to index
          %parallel_loop3A_385 = arith.constant 64 : index
          %parallel_loop3A_386 = tpu.vector_load %arg12[%parallel_loop3A_384, %parallel_loop3A_385] {strides = array<i32>} : memref<128x128xf32, #tpu.memory_space<vmem>>, vector<16xf32>,
          tpu.vector_store %arg12[%parallel_loop3A_384, %parallel_loop3A_385], %parallel_loop3A_383 {strides = array<i32>} : memref<128x128xf32, #tpu.memory_space<vmem>>, vector<16xf32>,
          %parallel_loop3A_387 = arith.index_cast %parallel_loop3A_333 : i32 to index
          %parallel_loop3A_388 = arith.constant 80 : index
          %parallel_loop3A_389 = tpu.vector_load %arg12[%parallel_loop3A_387, %parallel_loop3A_388] {strides = array<i32>} : memref<128x128xf32, #tpu.memory_space<vmem>>, vector<16xf32>,
          %parallel_loop3A_390 = arith.subf %parallel_loop3A_389, %parallel_loop3A_335 : vector<16xf32>
          %parallel_loop3A_391 = arith.mulf %parallel_loop3A_390, %parallel_loop3A_336 : vector<16xf32>
          %parallel_loop3A_392 = arith.mulf %parallel_loop3A_391, %get3A_13 : vector<16xf32>
          %parallel_loop3A_393 = arith.addf %parallel_loop3A_392, %get3A_29 : vector<16xf32>
          %parallel_loop3A_394 = arith.index_cast %parallel_loop3A_333 : i32 to index
          %parallel_loop3A_395 = arith.constant 80 : index
          %parallel_loop3A_396 = tpu.vector_load %arg12[%parallel_loop3A_394, %parallel_loop3A_395] {strides = array<i32>} : memref<128x128xf32, #tpu.memory_space<vmem>>, vector<16xf32>,
          tpu.vector_store %arg12[%parallel_loop3A_394, %parallel_loop3A_395], %parallel_loop3A_393 {strides = array<i32>} : memref<128x128xf32, #tpu.memory_space<vmem>>, vector<16xf32>,
          %parallel_loop3A_397 = arith.index_cast %parallel_loop3A_333 : i32 to index
          %parallel_loop3A_398 = arith.constant 96 : index
          %parallel_loop3A_399 = tpu.vector_load %arg12[%parallel_loop3A_397, %parallel_loop3A_398] {strides = array<i32>} : memref<128x128xf32, #tpu.memory_space<vmem>>, vector<16xf32>,
          %parallel_loop3A_400 = arith.subf %parallel_loop3A_399, %parallel_loop3A_335 : vector<16xf32>
          %parallel_loop3A_401 = arith.mulf %parallel_loop3A_400, %parallel_loop3A_336 : vector<16xf32>
          %parallel_loop3A_402 = arith.mulf %parallel_loop3A_401, %get3A_15 : vector<16xf32>
          %parallel_loop3A_403 = arith.addf %parallel_loop3A_402, %get3A_31 : vector<16xf32>
          %parallel_loop3A_404 = arith.index_cast %parallel_loop3A_333 : i32 to index
          %parallel_loop3A_405 = arith.constant 96 : index
          %parallel_loop3A_406 = tpu.vector_load %arg12[%parallel_loop3A_404, %parallel_loop3A_405] {strides = array<i32>} : memref<128x128xf32, #tpu.memory_space<vmem>>, vector<16xf32>,
          tpu.vector_store %arg12[%parallel_loop3A_404, %parallel_loop3A_405], %parallel_loop3A_403 {strides = array<i32>} : memref<128x128xf32, #tpu.memory_space<vmem>>, vector<16xf32>,
          %parallel_loop3A_407 = arith.index_cast %parallel_loop3A_333 : i32 to index
          %parallel_loop3A_408 = arith.constant 112 : index
          %parallel_loop3A_409 = tpu.vector_load %arg12[%parallel_loop3A_407, %parallel_loop3A_408] {strides = array<i32>} : memref<128x128xf32, #tpu.memory_space<vmem>>, vector<16xf32>,
          %parallel_loop3A_410 = arith.subf %parallel_loop3A_409, %parallel_loop3A_335 : vector<16xf32>
          %parallel_loop3A_411 = arith.mulf %parallel_loop3A_410, %parallel_loop3A_336 : vector<16xf32>
          %parallel_loop3A_412 = arith.mulf %parallel_loop3A_411, %get3A_17 : vector<16xf32>
          %parallel_loop3A_413 = arith.addf %parallel_loop3A_412, %get3A_33 : vector<16xf32>
          %parallel_loop3A_414 = arith.index_cast %parallel_loop3A_333 : i32 to index
          %parallel_loop3A_415 = arith.constant 112 : index
          %parallel_loop3A_416 = tpu.vector_load %arg12[%parallel_loop3A_414, %parallel_loop3A_415] {strides = array<i32>} : memref<128x128xf32, #tpu.memory_space<vmem>>, vector<16xf32>,
          tpu.vector_store %arg12[%parallel_loop3A_414, %parallel_loop3A_415], %parallel_loop3A_413 {strides = array<i32>} : memref<128x128xf32, #tpu.memory_space<vmem>>, vector<16xf32>,
        } {sc.loop_unroll_factor = 4 : i64, sc.parallel_access}
        %mul3A_320 = arith.constant 128 : i32
        %mul3A_321 = arith.muli %add3A_85, %mul3A_320 : i32
        %add3A_322 = arith.addi %mul3A_2, %mul3A_321 : i32
        %add3A_323 = arith.addi %add3A_322, %mul3A_108 : i32
        %dma_start3A_324 = arith.constant 0 : i32
        %dma_start3A_325 = tpu.memref_slice %arg12[%mul3A_108, %dma_start3A_324] : memref<128x128xf32, #tpu.memory_space<vmem>> -> memref<16x128xf32, #tpu.memory_space<vmem>>
        %dma_start3A_326 = arith.constant 0 : i32
        %dma_start3A_327 = tpu.memref_slice %arg8[%add3A_323, %dma_start3A_326] : memref<204800x128xf32, #tpu.memory_space<hbm>> -> memref<16x128xf32, #tpu.memory_space<hbm>>
        %dma_start3A_328 = arith.constant 0 : i32
        %dma_start3A_329 = tpu.memref_slice %arg8[%add3A_323, %dma_start3A_328] : memref<204800x128xf32, #tpu.memory_space<hbm>> -> memref<16x128xf32, #tpu.memory_space<hbm>>
        %dma_start3A_330 = arith.constant 0 : i32
        %dma_start3A_331 = tpu.memref_slice %arg12[%mul3A_108, %dma_start3A_330] : memref<128x128xf32, #tpu.memory_space<vmem>> -> memref<16x128xf32, #tpu.memory_space<vmem>>
        tpu.enqueue_dma source(%dma_start3A_331 : memref<16x128xf32, #tpu.memory_space<vmem>>) target(%dma_start3A_329 : memref<16x128xf32, #tpu.memory_space<hbm>>) target_semaphore(%arg22 : memref<!tpu.dma_semaphore, #tpu.memory_space<semaphore_mem>>)
      }
      %scan3A_105 = arith.constant 8 : i32
    }
    %scan3A_48 = arith.constant 25 : i32
    %add3A_49 = arith.constant 6144 : i32
    %add3A_50 = arith.addi %mul3A_2, %add3A_49 : i32
    %dma_wait3A = arith.constant 0 : i32
    %dma_wait3A_51 = tpu.memref_slice %arg8[%add3A_50, %dma_wait3A] : memref<204800x128xf32, #tpu.memory_space<hbm>> -> memref<128x128xf32, #tpu.memory_space<hbm>>
    %dma_wait3A_52 = arith.constant 0 : i32
    %dma_wait3A_53 = tpu.memref_slice %arg8[%add3A_50, %dma_wait3A_52] : memref<204800x128xf32, #tpu.memory_space<hbm>> -> memref<128x128xf32, #tpu.memory_space<hbm>>
    tpu.wait_dma2 semaphore(%arg21 : memref<!tpu.dma_semaphore, #tpu.memory_space<semaphore_mem>>) src(%arg11 : memref<128x128xf32, #tpu.memory_space<vmem>>) dst(%dma_wait3A_53 : memref<128x128xf32, #tpu.memory_space<hbm>>)
    %add3A_54 = arith.constant 6272 : i32
    %add3A_55 = arith.addi %mul3A_2, %add3A_54 : i32
    %dma_wait3A_56 = arith.constant 0 : i32
    %dma_wait3A_57 = tpu.memref_slice %arg8[%add3A_55, %dma_wait3A_56] : memref<204800x128xf32, #tpu.memory_space<hbm>> -> memref<128x128xf32, #tpu.memory_space<hbm>>
    %dma_wait3A_58 = arith.constant 0 : i32
    %dma_wait3A_59 = tpu.memref_slice %arg8[%add3A_55, %dma_wait3A_58] : memref<204800x128xf32, #tpu.memory_space<hbm>> -> memref<128x128xf32, #tpu.memory_space<hbm>>
    tpu.wait_dma2 semaphore(%arg22 : memref<!tpu.dma_semaphore, #tpu.memory_space<semaphore_mem>>) src(%arg12 : memref<128x128xf32, #tpu.memory_space<vmem>>) dst(%dma_wait3A_59 : memref<128x128xf32, #tpu.memory_space<hbm>>)
    return
  }
}

</mosaic_0001>

<sc_bundles>
// kernel: kernel.3.cloned.1.call-start
scs
__scs_entry_jumppad:
0x0: {  	(pc) =	sbr.rel $0x88, $3  }
0x1: {  	(tag) =	ssettag $0x0;
	lr =	simm.s32 $0x1  }
0x2: {  	[smem:$0x3F9B] =	sst lr;
	_ =	strace $0xD0000000  }
0x3: {  	_ = 	snop  }
0x4: {  	_ = 	snop  }
0x5: {  	_ = 	snop  }
0x6: {  	_ = 	snop  }
0x7: {  	_ = 	snop  }
__scs_overlays_trampoline_lowered:
0x8: {  	[smem:$0x3FAA] =	sst s0  }
0x9: {  	[smem:$0x3FAB] =	sst s1  }
0xa: {  	[smem:$0x3FAC] =	sst s2  }
0xb: {  	[smem:$0x3FAD] =	sst s3  }
0xc: {  	[smem:$0x3FAE] =	sst s4  }
0xd: {  	[smem:$0x3FAF] =	sst s5  }
0xe: {  	[smem:$0x3FB0] =	sst s6  }
0xf: {  	[smem:$0x3FB1] =	sst s7  }
0x10: {  	[smem:$0x3FB2] =	sst s8  }
0x11: {  	[smem:$0x3FB3] =	sst s9;
	s0 =	simm.s32 @!p0 $0x0  }
0x12: {  	s1 =	sld [smem:$0x3F99];
	s0 =	simm.s32 @p0 $0x1  }
0x13: {  	[smem:$0x3FB4] =	sst s0;
	s0 =	simm.s32 @!p1 $0x0  }
0x14: {  	s2 =	sld [smem:$0x3F98];
	s0 =	simm.s32 @p1 $0x1  }
0x15: {  	[smem:$0x3FB5] =	sst s0;
	s0 =	simm.s32 @!p2 $0x0  }
0x16: {  	s3 =	sld [smem:$0x3FDB];
	s0 =	simm.s32 @p2 $0x1  }
0x17: {  	s4 =	simm.s32 $0x1BF5;
	[smem:$0x3FB7] =	sst s0  }
0x18: {  	s0 =	sld [smem:$0x3F9A];
	_ =	swait.ge [sflag:s4], $0x0  }
0x19: {  	s7 =	sld [smem:$0x3F9B]  }
0x1a: {  	s8 =	sadd.s32 $0xFFFFE003, lr  }
0x1b: {  	s9 =	sadd.s32 $0xFFFFFEF7, lr;
	s5 =	simm.s32 $0xFFFFFFFF;
	p2 =	slt.u32 s8, $0xFFFFF086  }
0x1c: {  	p1 =	slt.u32 s9, $0xF7A;
	s5 =	simm.s32 @!p2 $0x0  }
0x1d: {  	s5 =	simm.s32 @p1 $0x1;
	p0 =	seq.s32 s7, s2  }
0x1e: {  	s7 =	smul.u32 @!p0 $0xF7A, s2;
	p2 =	seq.s32 @!p0 s5, $0x0  }
0x1f: {  	s9 =	smul.u32 $0xF7A, s1;
	s8 =	simm.s32 @!p0 $0x1BF5;
	p2 =	por !p2, p0  }
0x20: {  	[sflag:s8] =	ssyncset.s32 @!p0 $0xFFFFF086;
	s6 =	sadd.s32 @!p0 s3, s7;
	s7 =	simm.s32 @!p0 $0x108  }
0x21: {  	s3 =	sadd.s32 s3, s9;
	s6 =	sadd.s32 @!p0 $0x88, s6;
	s7 =	simm.s32 @p2 $0x1082  }
0x22: {  	[simem:s7], [sflag:s8] =	dma.local @!p0 [hbm:s6], $0xF7A  }
0x23: {  	s9 =	sor.u32 $0xD0000000, s2;
	s6 =	simm.s32 $0x108;
	_ =	swait.ge @!p0 [sflag:s8], $0x0  }
0x24: {  	s3 =	sadd.s32 $0x88, s3;
	s6 =	simm.s32 @!p1 $0x1082;
	[sflag:s4] =	ssyncset.s32 $0xFFFFF086  }
0x25: {  	[simem:s6], [sflag:s4] =	dma.local [hbm:s3], $0xF7A  }
0x26: {  	[smem:$0x3F9B] =	sst s1;
	(tag) =	ssettag s2;
	_ =	strace s9  }
0x27: {  	s1 =	sld [smem:$0x3FAB]  }
0x28: {  	s2 =	sld [smem:$0x3FAC]  }
0x29: {  	s4 =	sld [smem:$0x3FAE]  }
0x2a: {  	p0 =	seq.s32 s5, $0x0;
	s5 =	sld [smem:$0x3FAF]  }
0x2b: {  	s6 =	sld [smem:$0x3FB0]  }
0x2c: {  	s7 =	sld [smem:$0x3FB1]  }
0x2d: {  	s3 =	simm.s32 $0x108;
	s8 =	sld [smem:$0x3FB2]  }
0x2e: {  	s3 =	simm.s32 @!p0 $0x1082;
	s9 =	sld [smem:$0x3FB3]  }
0x2f: {  	lr =	sadd.s32 s0, s3;
	s0 =	sld [smem:$0x3FAA]  }
0x30: {  	s3 =	sld [smem:$0x3FAD]  }
0x31: {  	[smem:$0x3FB6] =	sst s10  }
0x32: {  	s10 =	sld [smem:$0x3FB4];
	_ =	sdelay $0x3  }
0x33: {  	p0 =	seq.s32 s10, $0x1;
	s10 =	sld [smem:$0x3FB6];
	_ =	sdelay $0x3  }
0x34: {  	[smem:$0x3FB6] =	sst s10  }
0x35: {  	s10 =	sld [smem:$0x3FB5];
	_ =	sdelay $0x3  }
0x36: {  	p1 =	seq.s32 s10, $0x1;
	s10 =	sld [smem:$0x3FB6];
	_ =	sdelay $0x3  }
0x37: {  	[smem:$0x3FB6] =	sst s10  }
0x38: {  	s10 =	sld [smem:$0x3FB7]  }
0x39: {  	_ = 	snop;
	(pc) =	sbr.ind lr, $3  }
0x3a: {  	_ = 	snop  }
0x3b: {  	_ = 	snop  }
0x3c: {  	p2 =	seq.s32 s10, $0x1;
	s10 =	sld [smem:$0x3FB6]  }
0x3d: {  	_ =	shalt  }
0x3e: {  	_ =	shalt  }
0x3f: {  	_ =	shalt  }
0x40: {  	_ =	shalt  }
0x41: {  	_ =	shalt  }
0x42: {  	_ =	shalt  }
0x43: {  	_ =	shalt  }
0x44: {  	_ =	shalt  }
0x45: {  	_ =	shalt  }
0x46: {  	_ =	shalt  }
0x47: {  	_ =	shalt  }
0x48: {  	_ =	shalt  }
0x49: {  	_ =	shalt  }
0x4a: {  	_ =	shalt  }
0x4b: {  	_ =	shalt  }
0x4c: {  	_ =	shalt  }
0x4d: {  	_ =	shalt  }
0x4e: {  	_ =	shalt  }
0x4f: {  	_ =	shalt  }
0x50: {  	_ =	shalt  }
0x51: {  	_ =	shalt  }
0x52: {  	_ =	shalt  }
0x53: {  	_ =	shalt  }
0x54: {  	_ =	shalt  }
0x55: {  	_ =	shalt  }
0x56: {  	_ =	shalt  }
0x57: {  	_ =	shalt  }
0x58: {  	_ =	shalt  }
0x59: {  	_ =	shalt  }
0x5a: {  	_ =	shalt  }
0x5b: {  	_ =	shalt  }
0x5c: {  	_ =	shalt  }
0x5d: {  	_ =	shalt  }
0x5e: {  	_ =	shalt  }
0x5f: {  	_ =	shalt  }
0x60: {  	_ =	shalt  }
0x61: {  	_ =	shalt  }
0x62: {  	_ =	shalt  }
0x63: {  	_ =	shalt  }
0x64: {  	_ =	shalt  }
0x65: {  	_ =	shalt  }
0x66: {  	_ =	shalt  }
0x67: {  	_ =	shalt  }
0x68: {  	_ =	shalt  }
0x69: {  	_ =	shalt  }
0x6a: {  	_ =	shalt  }
0x6b: {  	_ =	shalt  }
0x6c: {  	_ =	shalt  }
0x6d: {  	_ =	shalt  }
0x6e: {  	_ =	shalt  }
0x6f: {  	_ =	shalt  }
0x70: {  	_ =	shalt  }
0x71: {  	_ =	shalt  }
0x72: {  	_ =	shalt  }
0x73: {  	_ =	shalt  }
0x74: {  	_ =	shalt  }
0x75: {  	_ =	shalt  }
0x76: {  	_ =	shalt  }
0x77: {  	_ =	shalt  }
0x78: {  	_ =	shalt  }
0x79: {  	_ =	shalt  }
0x7a: {  	_ =	shalt  }
0x7b: {  	_ =	shalt  }
0x7c: {  	_ =	shalt  }
0x7d: {  	_ =	shalt  }
0x7e: {  	_ =	shalt  }
0x7f: {  	_ =	shalt  }
0x80: {  	_ =	shalt  }
0x81: {  	_ =	shalt  }
0x82: {  	_ =	shalt  }
0x83: {  	_ =	shalt  }
0x84: {  	_ =	shalt  }
0x85: {  	_ =	shalt  }
0x86: {  	_ =	shalt  }
0x87: {  	_ =	shalt  }
.Lfunc_end0:
.L_simem_size_0:
called_computation_lowered:
.L_overlay_start_0:
0x88: {  	s2 =	sld [smem:$0x3FD9]  }
0x89: {  	s3 =	sld [smem:$0x3FFE];
	_ =	sdelay $0x1  }
0x8a: {  	s1 =	srdreg.scid  }
0x8b: {  	s0 =	sand.u32 $0x1, s1  }
0x8c: {  	s17 =	sshll.u32 s0, $0xA;
	s2 =	sadd.s32 s3, s2  }
0x8d: {  	s2 =	sadd.s32 s2, s17  }
0x8e: {  	[smem:$0x3FC2] =	sst s2  }
0x8f: {  	_ = 	snop  }
0x90: {  	s2 =	sld [smem:$0x3FC7]  }
0x91: {  	s18 =	sld [smem:$0x3FC6]  }
0x92: {  	s4 =	sld [smem:$0x3FC5]  }
0x93: {  	s5 =	sld [smem:$0x3FC4]  }
0x94: {  	s6 =	sld [smem:$0x3FD0];
	(tm) =	ssettm $0x1  }
0x95: {  	s7 =	sld [smem:$0x3FFB];
	_ =	sdelay $0x3  }
0x96: {  	_ =	strace s7  }
0x97: {  	s7 =	sld [smem:$0x3FFC];
	_ =	sdelay $0x3  }
0x98: {  	_ =	strace s7  }
0x99: {  	s7 =	sld [smem:$0x3FFD];
	_ =	sdelay $0x3  }
0x9a: {  	_ =	strace s7  }
0x9b: {  	_ =	strace $0x8FFFFFFF  }
0x9c: {  	s19 =	sld [smem:$0x3FDB];
	_ =	sdelay $0x1  }
0x9d: {  	s8 =	simm.s32 $_scs_section_size  }
0x9e: {  	s9 =	simm.s32 $_size__tile_overlayer_lowered;
	s10 =	simm.s32 $_tile_overlayer_lowered  }
0x9f: {  	s22 =	simm.s32 $0x1BFF;
	s21 =	sshll.u32 s10, $0x1;
	s7 =	sadd.s32 s8, s19  }
0xa0: {  	s11 =	simm.s32 $0x0;
	s20 =	sshll.u32 s9, $0x1;
	s9 =	sadd.s32 s21, s7  }
0xa1: {  	[timem:s11], [sflag:s22] =	dma.local [hbm:s9], s20  }
0xa2: {  	_ =	swait.ge [sflag:s22], s20  }
0xa3: {  	s8 =	ssub.s32 $0x0, s20;
	[sflag:s22] =	ssyncset.done $0x0  }
0xa4: {  	[sflag:s22] =	ssyncadd.s32 s8;
	_ =	sdelay $0x1  }
0xa5: {  	s23 =	simm.s32 $0x1B8B  }
0xa6: {  	_ =	swait.ge [sflag:s23], $0x1  }
0xa7: {  	[sflag:s23] =	ssyncset.done $0x0  }
0xa8: {  	s25 =	simm.s32 $0x1B8E;
	s24 =	sld [smem:$0x3FFE];
	[sflag:s23] =	ssyncadd.s32 $0xFFFFFFFF  }
0xa9: {  	s26 =	simm.s32 $execute0_lowered;
	[smem:$0x3FD2] =	sst s25  }
0xaa: {  	s9 =	sshll.u32 s26, $0x1;
	_ =	strace $0x80000046;
	[dreg:$0x1] =	wrdreg $0xFFFFFFFF  }
0xab: {  	s28 =	simm.s32 $_size_execute0_lowered;
	s7 =	sadd.s32 s7, s9;
	[dreg:$0x0] =	wrdreg $0x0  }
0xac: {  	s9 =	sshll.u32 s28, $0x1;
	[dreg:$0x2] =	wrdreg s7  }
0xad: {  	[dreg:$0x3] =	wrdreg s9  }
0xae: {  	[dreg:$0x4] =	wrdreg $0xC0  }
0xaf: {  	_ =	task [dreg:s11], $0x5FFFF  }
0xb0: {  	[dreg:$0x1] =	wrdreg $0xFFFFFFFF  }
0xb1: {  	[dreg:$0x0] =	wrdreg $0x60  }
0xb2: {  	[dreg:$0x2] =	wrdreg s24  }
0xb3: {  	[dreg:$0x3] =	wrdreg s2  }
0xb4: {  	[dreg:$0x4] =	wrdreg s18  }
0xb5: {  	[dreg:$0x5] =	wrdreg s4  }
0xb6: {  	[dreg:$0x6] =	wrdreg s5  }
0xb7: {  	[dreg:$0x7] =	wrdreg s6  }
0xb8: {  	[dreg:$0x8] =	wrdreg $0x9  }
0xb9: {  	_ =	task.clear_ibuf [dreg:s11], $0x9FFFF;
	_ =	strace $0x90000046  }
0xba: {  	s29 =	simm.s32 $0x9;
	_ =	strace $0x80000048  }
0xbb: {  	_ =	swait.ge [sflag:s29], $0x1  }
0xbc: {  	[sflag:s29] =	ssyncadd.s32 $0xFFFFFFFF  }
0xbd: {  	_ =	strace $0x90000048  }
0xbe: {  	_ =	sfence  }
0xbf: {  	s30 =	sld [smem:$0x0];
	_ =	sdelay $0x2  }
0xc0: {  	s31 =	sshll.u32 s1, $0xD;
	s1 =	sshrl.u32 s1, $0x2  }
0xc1: {  	s3 =	sand.u32 $0x4000, s31;
	s1 =	sadd.s32 s1, s30  }
0xc2: {  	s0 =	sor.u32 s3, s0;
	s1 =	sshll.u32 s1, $0x11  }
0xc3: {  	s0 =	sor.u32 s1, s0  }
0xc4: {  	s0 =	sadd.s32 $0x8F2B, s0  }
0xc5: {  	[sflag:s0] =	ssyncadd.remote.s32 $0x1  }
0xc6: {  	_ =	sfence.sel $0xFFFF  }
0xc7: {  	[dreg:$0x0] =	wrdreg $0xFFFFFFFF;
	(pc) =	sbr.abs _section_cstart, $3  }
0xc8: {  	[dreg:$0x1] =	wrdreg $0xFFFFFFFF  }
0xc9: {  	_ =	task.clear_ibuf [dreg:s11], $0x2FFFF;
	_ =	strace $0x9FFFFFFF  }
0xca: {  	(tm) =	ssettm $0x7FFFFFFF  }
0xcb: {  	_ =	shalt  }
tec
execute0_lowered:
.L_overlay_start_1:
0x0: {  	(tag) =	ssettag $0x1  }
0x1: {  	s0 =	rddreg [dreg:$0x0]  }
0x2: {  	s1 =	rddreg [dreg:$0x1];
	s2 =	srdreg.scid  }
0x3: {  	s3 =	stileid.u32;
	s6 =	rddreg [dreg:$0x5]  }
0x4: {  	s7 =	simm.s32 $0x0;
	s12 =	simm.s32 $0x5;
	s13 =	simm.s32 $0x1C00  }
0x5: {  	s14 =	simm.s32 $0xB800;
	s17 =	simm.s32 $0x80;
	s19 =	simm.s32 $0x1  }
0x6: {  	s20 =	simm.s32 $0x7800;
	s2 =	sand.u32 $0x1, s2;
	s3 =	sshll.u32 s3, $0x1  }
0x7: {  	s21 =	simm.s32 $0x1B900;
	s3 =	sor.u32 s2, s3;
	s2 =	ssub.s32 $0x2, s2  }
0x8: {  	s22 =	simm.s32 $0x1C100;
	s4 =	smul.u32 $0x380, s3;
	s29 =	sshrl.u32 s2, $0x1  }
0x9: {  	s23 =	simm.s32 $0x1C900;
	s24 =	simm.s32 $0x2;
	s2 =	ssub.s32 s2, s29  }
0xa: {  	v63 =	vlaneseq.u32;
	[smem:$0x7FF] =	sst s7;
	s0 =	sadd.s32 s4, s0;
	s31 =	smax.u32 s2, $0x1  }
0xb: {  	v1 =	vor.u32 $0x10, v63;
	v2 =	vor.u32 $0x20, v63;
	_ =	strace $0x80000047;
	s30 =	sadd.s32 $0x400, s0;
	[dreg:$0x9] =	wrdreg s31  }
0xc: {  	s26 =	simm.s32 $0x4;
	v3 =	vor.u32 $0x30, v63;
	v4 =	vor.u32 $0x40, v63;
	v5 =	vor.u32 $0x50, v63;
	s0 =	sadd.s32 $0x7400, s0;
	[dreg:$0x7] =	wrdreg s30  }
0xd: {  	s28 =	simm.s32 $0x0;
	v6 =	vor.u32 $0x60, v63;
	v7 =	vor.u32 $0x70, v63;
	v8 =	vmul.u32 $0x80, v63;
	s8 =	smul.u32 $0x1900, s3;
	[dreg:$0x8] =	wrdreg s0  }
.LBB2_1:
0xe: {  	s0 =	rddreg [dreg:$0x7]  }
0xf: {  	[tilespmem:s7], [sflag:$0x5] =	stream.linear.gather [hbm4b:s0+s7], $0x1900, $0x38;
	[tilespmem:$0x1CA00] =	vst v63  }
0x10: {  	_ =	swait.ge [sflag:s12], $0x1900  }
0x11: {  	[sflag:s12] =	ssyncset.done $0x0  }
0x12: {  	s15 =	rddreg [dreg:$0x8];
	[sflag:s12] =	ssyncadd.s32 $0xFFFFE700  }
0x13: {  	[tilespmem:s13], [sflag:$0x5] =	stream.linear.gather [hbm4b:s15+s7], $0x1900, $0x38;
	[tilespmem:$0x1CA00] =	vst v63  }
0x14: {  	_ =	swait.ge [sflag:s12], $0x1900  }
0x15: {  	[sflag:s12] =	ssyncset.done $0x0  }
0x16: {  	[sflag:s12] =	ssyncadd.s32 $0xFFFFE700  }
0x17: {  	s16 =	rddreg [dreg:$0x2]  }
0x18: {  	[tilespmem:s14], [sflag:$0x5] =	stream.linear.gather [hbm4b:s16+s7], $0x10000, $0x38;
	[tilespmem:$0x1CA00] =	vst v63  }
0x19: {  	_ =	swait.ge [sflag:s12], $0x10000  }
0x1a: {  	[sflag:s12] =	ssyncset.done $0x0  }
0x1b: {  	[sflag:s12] =	ssyncadd.s32 $0xFFFF0000  }
0x1c: {  	s2 =	simm.s32 $0x1B800;
	s18 =	rddreg [dreg:$0x3]  }
0x1d: {  	[tilespmem:s2], [sflag:$0x5] =	stream.linear.gather [hbm4b:s18+s7], $0x80, $0x38;
	[tilespmem:$0x1CA00] =	vst v63  }
0x1e: {  	_ =	swait.ge [sflag:s12], $0x80  }
0x1f: {  	[sflag:s12] =	ssyncset.done $0x0  }
0x20: {  	[sflag:s12] =	ssyncadd.s32 $0xFFFFFF80  }
0x21: {  	s30 =	simm.s32 $0x1B880;
	s25 =	rddreg [dreg:$0x4]  }
0x22: {  	[tilespmem:s30], [sflag:$0x5] =	stream.linear.gather [hbm4b:s25+s7], $0x80, $0x38;
	[tilespmem:$0x1CA00] =	vst v63  }
0x23: {  	_ =	swait.ge [sflag:s12], $0x80  }
0x24: {  	[sflag:s12] =	ssyncset.done $0x0  }
0x25: {  	[sflag:s12] =	ssyncadd.s32 $0xFFFFFF80  }
0x26: {  	v9 =	vld [tilespmem:$0x1B800]  }
0x27: {  	v10 =	vld [tilespmem:$0x1B810]  }
0x28: {  	v11 =	vld [tilespmem:$0x1B820]  }
0x29: {  	v12 =	vld [tilespmem:$0x1B830]  }
0x2a: {  	v13 =	vld [tilespmem:$0x1B840]  }
0x2b: {  	v14 =	vld [tilespmem:$0x1B850]  }
0x2c: {  	v15 =	vld [tilespmem:$0x1B860]  }
0x2d: {  	v16 =	vld [tilespmem:$0x1B870]  }
0x2e: {  	v17 =	vld [tilespmem:$0x1B880]  }
0x2f: {  	v18 =	vld [tilespmem:$0x1B890]  }
0x30: {  	v19 =	vld [tilespmem:$0x1B8A0]  }
0x31: {  	v20 =	vld [tilespmem:$0x1B8B0]  }
0x32: {  	v21 =	vld [tilespmem:$0x1B8C0]  }
0x33: {  	v22 =	vld [tilespmem:$0x1B8D0]  }
0x34: {  	s31 =	simm.s32 $0x3800;
	s29 =	simm.s32 $0x0;
	v23 =	vld [tilespmem:$0x1B8E0]  }
0x35: {  	v24 =	vld [tilespmem:$0x1B8F0];
	[tilespmem:s31], [sflag:$0x1] =	stream.indirect.gather [hbm4b:s1+s17], $0x80, s7, s17, $0xb8  }
.LBB2_2:
0x36: {  	_ =	swait.ge [sflag:s19], $0x4000;
	p0 =	seq.s32 s29, $0x0  }
0x37: {  	s2 =	sshllo.u32 s29, $0x1;
	s15 =	sshll.u32 s29, $0x1;
	[sflag:s19] =	ssyncset.done $0x0  }
0x38: {  	s25 =	sshll.u32 s29, $0x8;
	s0 =	simm.s32 @!p0 $0x4;
	[sflag:s19] =	ssyncadd.s32 $0xFFFFC000  }
0x39: {  	s4 =	simm.s32 $0x0;
	s30 =	sshll.u32 s2, $0x7;
	_ =	swait.ge @!p0 [sflag:s0], $0x4000  }
0x3a: {  	s18 =	sshll.u32 s15, $0x7;
	s31 =	sadd.s32 s8, s25;
	[sflag:s0] =	ssyncset.done @!p0 $0x0  }
0x3b: {  	s16 =	sand.u32 $0x3FFFFF80, s30;
	[sflag:s0] =	ssyncadd.s32 @!p0 $0xFFFFC000;
	s0 =	simm.s32 $0x3900  }
0x3c: {  	v25 =	vmov s18;
	[tilespmem:s20], [sflag:$0x2] =	stream.indirect.gather [hbm4b:s1+s17], $0x80, s16, s17, $0xb8;
	[tilespmem:$0x1CA00] =	vst v63  }
.LBB2_3:
0x3d: {  	s2 =	sshll.u32 s4, $0x4;
	p0 =	por $0x1, $0x1;
	s3 =	simm.s32 $0x0  }
.LBB2_4:
0x3e: {  	s5 =	sor.u32 s2, s3  }
0x3f: {  	v26 =	vmov s5  }
0x40: {  	v26 =	vand.u32 $0x78, v26  }
0x41: {  	v26 =	vor.u32 v25, v26  }
0x42: {  	v26 =	vbroadcast v26, $0x0  }
0x43: {  	s5 =	sshll.u32 s5, $0x7  }
0x44: {  	s18 =	sand.u32 $0x3FFFFF80, s5  }
0x45: {  	s10 =	sor.u32 $0x1, s3;
	v30 =	vld [tilespmem:s18+$0x3800]  }
0x46: {  	s11 =	sor.u32 s2, s10;
	v32 =	vld [tilespmem:s18+$0x3810]  }
0x47: {  	s15 =	sor.u32 $0x2, s3;
	v29 =	vmov s11;
	v34 =	vld [tilespmem:s18+$0x3820]  }
0x48: {  	s9 =	sor.u32 s2, s15;
	v29 =	vand.u32 $0x79, v29;
	v26 =	vld.idx.msk [tilespmem:v26+s13+$0x0], $0xffff  }
0x49: {  	v45 =	vmov s9;
	v36 =	vld [tilespmem:s18+$0x3830];
	v29 =	vor.u32 v25, v29  }
0x4a: {  	v38 =	vld [tilespmem:s18+$0x3840];
	v45 =	vand.u32 $0x7A, v45;
	v29 =	vbroadcast v29, $0x0  }
0x4b: {  	v40 =	vld [tilespmem:s18+$0x3850];
	v45 =	vor.u32 v25, v45  }
0x4c: {  	s16 =	sshll.u32 s11, $0x7;
	v41 =	vld [tilespmem:s18+$0x3860];
	v45 =	vbroadcast v45, $0x0  }
0x4d: {  	v43 =	vld [tilespmem:s18+$0x3870];
	s16 =	sand.u32 $0x3FFFFF80, s16;
	v26 =	vshll.u32 v26, $0x7  }
0x4e: {  	v46 =	vld [tilespmem:s16+$0x3800];
	v27 =	vor.u32 v63, v26  }
0x4f: {  	v48 =	vld [tilespmem:s16+$0x3810];
	v28 =	vor.u32 v1, v26  }
0x50: {  	v29 =	vld.idx.msk [tilespmem:v29+s13+$0x0], $0xffff;
	v31 =	vor.u32 v2, v26  }
0x51: {  	v51 =	vld [tilespmem:s16+$0x3840];
	v33 =	vor.u32 v3, v26  }
0x52: {  	v45 =	vld.idx.msk [tilespmem:v45+s13+$0x0], $0xffff;
	v35 =	vor.u32 v4, v26  }
0x53: {  	v37 =	vor.u32 v5, v26;
	v27 =	vld.idx.msk [tilespmem:v27+s14+$0x0], $0xffff  }
0x54: {  	v39 =	vor.u32 v6, v26;
	v28 =	vld.idx.msk [tilespmem:v28+s14+$0x0], $0xffff  }
0x55: {  	v26 =	vor.u32 v7, v26;
	v29 =	vshll.u32 v29, $0x7;
	v31 =	vld.idx.msk [tilespmem:v31+s14+$0x0], $0xffff  }
0x56: {  	v42 =	vor.u32 v63, v29;
	v33 =	vld.idx.msk [tilespmem:v33+s14+$0x0], $0xffff  }
0x57: {  	v52 =	vor.u32 v6, v29;
	v35 =	vld.idx.msk [tilespmem:v35+s14+$0x0], $0xffff  }
0x58: {  	v44 =	vor.u32 v1, v29;
	v37 =	vld.idx.msk [tilespmem:v37+s14+$0x0], $0xffff  }
0x59: {  	v39 =	vld.idx.msk [tilespmem:v39+s14+$0x0], $0xffff  }
0x5a: {  	v47 =	vor.u32 v2, v29;
	v26 =	vld.idx.msk [tilespmem:v26+s14+$0x0], $0xffff  }
0x5b: {  	v45 =	vshll.u32 v45, $0x7;
	v42 =	vld.idx.msk [tilespmem:v42+s14+$0x0], $0xffff  }
0x5c: {  	v58 =	vor.u32 v3, v29;
	v52 =	vld.idx.msk [tilespmem:v52+s14+$0x0], $0xffff;
	v27 =	vadd.f32 v27, v30;
	v28 =	vadd.f32 v28, v32  }
0x5d: {  	v59 =	vor.u32 v4, v29;
	v30 =	vld.idx.msk [tilespmem:v44+s14+$0x0], $0xffff;
	v31 =	vadd.f32 v31, v34;
	v33 =	vadd.f32 v33, v36  }
0x5e: {  	v62 =	vor.u32 v5, v29;
	v34 =	vld [tilespmem:s16+$0x3820];
	v35 =	vadd.f32 v35, v38;
	v36 =	vadd.f32 v37, v40  }
0x5f: {  	v29 =	vor.u32 v7, v29;
	v37 =	vld.idx.msk [tilespmem:v47+s14+$0x0], $0xffff;
	v39 =	vadd.f32 v39, v41;
	v26 =	vadd.f32 v26, v43  }
0x60: {  	v40 =	vld [tilespmem:s16+$0x3830];
	v47 =	vmov s3;
	v60 =	vadd.f32 v28, v27;
	v61 =	vadd.f32 v33, v31  }
0x61: {  	v32 =	vld.idx.msk [tilespmem:v58+s14+$0x0], $0xffff;
	v49 =	vadd.f32 v36, v35;
	v53 =	vmul.f32 v31, v31;
	v54 =	vmul.f32 v33, v33  }
0x62: {  	v38 =	vld.idx.msk [tilespmem:v59+s14+$0x0], $0xffff;
	v50 =	vadd.f32 v26, v39;
	v55 =	vmul.f32 v35, v35;
	v57 =	vmul.f32 v36, v36  }
0x63: {  	v44 =	vld.idx.msk [tilespmem:v62+s14+$0x0], $0xffff;
	v58 =	vmul.f32 v39, v39;
	v59 =	vmul.f32 v26, v26;
	v41 =	vadd.f32 v61, v60  }
0x64: {  	s9 =	sshll.u32 s9, $0x7;
	v56 =	vld [tilespmem:s16+$0x3850];
	[tilespmem:s18+$0x3800] =	vst v27;
	v60 =	vmul.f32 v27, v27;
	v49 =	vadd.f32 v50, v49;
	v61 =	vmul.f32 v28, v28  }
0x65: {  	s9 =	sand.u32 $0x3FFFFF80, s9;
	v29 =	vld.idx.msk [tilespmem:v29+s14+$0x0], $0xffff;
	[tilespmem:s18+$0x3810] =	vst v28;
	v27 =	vand.u32 $0x78, v47;
	v62 =	vadd.f32 v54, v53;
	v53 =	vadd.f32 v57, v55  }
0x66: {  	[tilespmem:s18+$0x3830] =	vst v33;
	v33 =	vld [tilespmem:s9+$0x3800];
	v28 =	vadd.f32 v59, v58;
	v55 =	vor.u32 v1, v45;
	v59 =	vor.u32 v2, v45  }
0x67: {  	s5 =	sor.u32 $0x3, s3;
	[tilespmem:s18+$0x3820] =	vst v31;
	v31 =	vld [tilespmem:s9+$0x3810];
	v57 =	vor.u32 v4, v45;
	v30 =	vadd.f32 v30, v48;
	v34 =	vadd.f32 v37, v34  }
0x68: {  	s25 =	sor.u32 s2, s5;
	v50 =	vld [tilespmem:s16+$0x3860];
	v27 =	vbroadcast v27, $0x0;
	v32 =	vadd.f32 v32, v40;
	v38 =	vadd.f32 v38, v51  }
0x69: {  	[tilespmem:s18+$0x3860] =	vst v39;
	v54 =	vld [tilespmem:s16+$0x3870];
	v39 =	vadd.f32 v44, v56;
	v43 =	vadd.f32 v61, v60;
	v61 =	vmov s25  }
0x6a: {  	[tilespmem:s18+$0x3840] =	vst v35;
	v47 =	vld [tilespmem:s9+$0x3830];
	v60 =	vor.u32 v63, v45;
	v28 =	vadd.f32 v28, v53;
	v58 =	vand.u32 $0x7B, v61  }
0x6b: {  	[tilespmem:s18+$0x3850] =	vst v36;
	v37 =	vld [tilespmem:s9+$0x3820];
	v61 =	vadd.f32 v49, v41;
	v27 =	vor.u32 v8, v27;
	v51 =	vmul.f32 v30, v30  }
0x6c: {  	[tilespmem:s18+$0x3870] =	vst v26;
	v53 =	vld [tilespmem:s9+$0x3850];
	v41 =	vmul.f32 v38, v38;
	v56 =	vmul.f32 v39, v39;
	v62 =	vadd.f32 v62, v43  }
0x6d: {  	v43 =	vor.u32 v25, v58;
	v58 =	vadd.f32 v32, v34;
	v40 =	vld.idx.msk [tilespmem:v59+s14+$0x0], $0xffff;
	v59 =	vor.u32 v5, v45  }
0x6e: {  	v26 =	vadd.f32 v52, v50;
	v29 =	vadd.f32 v29, v54;
	v52 =	vor.u32 v6, v45;
	v44 =	vld.idx.msk [tilespmem:v57+s14+$0x0], $0xffff  }
0x6f: {  	[tilespmem:s16+$0x3820] =	vst v34;
	v43 =	vbroadcast v43, $0x0;
	v57 =	vld [tilespmem:s9+$0x3860];
	v28 =	vadd.f32 v28, v62;
	v62 =	vadd.f32 v42, v46  }
0x70: {  	v54 =	vmul.f32 v34, v34;
	v34 =	vadd.f32 v56, v41;
	v42 =	vld.idx.msk [tilespmem:v55+s14+$0x0], $0xffff;
	v55 =	vor.u32 v3, v45  }
0x71: {  	v45 =	vor.u32 v7, v45;
	v35 =	vld.idx.msk [tilespmem:v60+s14+$0x0], $0xffff;
	v48 =	vadd.f32 v30, v62;
	v49 =	vmul.f32 v62, v62  }
0x72: {  	v60 =	vadd.f32 v39, v38;
	[tilespmem:v27+s21+$0x0] =	vst.idx.msk $0xffff, v61;
	v61 =	vadd.f32 v29, v26;
	v50 =	vld.idx.msk [tilespmem:v59+s14+$0x0], $0xffff  }
0x73: {  	[tilespmem:v27+s22+$0x0] =	vst.idx.msk $0xffff, v28;
	v27 =	vmov s10;
	v48 =	vadd.f32 v58, v48;
	v49 =	vadd.f32 v51, v49;
	v51 =	vld.idx.msk [tilespmem:v52+s14+$0x0], $0xffff  }
0x74: {  	v36 =	vadd.f32 v61, v60;
	v59 =	vmul.f32 v26, v26;
	v60 =	vmul.f32 v29, v29;
	v52 =	vld [tilespmem:s9+$0x3870]  }
0x75: {  	[tilespmem:s16+$0x3860] =	vst v26;
	s10 =	sor.u32 $0x4, s3;
	v27 =	vand.u32 $0x79, v27;
	v46 =	vld.idx.msk [tilespmem:v55+s14+$0x0], $0xffff;
	v55 =	vmul.f32 v32, v32;
	v26 =	vadd.f32 v42, v31  }
0x76: {  	s25 =	sshll.u32 s25, $0x7;
	[tilespmem:s16+$0x3810] =	vst v30;
	s11 =	sor.u32 s2, s10;
	v43 =	vld.idx.msk [tilespmem:v43+s13+$0x0], $0xffff;
	v27 =	vbroadcast v27, $0x0;
	v31 =	vadd.f32 v40, v37;
	v61 =	vadd.f32 v60, v59  }
0x77: {  	s18 =	sand.u32 $0x3FFFFF80, s25;
	[tilespmem:s16+$0x3800] =	vst v62;
	v62 =	vmov s11;
	v45 =	vld.idx.msk [tilespmem:v45+s14+$0x0], $0xffff;
	v36 =	vadd.f32 v36, v48;
	v33 =	vadd.f32 v35, v33  }
0x78: {  	[tilespmem:s16+$0x3850] =	vst v39;
	v39 =	vld [tilespmem:s18+$0x3810];
	v30 =	vadd.f32 v55, v54;
	v55 =	vand.u32 $0x7C, v62;
	v27 =	vor.u32 v8, v27  }
0x79: {  	[tilespmem:s16+$0x3830] =	vst v32;
	v28 =	vld [tilespmem:s9+$0x3840];
	v48 =	vmul.f32 v26, v26;
	v55 =	vor.u32 v25, v55;
	v34 =	vadd.f32 v61, v34  }
0x7a: {  	[tilespmem:s16+$0x3870] =	vst v29;
	v32 =	vld [tilespmem:s18+$0x3800];
	v30 =	vadd.f32 v30, v49;
	v60 =	vbroadcast v55, $0x0;
	v29 =	vadd.f32 v50, v53  }
0x7b: {  	v37 =	vld [tilespmem:s18+$0x3820];
	v55 =	vmul.f32 v31, v31;
	v43 =	vshll.u32 v43, $0x7;
	v40 =	vadd.f32 v46, v47  }
0x7c: {  	v53 =	vld [tilespmem:s18+$0x3840];
	v45 =	vadd.f32 v45, v52;
	v52 =	vmul.f32 v33, v33;
	v58 =	vor.u32 v63, v43  }
0x7d: {  	[tilespmem:s16+$0x3840] =	vst v38;
	v47 =	vld [tilespmem:s18+$0x3830];
	v54 =	vor.u32 v1, v43;
	v30 =	vadd.f32 v34, v30;
	v56 =	vmul.f32 v40, v40  }
0x7e: {  	v62 =	vor.u32 v2, v43;
	[tilespmem:v27+s21+$0x0] =	vst.idx.msk $0xffff, v36;
	v48 =	vadd.f32 v48, v52;
	v52 =	vld [tilespmem:s18+$0x3860]  }
0x7f: {  	v61 =	vor.u32 v3, v43;
	[tilespmem:v27+s22+$0x0] =	vst.idx.msk $0xffff, v30;
	v30 =	vadd.f32 v56, v55;
	v56 =	vld [tilespmem:s18+$0x3870]  }
0x80: {  	v28 =	vadd.f32 v44, v28;
	v49 =	vor.u32 v5, v43;
	v41 =	vld.idx.msk [tilespmem:v60+s13+$0x0], $0xffff  }
0x81: {  	v38 =	vld.idx.msk [tilespmem:v58+s14+$0x0], $0xffff  }
0x82: {  	v46 =	vadd.f32 v51, v57;
	v57 =	vmul.f32 v28, v28;
	v50 =	vadd.f32 v29, v28;
	v34 =	vld.idx.msk [tilespmem:v54+s14+$0x0], $0xffff  }
0x83: {  	[tilespmem:s9+$0x3810] =	vst v26;
	v59 =	vadd.f32 v40, v31;
	v27 =	vmov s15;
	v42 =	vld.idx.msk [tilespmem:v62+s14+$0x0], $0xffff;
	v62 =	vor.u32 v4, v43  }
0x84: {  	s11 =	sshll.u32 s11, $0x7;
	[tilespmem:s9+$0x3820] =	vst v31;
	v51 =	vadd.f32 v45, v46;
	v27 =	vand.u32 $0x7A, v27;
	v35 =	vld.idx.msk [tilespmem:v61+s14+$0x0], $0xffff;
	v54 =	vor.u32 v6, v43  }
0x85: {  	s15 =	sand.u32 $0x3FFFFF80, s11;
	v60 =	vmul.f32 v46, v46;
	v58 =	vadd.f32 v26, v33;
	v43 =	vor.u32 v7, v43;
	v49 =	vld.idx.msk [tilespmem:v49+s14+$0x0], $0xffff  }
0x86: {  	[tilespmem:s9+$0x3800] =	vst v33;
	v27 =	vbroadcast v27, $0x0;
	v61 =	vmul.f32 v45, v45;
	v33 =	vld [tilespmem:s15+$0x3800]  }
0x87: {  	s16 =	sor.u32 $0x5, s3;
	[tilespmem:s9+$0x3840] =	vst v28;
	v26 =	vadd.f32 v51, v50;
	v36 =	vadd.f32 v59, v58;
	v58 =	vld [tilespmem:s18+$0x3850];
	v59 =	vmul.f32 v29, v29  }
0x88: {  	s25 =	sor.u32 s2, s16;
	v30 =	vadd.f32 v30, v48;
	v27 =	vor.u32 v8, v27;
	v60 =	vadd.f32 v61, v60;
	v44 =	vld.idx.msk [tilespmem:v62+s14+$0x0], $0xffff  }
0x89: {  	[tilespmem:s9+$0x3850] =	vst v29;
	v61 =	vmov s25;
	v41 =	vshll.u32 v41, $0x7;
	v55 =	vadd.f32 v59, v57;
	v54 =	vld.idx.msk [tilespmem:v54+s14+$0x0], $0xffff  }
0x8a: {  	[tilespmem:s9+$0x3830] =	vst v40;
	v59 =	vand.u32 $0x7D, v61;
	v26 =	vadd.f32 v26, v36;
	v62 =	vor.u32 v63, v41;
	v43 =	vld.idx.msk [tilespmem:v43+s14+$0x0], $0xffff  }
0x8b: {  	[tilespmem:s9+$0x3860] =	vst v46;
	v57 =	vor.u32 v1, v41;
	v61 =	vor.u32 v2, v41;
	v29 =	vadd.f32 v42, v37;
	v37 =	vld [tilespmem:s15+$0x3820]  }
0x8c: {  	[tilespmem:s9+$0x3870] =	vst v45;
	v48 =	vor.u32 v25, v59;
	v35 =	vadd.f32 v35, v47;
	v47 =	vld [tilespmem:s15+$0x3830];
	v60 =	vadd.f32 v60, v55  }
0x8d: {  	v31 =	vadd.f32 v38, v32;
	v32 =	vadd.f32 v34, v39;
	[tilespmem:v27+s21+$0x0] =	vst.idx.msk $0xffff, v26;
	v26 =	vld [tilespmem:s15+$0x3840]  }
0x8e: {  	v48 =	vbroadcast v48, $0x0;
	v28 =	vadd.f32 v60, v30;
	v30 =	vld [tilespmem:s15+$0x3810]  }
0x8f: {  	v39 =	vadd.f32 v49, v58;
	v58 =	vadd.f32 v32, v31;
	v40 =	vld.idx.msk [tilespmem:v62+s14+$0x0], $0xffff  }
0x90: {  	v59 =	vadd.f32 v35, v29;
	v49 =	vmul.f32 v31, v31;
	v60 =	vor.u32 v5, v41;
	v34 =	vld.idx.msk [tilespmem:v57+s14+$0x0], $0xffff  }
0x91: {  	s25 =	sshll.u32 s25, $0x7;
	v62 =	vor.u32 v3, v41;
	v38 =	vadd.f32 v44, v53;
	v42 =	vld.idx.msk [tilespmem:v61+s14+$0x0], $0xffff;
	v46 =	vadd.f32 v54, v52  }
0x92: {  	s9 =	sand.u32 $0x3FFFFF80, s25;
	v43 =	vadd.f32 v43, v56;
	[tilespmem:v27+s22+$0x0] =	vst.idx.msk $0xffff, v28;
	v28 =	vadd.f32 v59, v58;
	v58 =	vld [tilespmem:s15+$0x3860]  }
0x93: {  	v50 =	vmul.f32 v32, v32;
	[tilespmem:s18+$0x3820] =	vst v29;
	v57 =	vor.u32 v4, v41;
	v54 =	vmul.f32 v29, v29;
	v29 =	vld [tilespmem:s9+$0x3800]  }
0x94: {  	v53 =	vor.u32 v6, v41;
	v48 =	vld.idx.msk [tilespmem:v48+s13+$0x0], $0xffff;
	v61 =	vadd.f32 v39, v38;
	v52 =	vadd.f32 v43, v46  }
0x95: {  	v55 =	vmul.f32 v35, v35;
	v49 =	vadd.f32 v50, v49;
	v27 =	vmov s5;
	s5 =	sor.u32 $0x6, s3;
	v51 =	vld.idx.msk [tilespmem:v60+s14+$0x0], $0xffff  }
0x96: {  	v41 =	vor.u32 v7, v41;
	s11 =	sor.u32 s2, s5;
	v27 =	vand.u32 $0x7B, v27;
	v45 =	vadd.f32 v52, v61;
	v52 =	vld [tilespmem:s15+$0x3850]  }
0x97: {  	[tilespmem:s18+$0x3800] =	vst v31;
	v56 =	vmul.f32 v38, v38;
	v31 =	vadd.f32 v55, v54;
	v55 =	vmov s11;
	v36 =	vld.idx.msk [tilespmem:v62+s14+$0x0], $0xffff  }
0x98: {  	[tilespmem:s18+$0x3810] =	vst v32;
	v27 =	vbroadcast v27, $0x0;
	v60 =	vmul.f32 v46, v46;
	v55 =	vand.u32 $0x7E, v55;
	v44 =	vld.idx.msk [tilespmem:v57+s14+$0x0], $0xffff  }
0x99: {  	v61 =	vmul.f32 v43, v43;
	v55 =	vor.u32 v25, v55;
	v31 =	vadd.f32 v31, v49;
	v50 =	vld.idx.msk [tilespmem:v53+s14+$0x0], $0xffff  }
0x9a: {  	[tilespmem:s18+$0x3830] =	vst v35;
	v27 =	vor.u32 v8, v27;
	v57 =	vmul.f32 v39, v39;
	v53 =	vld [tilespmem:s15+$0x3870];
	v49 =	vbroadcast v55, $0x0  }
0x9b: {  	[tilespmem:s18+$0x3850] =	vst v39;
	v41 =	vld.idx.msk [tilespmem:v41+s14+$0x0], $0xffff;
	v33 =	vadd.f32 v40, v33;
	v30 =	vadd.f32 v34, v30;
	v48 =	vshll.u32 v48, $0x7  }
0x9c: {  	[tilespmem:s18+$0x3840] =	vst v38;
	v34 =	vld [tilespmem:s9+$0x3810];
	v37 =	vadd.f32 v42, v37;
	v60 =	vadd.f32 v61, v60;
	v59 =	vor.u32 v63, v48  }
0x9d: {  	[tilespmem:s18+$0x3860] =	vst v46;
	v42 =	vld [tilespmem:s9+$0x3820];
	v28 =	vadd.f32 v45, v28;
	v62 =	vadd.f32 v57, v56;
	v54 =	vor.u32 v1, v48  }
0x9e: {  	[tilespmem:s18+$0x3870] =	vst v43;
	v46 =	vmul.f32 v33, v33;
	v61 =	vor.u32 v2, v48;
	v39 =	vadd.f32 v51, v52;
	v51 =	vld [tilespmem:s9+$0x3830]  }
0x9f: {  	[tilespmem:s15+$0x3800] =	vst v33;
	v57 =	vor.u32 v3, v48;
	v26 =	vadd.f32 v44, v26;
	v44 =	vadd.f32 v50, v58;
	v50 =	vld [tilespmem:s9+$0x3840]  }
0xa0: {  	v55 =	vmul.f32 v37, v37;
	v32 =	vadd.f32 v60, v62;
	v36 =	vadd.f32 v36, v47;
	v49 =	vld.idx.msk [tilespmem:v49+s13+$0x0], $0xffff  }
0xa1: {  	[tilespmem:s15+$0x3810] =	vst v30;
	v41 =	vadd.f32 v41, v53;
	v58 =	vor.u32 v4, v48;
	v35 =	vld.idx.msk [tilespmem:v59+s14+$0x0], $0xffff  }
0xa2: {  	[tilespmem:s15+$0x3820] =	vst v37;
	v31 =	vadd.f32 v32, v31;
	v60 =	vadd.f32 v36, v37;
	v38 =	vld.idx.msk [tilespmem:v54+s14+$0x0], $0xffff  }
0xa3: {  	v62 =	vmov s10;
	[tilespmem:v27+s21+$0x0] =	vst.idx.msk $0xffff, v28;
	v52 =	vadd.f32 v39, v26;
	v53 =	vadd.f32 v41, v44;
	v45 =	vld.idx.msk [tilespmem:v61+s14+$0x0], $0xffff  }
0xa4: {  	[tilespmem:s15+$0x3850] =	vst v39;
	v59 =	vadd.f32 v30, v33;
	v61 =	vor.u32 v5, v48;
	v40 =	vld.idx.msk [tilespmem:v57+s14+$0x0], $0xffff;
	v33 =	vand.u32 $0x7C, v62  }
0xa5: {  	[tilespmem:s15+$0x3830] =	vst v36;
	v62 =	vmul.f32 v26, v26;
	v57 =	vld [tilespmem:s9+$0x3850];
	v43 =	vadd.f32 v53, v52;
	v52 =	vor.u32 v6, v48  }
0xa6: {  	v53 =	vmul.f32 v30, v30;
	v30 =	vmul.f32 v36, v36;
	v48 =	vor.u32 v7, v48;
	v47 =	vld.idx.msk [tilespmem:v58+s14+$0x0], $0xffff  }
0xa7: {  	[tilespmem:s15+$0x3840] =	vst v26;
	v26 =	vbroadcast v33, $0x0;
	v32 =	vadd.f32 v60, v59;
	v60 =	vmul.f32 v39, v39;
	v39 =	vld [tilespmem:s9+$0x3870]  }
0xa8: {  	s11 =	sshll.u32 s11, $0x7;
	[tilespmem:v27+s22+$0x0] =	vst.idx.msk $0xffff, v31;
	v58 =	vmul.f32 v44, v44;
	v49 =	vshll.u32 v49, $0x7;
	v46 =	vadd.f32 v53, v46;
	v53 =	vld [tilespmem:s9+$0x3860]  }
0xa9: {  	s10 =	sand.u32 $0x3FFFFF80, s11;
	v30 =	vadd.f32 v30, v55;
	v59 =	vor.u32 v63, v49;
	v54 =	vld.idx.msk [tilespmem:v61+s14+$0x0], $0xffff;
	v61 =	vmul.f32 v41, v41  }
0xaa: {  	[tilespmem:s15+$0x3860] =	vst v44;
	v62 =	vadd.f32 v60, v62;
	v56 =	vor.u32 v3, v49;
	v28 =	vadd.f32 v40, v51;
	v40 =	vld [tilespmem:s10+$0x3820]  }
0xab: {  	s3 =	sor.u32 $0x7, s3;
	v26 =	vor.u32 v8, v26;
	v30 =	vadd.f32 v30, v46;
	v37 =	vld.idx.msk [tilespmem:v52+s14+$0x0], $0xffff;
	v36 =	vadd.f32 v61, v58  }
0xac: {  	s25 =	sor.u32 s2, s3;
	v29 =	vadd.f32 v35, v29;
	v31 =	vadd.f32 v38, v34;
	v52 =	vor.u32 v1, v49;
	v60 =	vld.idx.msk [tilespmem:v48+s14+$0x0], $0xffff  }
0xad: {  	[tilespmem:s15+$0x3870] =	vst v41;
	v48 =	vadd.f32 v43, v32;
	v58 =	vmov s25;
	v33 =	vadd.f32 v36, v62;
	v36 =	vld [tilespmem:s10+$0x3800]  }
0xae: {  	v38 =	vadd.f32 v47, v50;
	v47 =	vor.u32 v5, v49;
	[tilespmem:s9+$0x3800] =	vst v29;
	v61 =	vand.u32 $0x7F, v58;
	v32 =	vld.idx.msk [tilespmem:v59+s14+$0x0], $0xffff  }
0xaf: {  	v51 =	vmul.f32 v29, v29;
	[tilespmem:s9+$0x3810] =	vst v31;
	v58 =	vmov s16;
	v46 =	vor.u32 v25, v61;
	v35 =	vld.idx.msk [tilespmem:v56+s14+$0x0], $0xffff  }
0xb0: {  	[tilespmem:v26+s21+$0x0] =	vst.idx.msk $0xffff, v48;
	v62 =	vor.u32 v2, v49;
	v55 =	vbroadcast v46, $0x0;
	v46 =	vand.u32 $0x7D, v58;
	v58 =	vld [tilespmem:s10+$0x3850]  }
0xb1: {  	[tilespmem:s9+$0x3830] =	vst v28;
	v61 =	vmul.f32 v38, v38;
	v27 =	vadd.f32 v33, v30;
	v30 =	vld [tilespmem:s10+$0x3810];
	v33 =	vadd.f32 v45, v42  }
0xb2: {  	v34 =	vld.idx.msk [tilespmem:v52+s14+$0x0], $0xffff;
	v42 =	vadd.f32 v54, v57;
	v37 =	vadd.f32 v37, v53;
	v57 =	vor.u32 v4, v49  }
0xb3: {  	v46 =	vbroadcast v46, $0x0;
	v53 =	vld [tilespmem:s10+$0x3840];
	v54 =	vor.u32 v6, v49;
	[tilespmem:v26+s22+$0x0] =	vst.idx.msk $0xffff, v27;
	v26 =	vadd.f32 v60, v39  }
0xb4: {  	v49 =	vor.u32 v7, v49;
	v47 =	vld.idx.msk [tilespmem:v47+s14+$0x0], $0xffff;
	v27 =	vadd.f32 v31, v29;
	v59 =	vadd.f32 v28, v33  }
0xb5: {  	s18 =	sshll.u32 s25, $0x7;
	[tilespmem:s9+$0x3840] =	vst v38;
	v39 =	vld [tilespmem:s10+$0x3830];
	v48 =	vadd.f32 v42, v38;
	v60 =	vmul.f32 v31, v31;
	v44 =	vmul.f32 v33, v33  }
0xb6: {  	s25 =	sand.u32 $0x3FFFFF80, s18;
	v29 =	vmul.f32 v37, v37;
	v46 =	vor.u32 v8, v46;
	v41 =	vld.idx.msk [tilespmem:v62+s14+$0x0], $0xffff;
	v50 =	vadd.f32 v26, v37  }
0xb7: {  	v38 =	vld [tilespmem:s25+$0x3800];
	v27 =	vadd.f32 v59, v27;
	v62 =	vmul.f32 v26, v26;
	v60 =	vadd.f32 v60, v51;
	[tilespmem:s9+$0x3870] =	vst v26  }
0xb8: {  	v26 =	vadd.f32 v32, v36;
	v43 =	vld.idx.msk [tilespmem:v55+s13+$0x0], $0xffff;
	v55 =	vmul.f32 v28, v28;
	v30 =	vadd.f32 v34, v30  }
0xb9: {  	v45 =	vld.idx.msk [tilespmem:v57+s14+$0x0], $0xffff;
	v57 =	vmul.f32 v42, v42;
	v29 =	vadd.f32 v62, v29;
	v62 =	vadd.f32 v50, v48  }
0xba: {  	[tilespmem:s9+$0x3860] =	vst v37;
	v51 =	vld [tilespmem:s10+$0x3860];
	v37 =	vadd.f32 v47, v58;
	v44 =	vadd.f32 v55, v44  }
0xbb: {  	[tilespmem:s9+$0x3820] =	vst v33;
	v54 =	vld.idx.msk [tilespmem:v54+s14+$0x0], $0xffff;
	v61 =	vadd.f32 v57, v61;
	v34 =	vadd.f32 v35, v39  }
0xbc: {  	v57 =	vld.idx.msk [tilespmem:v49+s14+$0x0], $0xffff;
	v49 =	vmul.f32 v30, v30;
	v27 =	vadd.f32 v62, v27;
	v31 =	vadd.f32 v44, v60  }
0xbd: {  	[tilespmem:s9+$0x3850] =	vst v42;
	v58 =	vld [tilespmem:s25+$0x3870];
	v29 =	vadd.f32 v29, v61;
	v44 =	vadd.f32 v30, v26;
	v43 =	vshll.u32 v43, $0x7  }
0xbe: {  	v55 =	vld [tilespmem:s10+$0x3870];
	[tilespmem:v46+s21+$0x0] =	vst.idx.msk $0xffff, v27;
	v27 =	vadd.f32 v41, v40;
	v52 =	vor.u32 v63, v43  }
0xbf: {  	v39 =	vld [tilespmem:s25+$0x3820];
	v36 =	vadd.f32 v45, v53;
	v45 =	vmul.f32 v26, v26;
	v56 =	vor.u32 v1, v43  }
0xc0: {  	v28 =	vadd.f32 v54, v51;
	v59 =	vor.u32 v2, v43;
	v60 =	vadd.f32 v29, v31;
	v31 =	vld [tilespmem:s25+$0x3810]  }
0xc1: {  	v61 =	vor.u32 v3, v43;
	v62 =	vor.u32 v4, v43;
	v45 =	vadd.f32 v49, v45;
	v49 =	vld [tilespmem:s25+$0x3850]  }
0xc2: {  	v41 =	vmov s5;
	v47 =	vor.u32 v5, v43;
	v54 =	vor.u32 v6, v43;
	[tilespmem:v46+s22+$0x0] =	vst.idx.msk $0xffff, v60;
	v46 =	vld [tilespmem:s25+$0x3830]  }
0xc3: {  	[tilespmem:s10+$0x3800] =	vst v26;
	v43 =	vor.u32 v7, v43;
	v41 =	vand.u32 $0x7E, v41;
	v33 =	vadd.f32 v57, v55;
	v29 =	vld.idx.msk [tilespmem:v52+s14+$0x0], $0xffff  }
0xc4: {  	v48 =	vadd.f32 v34, v27;
	v50 =	vmul.f32 v27, v27;
	v60 =	vmul.f32 v34, v34;
	v35 =	vld.idx.msk [tilespmem:v56+s14+$0x0], $0xffff  }
0xc5: {  	[tilespmem:s10+$0x3810] =	vst v30;
	v55 =	vadd.f32 v37, v36;
	v57 =	vmul.f32 v28, v28;
	v41 =	vbroadcast v41, $0x0;
	v42 =	vld.idx.msk [tilespmem:v59+s14+$0x0], $0xffff  }
0xc6: {  	v26 =	vadd.f32 v60, v50;
	v60 =	vadd.f32 v33, v28;
	v32 =	vld.idx.msk [tilespmem:v61+s14+$0x0], $0xffff;
	v52 =	vmul.f32 v36, v36  }
0xc7: {  	[tilespmem:s10+$0x3850] =	vst v37;
	v61 =	vmul.f32 v37, v37;
	v40 =	vld.idx.msk [tilespmem:v62+s14+$0x0], $0xffff;
	v62 =	vmul.f32 v33, v33  }
0xc8: {  	[tilespmem:s10+$0x3820] =	vst v27;
	v27 =	vadd.f32 v48, v44;
	v47 =	vld.idx.msk [tilespmem:v47+s14+$0x0], $0xffff;
	v55 =	vadd.f32 v60, v55  }
0xc9: {  	v59 =	vld.idx.msk [tilespmem:v43+s14+$0x0], $0xffff;
	v61 =	vadd.f32 v61, v52;
	v62 =	vadd.f32 v62, v57;
	v57 =	vor.u32 v8, v41  }
0xca: {  	[tilespmem:s10+$0x3830] =	vst v34;
	v53 =	vld [tilespmem:s25+$0x3840];
	v26 =	vadd.f32 v26, v45;
	v27 =	vadd.f32 v55, v27  }
0xcb: {  	[tilespmem:s10+$0x3840] =	vst v36;
	v56 =	vld.idx.msk [tilespmem:v54+s14+$0x0], $0xffff;
	v30 =	vadd.f32 v62, v61;
	v60 =	vadd.f32 v29, v38  }
0xcc: {  	[tilespmem:s10+$0x3860] =	vst v28;
	v52 =	vld [tilespmem:s25+$0x3860];
	v61 =	vadd.f32 v35, v31;
	v62 =	vadd.f32 v42, v39  }
0xcd: {  	[tilespmem:s10+$0x3870] =	vst v33;
	v45 =	vadd.f32 v32, v46;
	v46 =	vmov s3;
	v49 =	vadd.f32 v47, v49  }
0xce: {  	v50 =	vadd.f32 v59, v58;
	v26 =	vadd.f32 v30, v26;
	v32 =	vand.u32 $0x7F, v46;
	[tilespmem:v57+s21+$0x0] =	vst.idx.msk $0xffff, v27  }
0xcf: {  	v27 =	vadd.f32 v40, v53;
	v35 =	vadd.f32 v61, v60;
	v51 =	vmul.f32 v60, v60  }
0xd0: {  	v53 =	vadd.f32 v45, v62;
	v39 =	vmul.f32 v62, v62;
	v54 =	vmul.f32 v45, v45  }
0xd1: {  	v32 =	vbroadcast v32, $0x0;
	v59 =	vmul.f32 v50, v50;
	[tilespmem:v57+s22+$0x0] =	vst.idx.msk $0xffff, v26;
	v26 =	vadd.f32 v56, v52  }
0xd2: {  	[tilespmem:s25+$0x3800] =	vst v60;
	v52 =	vmul.f32 v61, v61;
	v57 =	vmul.f32 v49, v49;
	v55 =	vadd.f32 v49, v27  }
0xd3: {  	[tilespmem:s25+$0x3810] =	vst v61;
	v56 =	vmul.f32 v27, v27;
	v60 =	vadd.f32 v54, v39;
	v58 =	vmul.f32 v26, v26  }
0xd4: {  	[tilespmem:s25+$0x3820] =	vst v62;
	v36 =	vadd.f32 v52, v51;
	v61 =	vadd.f32 v50, v26  }
0xd5: {  	[tilespmem:s25+$0x3830] =	vst v45;
	v32 =	vor.u32 v8, v32;
	v62 =	vadd.f32 v57, v56;
	v29 =	vadd.f32 v59, v58  }
0xd6: {  	p1 =	por p0, p0;
	[tilespmem:s25+$0x3840] =	vst v27;
	v27 =	vadd.f32 v53, v35;
	v28 =	vadd.f32 v61, v55  }
.Ltmp0:
0xd7: {  	[tilespmem:s25+$0x3850] =	vst v49;
	v30 =	vadd.f32 v60, v36;
	v29 =	vadd.f32 v29, v62;
	(pc) =	sbr.rel @p1 .LBB2_4-.Ltmp0, $4  }
0xd8: {  	[tilespmem:s25+$0x3860] =	vst v26;
	v26 =	vadd.f32 v28, v27  }
0xd9: {  	[tilespmem:s25+$0x3870] =	vst v50;
	v27 =	vadd.f32 v29, v30  }
0xda: {  	[tilespmem:v32+s21+$0x0] =	vst.idx.msk $0xffff, v26  }
0xdb: {  	p0 =	por $0x0, $0x0;
	s3 =	simm.s32 $0x8;
	[tilespmem:v32+s22+$0x0] =	vst.idx.msk $0xffff, v27  }
0xdc: {  	v26 =	vld [tilespmem:$0x1B900]  }
0xdd: {  	v27 =	vld [tilespmem:$0x1B980]  }
0xde: {  	v28 =	vld [tilespmem:$0x1BA00]  }
0xdf: {  	v29 =	vld [tilespmem:$0x1BA80]  }
0xe0: {  	v30 =	vld [tilespmem:$0x1BB00]  }
0xe1: {  	v31 =	vld [tilespmem:$0x1BB80]  }
0xe2: {  	v32 =	vld [tilespmem:$0x1BC00]  }
0xe3: {  	v33 =	vld [tilespmem:$0x1BC80]  }
0xe4: {  	v34 =	vld [tilespmem:$0x1BD00]  }
0xe5: {  	v35 =	vld [tilespmem:$0x1BD80]  }
0xe6: {  	v36 =	vld [tilespmem:$0x1BE00]  }
0xe7: {  	v37 =	vld [tilespmem:$0x1BE80]  }
0xe8: {  	v38 =	vld [tilespmem:$0x1BF00]  }
0xe9: {  	v39 =	vld [tilespmem:$0x1BF80]  }
0xea: {  	v40 =	vld [tilespmem:$0x1C000]  }
0xeb: {  	v41 =	vld [tilespmem:$0x1C080]  }
0xec: {  	v42 =	vld [tilespmem:$0x1C100]  }
0xed: {  	v43 =	vld [tilespmem:$0x1C180]  }
0xee: {  	v44 =	vld [tilespmem:$0x1C200]  }
0xef: {  	v45 =	vld [tilespmem:$0x1C280]  }
0xf0: {  	v46 =	vld [tilespmem:$0x1C300]  }
0xf1: {  	v47 =	vld [tilespmem:$0x1C380]  }
0xf2: {  	v48 =	vld [tilespmem:$0x1C400]  }
0xf3: {  	v49 =	vld [tilespmem:$0x1C480]  }
0xf4: {  	v50 =	vld [tilespmem:$0x1C500]  }
0xf5: {  	v60 =	vld [tilespmem:$0x1C680]  }
0xf6: {  	v63 =	vld [tilespmem:$0x1C700];
	v26 =	vadd.f32 v27, v26;
	v27 =	vadd.f32 v29, v28  }
0xf7: {  	v28 =	vld [tilespmem:$0x1C580];
	v29 =	vadd.f32 v31, v30;
	v30 =	vadd.f32 v33, v32  }
0xf8: {  	v31 =	vld [tilespmem:$0x1C600];
	v58 =	vadd.f32 v35, v34;
	v59 =	vadd.f32 v37, v36  }
0xf9: {  	v61 =	vadd.f32 v39, v38;
	v62 =	vadd.f32 v41, v40;
	v40 =	vld [tilespmem:$0x1C800]  }
0xfa: {  	v41 =	vld [tilespmem:$0x1C880];
	v45 =	vadd.f32 v45, v44;
	v47 =	vadd.f32 v47, v46  }
0xfb: {  	v26 =	vadd.f32 v27, v26;
	v27 =	vadd.f32 v30, v29;
	v29 =	vld [tilespmem:$0x1C780]  }
0xfc: {  	v30 =	vadd.f32 v59, v58;
	v39 =	vadd.f32 v62, v61  }
0xfd: {  	v51 =	vadd.f32 v49, v48;
	v26 =	vadd.f32 v27, v26  }
0xfe: {  	v27 =	vadd.f32 v39, v30;
	v30 =	vadd.f32 v43, v42  }
0xff: {  	v28 =	vadd.f32 v28, v50;
	v31 =	vadd.f32 v60, v31  }
0x100: {  	v33 =	vadd.f32 v41, v40;
	v29 =	vadd.f32 v29, v63  }
0x101: {  	v52 =	vadd.f32 v51, v47;
	v30 =	vadd.f32 v45, v30  }
0x102: {  	v28 =	vadd.f32 v31, v28;
	v29 =	vadd.f32 v33, v29  }
0x103: {  	v26 =	vadd.f32 v27, v26  }
0x104: {  	v27 =	vadd.f32 v52, v30;
	v28 =	vadd.f32 v29, v28;
	_ =	sdelay $0x1  }
0x105: {  	v26 =	vmul.f32 $7.812500000e-03, v26;
	v27 =	vadd.f32 v28, v27;
	_ =	sdelay $0x1  }
0x106: {  	v28 =	vmul.f32 v26, v26;
	v27 =	vmul.f32 $7.812500000e-03, v27;
	_ =	sdelay $0x1  }
0x107: {  	v27 =	vsub.f32 v27, v28;
	_ =	sdelay $0x1  }
0x108: {  	v27 =	vadd.f32 $9.999999960e-13, v27;
	_ =	sdelay $0x1  }
0x109: {  	v28 =	vshra.s32 v27, $0x1;
	v27 =	vmul.f32 $5.000000000e-01, v27  }
0x10a: {  	v28 =	vsub.s32 $0x5F3759DF, v28  }
0x10b: {  	v29 =	vmul.f32 v28, v27;
	_ =	sdelay $0x1  }
0x10c: {  	v29 =	vmul.f32 v28, v29;
	_ =	sdelay $0x1  }
0x10d: {  	v29 =	vsub.f32 $1.500000000e+00, v29;
	_ =	sdelay $0x1  }
0x10e: {  	v28 =	vmul.f32 v28, v29;
	_ =	sdelay $0x1  }
0x10f: {  	v29 =	vmul.f32 v28, v27;
	_ =	sdelay $0x1  }
0x110: {  	v29 =	vmul.f32 v29, v28;
	_ =	sdelay $0x1  }
0x111: {  	v29 =	vsub.f32 $1.500000000e+00, v29;
	_ =	sdelay $0x1  }
0x112: {  	v28 =	vmul.f32 v29, v28;
	_ =	sdelay $0x1  }
0x113: {  	v27 =	vmul.f32 v28, v27;
	_ =	sdelay $0x1  }
0x114: {  	v27 =	vmul.f32 v27, v28;
	_ =	sdelay $0x1  }
0x115: {  	v27 =	vsub.f32 $1.500000000e+00, v27;
	_ =	sdelay $0x1  }
0x116: {  	v27 =	vmul.f32 v27, v28  }
0x117: {  	[tilespmem:$0x1C900] =	vst v26  }
0x118: {  	[tilespmem:$0x1C980] =	vst v27  }
0x119: {  	v29 =	vld [tilespmem:s0+$0xFFFFFFE0]  }
0x11a: {  	v30 =	vld [tilespmem:s0+$0xE0]  }
0x11b: {  	v28 =	vld [tilespmem:s0+$0x70]  }
0x11c: {  	s18 =	simm.s32 $0x2;
	v31 =	vld [tilespmem:s0+$0xB0]  }
0x11d: {  	s5 =	simm.s32 $0x1;
	v54 =	vmov s18;
	v53 =	vld [tilespmem:s0+$0xA0]  }
0x11e: {  	v55 =	vmov s5;
	v35 =	vld [tilespmem:s0+$0x40]  }
0x11f: {  	v36 =	vld [tilespmem:s0+$0xFFFFFFB0]  }
0x120: {  	v37 =	vld [tilespmem:s0+$0x30]  }
0x121: {  	v39 =	vld [tilespmem:s0+$0x60]  }
0x122: {  	v42 =	vld.idx.msk [tilespmem:v54+s23+$0x0], $0xffff  }
0x123: {  	v57 =	vor.u32 $0x80, v54;
	v34 =	vld.idx.msk [tilespmem:v55+s23+$0x0], $0xffff  }
0x124: {  	s3 =	simm.s32 $0x3;
	v58 =	vld [tilespmem:s0+$0x10]  }
0x125: {  	v27 =	vmov s3;
	v44 =	vld [tilespmem:s0+$0xFFFFFFF0]  }
0x126: {  	v59 =	vld [tilespmem:s0+$0x50]  }
0x127: {  	v61 =	vld [tilespmem:s0+$0xFFFFFFD0]  }
0x128: {  	v26 =	vor.u32 $0x80, v27;
	v46 =	vld.idx.msk [tilespmem:v57+s23+$0x0], $0xffff  }
0x129: {  	v49 =	vld [tilespmem:s0+$0xFFFFFFA0]  }
0x12a: {  	v27 =	vld.idx.msk [tilespmem:v27+s23+$0x0], $0xffff;
	v47 =	vsub.f32 v28, v42;
	v43 =	vsub.f32 v58, v42  }
0x12b: {  	v38 =	vor.u32 $0x80, v55;
	v60 =	vld [tilespmem:s0+$0x20];
	v45 =	vsub.f32 v59, v42;
	v37 =	vsub.f32 v37, v42  }
0x12c: {  	s25 =	simm.s32 $0x0;
	v63 =	vld [tilespmem:s0+$0x0];
	v48 =	vsub.f32 v61, v34;
	v35 =	vsub.f32 v35, v42  }
0x12d: {  	v51 =	vmov s25;
	v26 =	vld.idx.msk [tilespmem:v26+s23+$0x0], $0xffff;
	v36 =	vsub.f32 v36, v34;
	v61 =	vsub.f32 v29, v34  }
0x12e: {  	v56 =	vld [tilespmem:s0+$0xFFFFFF90];
	v44 =	vsub.f32 v44, v34;
	v40 =	vsub.f32 v49, v34  }
0x12f: {  	v52 =	vld [tilespmem:s0+$0xFFFFFF80];
	v55 =	vmul.f32 v37, v46;
	v58 =	vmul.f32 v35, v46;
	v33 =	vsub.f32 v53, v27  }
0x130: {  	v43 =	vmul.f32 v43, v46;
	v62 =	vsub.f32 v30, v27;
	v30 =	vld.idx.msk [tilespmem:v38+s23+$0x0], $0xffff;
	v53 =	vsub.f32 v60, v42  }
0x131: {  	v57 =	vld [tilespmem:s0+$0xFFFFFF10];
	v35 =	vmul.f32 v45, v46;
	v60 =	vsub.f32 v39, v42;
	v42 =	vsub.f32 v63, v42  }
0x132: {  	v39 =	vor.u32 $0x80, v51;
	v51 =	vld.idx.msk [tilespmem:v51+s23+$0x0], $0xffff;
	v33 =	vmul.f32 v33, v26;
	v29 =	vmul.f32 v62, v26  }
0x133: {  	v28 =	vsub.f32 v31, v27;
	v63 =	vld [tilespmem:s0+$0xFFFFFF40];
	v62 =	vmul.f32 v60, v46;
	v37 =	vmul.f32 v42, v46  }
0x134: {  	v38 =	vsub.f32 v52, v34;
	v52 =	vld [tilespmem:s0+$0xFFFFFF00];
	v42 =	vmul.f32 v55, v12;
	v33 =	vmul.f32 v33, v11  }
0x135: {  	v31 =	vsub.f32 v56, v34;
	v56 =	vld [tilespmem:s0+$0xFFFFFF30];
	v60 =	vmul.f32 v62, v15;
	v49 =	vmul.f32 v61, v30  }
0x136: {  	v59 =	vld [tilespmem:s0+$0xFFFFFF60];
	v61 =	vmul.f32 v43, v10;
	v36 =	vmul.f32 v36, v30  }
0x137: {  	v42 =	vadd.f32 v42, v20;
	v43 =	vmul.f32 v53, v46;
	v53 =	vld [tilespmem:s0+$0xFFFFFF20];
	v44 =	vmul.f32 v44, v30  }
0x138: {  	v41 =	vld.idx.msk [tilespmem:v39+s23+$0x0], $0xffff;
	v50 =	vsub.f32 v63, v51;
	v62 =	vsub.f32 v57, v51;
	v63 =	vmul.f32 v58, v13  }
0x139: {  	v52 =	vsub.f32 v52, v51;
	v45 =	vadd.f32 v60, v23;
	v60 =	vld [tilespmem:s0+$0xFFFFFF50];
	v36 =	vmul.f32 v36, v12  }
0x13a: {  	v54 =	vld [tilespmem:s0+$0xFFFFFF70];
	v56 =	vsub.f32 v56, v51;
	v55 =	vadd.f32 v61, v18;
	v44 =	vmul.f32 v44, v16  }
0x13b: {  	v39 =	vmul.f32 v47, v46;
	v63 =	vadd.f32 v63, v21;
	v36 =	vadd.f32 v36, v20  }
0x13c: {  	v32 =	vld [tilespmem:s0+$0xC0];
	[tilespmem:s0+$0x30] =	vst v42;
	v49 =	vmul.f32 v49, v15;
	v44 =	vadd.f32 v44, v24;
	v61 =	vsub.f32 v53, v51  }
0x13d: {  	v58 =	vld [tilespmem:s0+$0x80];
	[tilespmem:s0+$0x60] =	vst v45;
	v45 =	vmul.f32 v62, v41;
	v62 =	vsub.f32 v59, v51;
	v50 =	vmul.f32 v50, v41  }
0x13e: {  	[tilespmem:s0+$0x10] =	vst v55;
	v55 =	vmul.f32 v52, v41;
	v47 =	vsub.f32 v60, v51;
	v60 =	vld [tilespmem:s0+$0xD0];
	v46 =	vmul.f32 v61, v41  }
0x13f: {  	[tilespmem:s0+$0x40] =	vst v63;
	v51 =	vsub.f32 v54, v51;
	v42 =	vmul.f32 v62, v41;
	v52 =	vmul.f32 v50, v13  }
0x140: {  	v63 =	vadd.f32 v33, v19;
	[tilespmem:s0+$0xFFFFFFB0] =	vst v36;
	v54 =	vld [tilespmem:s0+$0xFFFFFFC0];
	v62 =	vmul.f32 v48, v30;
	v48 =	vmul.f32 v55, v9  }
0x141: {  	[tilespmem:s0+$0xFFFFFFF0] =	vst v44;
	v61 =	vadd.f32 v49, v23;
	v55 =	vmul.f32 v56, v41;
	v53 =	vmul.f32 v51, v41  }
0x142: {  	v32 =	vsub.f32 v32, v27;
	v33 =	vld [tilespmem:s0+$0x90];
	[tilespmem:s0+$0xA0] =	vst v63;
	v49 =	vmul.f32 v46, v11;
	v46 =	vmul.f32 v45, v10  }
0x143: {  	s15 =	sadd.s32 $0x200, s0;
	s5 =	simm.s32 $0x4;
	s3 =	smov.u32 s0;
	v36 =	vld [tilespmem:s0+$0xF0];
	[tilespmem:s0+$0xFFFFFFE0] =	vst v61;
	v45 =	vsub.f32 v58, v27;
	v51 =	vmul.f32 v62, v14;
	v50 =	vsub.f32 v60, v27  }
.LBB2_6:
0x144: {  	v56 =	vmul.f32 v42, v15  }
0x145: {  	s9 =	sadd.s32 $0x1, s5;
	v44 =	vld [tilespmem:s15+$0xFFFFFFE0];
	s10 =	sadd.s32 $0x2, s5;
	s11 =	sadd.s32 $0x3, s5;
	v34 =	vsub.f32 v54, v34;
	v54 =	vmul.f32 v45, v26;
	v53 =	vmul.f32 v53, v16  }
0x146: {  	p0 =	slt.u32 s5, $0xC;
	v52 =	vadd.f32 v52, v21;
	v57 =	vmov s9;
	v58 =	vmov s10;
	v59 =	vld [tilespmem:s15+$0xF0];
	s9 =	smov.u32 s5;
	s5 =	sadd.s32 $0x4, s5  }
0x147: {  	v60 =	vmov s11;
	v55 =	vmul.f32 v55, v12;
	v45 =	vor.u32 $0x80, v57;
	v42 =	vld [tilespmem:s15+$0xC0]  }
0x148: {  	v41 =	vmul.f32 v47, v41;
	v48 =	vadd.f32 v48, v17;
	v61 =	vor.u32 $0x80, v60;
	v62 =	vld [tilespmem:s15+$0xE0]  }
0x149: {  	v43 =	vmul.f32 v43, v11;
	v56 =	vadd.f32 v56, v23;
	v55 =	vadd.f32 v55, v20;
	v47 =	vld [tilespmem:s15+$0x70]  }
0x14a: {  	v41 =	vmul.f32 v41, v14;
	v34 =	vmul.f32 v34, v30;
	v63 =	vld [tilespmem:s15+$0xB0];
	[tilespmem:s3+$0xFFFFFF40] =	vst v52;
	v52 =	vadd.f32 v53, v24  }
0x14b: {  	v49 =	vadd.f32 v49, v19;
	v40 =	vmul.f32 v40, v30;
	v50 =	vmul.f32 v50, v26;
	v53 =	vld [tilespmem:s15+$0xA0];
	[tilespmem:s3+$0xFFFFFF30] =	vst v55  }
0x14c: {  	v51 =	vadd.f32 v51, v22;
	v43 =	vadd.f32 v43, v19;
	v34 =	vmul.f32 v34, v13;
	v55 =	vld [tilespmem:s15+$0x40];
	[tilespmem:s3+$0xFFFFFF70] =	vst v52  }
0x14d: {  	v38 =	vmul.f32 v38, v30;
	v36 =	vsub.f32 v36, v27;
	v0 =	vor.u32 $0x80, v58;
	v52 =	vld [tilespmem:s15+$0xFFFFFFB0];
	[tilespmem:s3+$0xFFFFFF20] =	vst v49  }
0x14e: {  	v40 =	vmul.f32 v40, v11;
	v50 =	vmul.f32 v50, v14;
	v34 =	vadd.f32 v34, v21;
	v49 =	vld [tilespmem:s15+$0x30];
	[tilespmem:s3+$0xFFFFFFD0] =	vst v51  }
0x14f: {  	v46 =	vadd.f32 v46, v18;
	v38 =	vmul.f32 v38, v9;
	v51 =	vld [tilespmem:s15+$0x60];
	[tilespmem:s3+$0x20] =	vst v43  }
0x150: {  	[tilespmem:s3+$0xFFFFFFC0] =	vst v34;
	v34 =	vmul.f32 v36, v26;
	v36 =	vadd.f32 v40, v19  }
0x151: {  	v30 =	vmul.f32 v31, v30;
	v31 =	vadd.f32 v50, v22;
	v43 =	vld [tilespmem:s15+$0x90]  }
0x152: {  	v33 =	vsub.f32 v33, v27;
	v40 =	vmul.f32 v28, v26;
	v50 =	vld [tilespmem:s15+$0xFFFFFF90];
	[tilespmem:s3+$0xFFFFFF00] =	vst v48  }
0x153: {  	v41 =	vadd.f32 v41, v22;
	v38 =	vadd.f32 v38, v17;
	v30 =	vmul.f32 v30, v10;
	v28 =	vld.idx.msk [tilespmem:v61+s23+$0x0], $0xffff  }
0x154: {  	v48 =	vmul.f32 v34, v16;
	v27 =	vld.idx.msk [tilespmem:v60+s23+$0x0], $0xffff;
	[tilespmem:s3+$0xFFFFFFA0] =	vst v36;
	v60 =	vmul.f32 v33, v26;
	v36 =	vmov v59  }
0x155: {  	v30 =	vadd.f32 v30, v18;
	v58 =	vld.idx.msk [tilespmem:v58+s23+$0x0], $0xffff;
	[tilespmem:s3+$0xFFFFFF50] =	vst v41;
	v41 =	vmul.f32 v54, v9  }
0x156: {  	v35 =	vmul.f32 v35, v14;
	v54 =	vmul.f32 v60, v10;
	v33 =	vmov v43;
	v34 =	vld.idx.msk [tilespmem:v57+s23+$0x0], $0xffff;
	[tilespmem:s3+$0xFFFFFF60] =	vst v56  }
0x157: {  	v37 =	vmul.f32 v37, v9;
	v43 =	vld [tilespmem:s15+$0x10];
	[tilespmem:s3+$0xFFFFFF10] =	vst v46;
	v41 =	vadd.f32 v41, v17;
	v46 =	vadd.f32 v48, v24  }
0x158: {  	v39 =	vmul.f32 v39, v16;
	v29 =	vmul.f32 v29, v15;
	v54 =	vadd.f32 v54, v18;
	v48 =	vld [tilespmem:s15+$0xFFFFFFF0];
	[tilespmem:s3+$0xD0] =	vst v31  }
0x159: {  	v32 =	vmul.f32 v32, v26;
	v37 =	vadd.f32 v37, v17;
	v31 =	vadd.f32 v35, v22;
	v56 =	vld [tilespmem:s15+$0x50];
	[tilespmem:s3+$0xF0] =	vst v46  }
0x15a: {  	v29 =	vadd.f32 v29, v23;
	v26 =	vmov v28;
	v35 =	vsub.f32 v53, v27;
	v0 =	vld.idx.msk [tilespmem:v0+s23+$0x0], $0xffff;
	[tilespmem:s3+$0xFFFFFF90] =	vst v30  }
0x15b: {  	v32 =	vmul.f32 v32, v13;
	v47 =	vsub.f32 v47, v58;
	v30 =	vadd.f32 v39, v24;
	v46 =	vld [tilespmem:s15+$0x20];
	[tilespmem:s3+$0x50] =	vst v31  }
0x15c: {  	v28 =	vsub.f32 v63, v27;
	v35 =	vmul.f32 v35, v26;
	v39 =	vld [tilespmem:s15+$0xFFFFFFD0];
	v43 =	vsub.f32 v43, v58;
	[tilespmem:s3+$0xE0] =	vst v29  }
0x15d: {  	v31 =	vsub.f32 v50, v34;
	v29 =	vsub.f32 v62, v27;
	v50 =	vld [tilespmem:s15+$0xFFFFFFA0];
	[tilespmem:s3+$0x0] =	vst v37;
	v37 =	vmul.f32 v40, v12  }
0x15e: {  	v32 =	vadd.f32 v32, v21;
	v40 =	vld [tilespmem:s15+$0x0];
	v53 =	vsub.f32 v56, v58;
	v56 =	vmul.f32 v35, v11;
	[tilespmem:s3+$0x80] =	vst v41  }
0x15f: {  	v49 =	vsub.f32 v49, v58;
	v35 =	vmov s9;
	v41 =	vld [tilespmem:s15+$0xFFFFFF80];
	[tilespmem:s3+$0x70] =	vst v30;
	v37 =	vadd.f32 v37, v20  }
0x160: {  	v57 =	vor.u32 $0x80, v35;
	v30 =	vld.idx.msk [tilespmem:v45+s23+$0x0], $0xffff;
	v45 =	vsub.f32 v46, v58;
	v46 =	vsub.f32 v51, v58;
	[tilespmem:s3+$0xC0] =	vst v32  }
0x161: {  	v32 =	vsub.f32 v55, v58;
	v51 =	vld [tilespmem:s15+$0xFFFFFF70];
	v59 =	vsub.f32 v39, v34;
	v39 =	vmul.f32 v49, v0;
	[tilespmem:s3+$0xB0] =	vst v37  }
0x162: {  	v44 =	vsub.f32 v44, v34;
	v29 =	vmul.f32 v29, v26;
	v37 =	vsub.f32 v52, v34;
	v49 =	vld [tilespmem:s15+$0xFFFFFF30];
	[tilespmem:s3+$0xFFFFFF80] =	vst v38  }
0x163: {  	v48 =	vsub.f32 v48, v34;
	v55 =	vmul.f32 v32, v0;
	v32 =	vmul.f32 v46, v0;
	v52 =	vld [tilespmem:s15+$0xFFFFFF10];
	[tilespmem:s3+$0x90] =	vst v54;
	s3 =	smov.u32 s15  }
0x164: {  	v43 =	vmul.f32 v43, v0;
	v54 =	vsub.f32 v40, v58;
	v46 =	vld.idx.msk [tilespmem:v35+s23+$0x0], $0xffff;
	v38 =	vsub.f32 v41, v34  }
0x165: {  	v40 =	vsub.f32 v50, v34;
	v35 =	vmul.f32 v53, v0;
	v50 =	vmul.f32 v32, v15;
	v58 =	vld [tilespmem:s15+$0xFFFFFF40]  }
0x166: {  	v53 =	vmul.f32 v43, v10;
	v32 =	vsub.f32 v42, v27;
	v44 =	vmul.f32 v44, v30;
	v41 =	vld.idx.msk [tilespmem:v57+s23+$0x0], $0xffff  }
0x167: {  	v43 =	vmul.f32 v45, v0;
	v57 =	vmul.f32 v37, v30;
	v45 =	vadd.f32 v50, v23;
	v42 =	vld [tilespmem:s15+$0xFFFFFF00]  }
0x168: {  	v39 =	vmul.f32 v39, v12;
	v37 =	vmul.f32 v54, v0;
	v53 =	vadd.f32 v53, v18;
	v50 =	vld [tilespmem:s15+$0xFFFFFF20]  }
0x169: {  	v48 =	vmul.f32 v48, v30;
	v57 =	vmul.f32 v57, v12;
	v54 =	vld [tilespmem:s15+$0xFFFFFF60];
	[tilespmem:s15+$0x60] =	vst v45  }
0x16a: {  	v45 =	vsub.f32 v58, v46;
	v58 =	vld [tilespmem:s15+$0xFFFFFF50];
	[tilespmem:s15+$0x10] =	vst v53;
	v53 =	vadd.f32 v39, v20;
	v39 =	vmul.f32 v47, v0  }
0x16b: {  	v44 =	vmul.f32 v44, v15;
	v0 =	vsub.f32 v52, v46;
	v47 =	vmul.f32 v55, v13  }
0x16c: {  	v48 =	vmul.f32 v48, v16;
	v52 =	vadd.f32 v57, v20;
	v42 =	vsub.f32 v42, v46;
	[tilespmem:s15+$0x30] =	vst v53  }
0x16d: {  	v55 =	vsub.f32 v49, v46;
	v0 =	vmul.f32 v0, v41;
	v50 =	vsub.f32 v50, v46  }
0x16e: {  	v49 =	vadd.f32 v47, v21;
	v57 =	vmul.f32 v42, v41;
	v42 =	vsub.f32 v54, v46;
	v60 =	vld [tilespmem:s15+$0x80]  }
0x16f: {  	v45 =	vmul.f32 v45, v41;
	v47 =	vsub.f32 v58, v46;
	v46 =	vsub.f32 v51, v46;
	v58 =	vld [tilespmem:s15+$0xD0]  }
.Ltmp1:
0x170: {  	v48 =	vadd.f32 v48, v24;
	v50 =	vmul.f32 v50, v41;
	v42 =	vmul.f32 v42, v41;
	[tilespmem:s15+$0xFFFFFFB0] =	vst v52;
	v54 =	vld [tilespmem:s15+$0xFFFFFFC0];
	(pc) =	sbr.rel @p0 .LBB2_6-.Ltmp1, $4  }
0x171: {  	v44 =	vadd.f32 v44, v23;
	v52 =	vmul.f32 v45, v13;
	v53 =	vmul.f32 v46, v41;
	[tilespmem:s15+$0x40] =	vst v49  }
0x172: {  	v56 =	vadd.f32 v56, v19;
	v49 =	vmul.f32 v50, v11;
	v50 =	vmul.f32 v59, v30;
	[tilespmem:s15+$0xFFFFFFF0] =	vst v48  }
0x173: {  	v46 =	vmul.f32 v0, v10;
	v48 =	vmul.f32 v57, v9;
	[tilespmem:s15+$0xFFFFFFE0] =	vst v44;
	v45 =	vsub.f32 v60, v27  }
0x174: {  	v55 =	vmul.f32 v55, v41;
	v51 =	vmul.f32 v50, v14;
	s15 =	sadd.s32 $0x200, s15;
	[tilespmem:s3+$0xA0] =	vst v56;
	v50 =	vsub.f32 v58, v27  }
0x175: {  	v52 =	vadd.f32 v52, v21  }
0x176: {  	v49 =	vadd.f32 v49, v19  }
0x177: {  	v44 =	vmul.f32 v53, v16;
	v63 =	vadd.f32 v51, v22;
	[tilespmem:s3+$0xFFFFFF40] =	vst v52  }
0x178: {  	v34 =	vsub.f32 v54, v34;
	v0 =	vmul.f32 v55, v12;
	v51 =	vadd.f32 v48, v17;
	[tilespmem:s3+$0xFFFFFF20] =	vst v49  }
0x179: {  	v43 =	vmul.f32 v43, v11;
	v40 =	vmul.f32 v40, v30;
	v44 =	vadd.f32 v44, v24;
	[tilespmem:s3+$0xFFFFFFD0] =	vst v63  }
0x17a: {  	v42 =	vmul.f32 v42, v15;
	v34 =	vmul.f32 v34, v30;
	v0 =	vadd.f32 v0, v20;
	[tilespmem:s3+$0xFFFFFF00] =	vst v51  }
0x17b: {  	v41 =	vmul.f32 v47, v41;
	v35 =	vmul.f32 v35, v14;
	v43 =	vadd.f32 v43, v19;
	[tilespmem:s3+$0xFFFFFF70] =	vst v44  }
0x17c: {  	v36 =	vsub.f32 v36, v27;
	v55 =	vadd.f32 v42, v23;
	[tilespmem:s3+$0xFFFFFF30] =	vst v0;
	v0 =	vmul.f32 v34, v13  }
0x17d: {  	v31 =	vmul.f32 v31, v30;
	v29 =	vmul.f32 v29, v15;
	v35 =	vadd.f32 v35, v22;
	[tilespmem:s3+$0x20] =	vst v43  }
0x17e: {  	v58 =	vmul.f32 v45, v26;
	v47 =	vmul.f32 v40, v11;
	[tilespmem:s3+$0xFFFFFF60] =	vst v55;
	v0 =	vadd.f32 v0, v21  }
0x17f: {  	v27 =	vsub.f32 v33, v27;
	v59 =	vmul.f32 v37, v9;
	v29 =	vadd.f32 v29, v23;
	[tilespmem:s3+$0x50] =	vst v35  }
0x180: {  	v32 =	vmul.f32 v32, v26;
	v53 =	vmul.f32 v36, v26;
	[tilespmem:s3+$0xFFFFFFC0] =	vst v0;
	v0 =	vadd.f32 v47, v19  }
0x181: {  	v28 =	vmul.f32 v28, v26;
	v60 =	vmul.f32 v39, v16;
	v33 =	vadd.f32 v59, v17;
	[tilespmem:s3+$0xE0] =	vst v29  }
0x182: {  	v49 =	vmul.f32 v41, v14;
	v34 =	vmul.f32 v53, v16;
	[tilespmem:s3+$0xFFFFFFA0] =	vst v0;
	v0 =	vadd.f32 v46, v18  }
0x183: {  	v52 =	vmul.f32 v50, v26;
	v26 =	vmul.f32 v27, v26;
	v27 =	vadd.f32 v60, v24;
	[tilespmem:s3+$0x0] =	vst v33  }
0x184: {  	v31 =	vmul.f32 v31, v10;
	[tilespmem:s3+$0xFFFFFF10] =	vst v0;
	v0 =	vadd.f32 v34, v24  }
0x185: {  	v61 =	vmul.f32 v38, v30;
	v28 =	vmul.f32 v28, v12;
	v54 =	vadd.f32 v49, v22;
	[tilespmem:s3+$0x70] =	vst v27  }
0x186: {  	v31 =	vadd.f32 v31, v18;
	[tilespmem:s3+$0xF0] =	vst v0;
	v0 =	vmul.f32 v58, v9  }
0x187: {  	v62 =	vmul.f32 v61, v9;
	v27 =	vadd.f32 v28, v20;
	[tilespmem:s3+$0xFFFFFF50] =	vst v54  }
0x188: {  	v32 =	vmul.f32 v32, v13;
	[tilespmem:s3+$0xFFFFFF90] =	vst v31;
	v0 =	vadd.f32 v0, v17  }
0x189: {  	s5 =	sshll.u32 s4, $0xB;
	s4 =	sadd.s32 $0x1, s4;
	v56 =	vmul.f32 v52, v14;
	v63 =	vadd.f32 v62, v17;
	[tilespmem:s3+$0xB0] =	vst v27  }
0x18a: {  	p0 =	sne.s32 s4, $0x8;
	v26 =	vmul.f32 v26, v10;
	[tilespmem:s3+$0x80] =	vst v0;
	v0 =	vadd.f32 v32, v21  }
.Ltmp2:
0x18b: {  	v57 =	vadd.f32 v56, v22;
	[tilespmem:s3+$0xFFFFFF80] =	vst v63;
	(pc) =	sbr.rel @p0 .LBB2_3-.Ltmp2, $4  }
0x18c: {  	s2 =	sadd.s32 s31, s2;
	[tilespmem:s3+$0xC0] =	vst v0;
	v0 =	vadd.f32 v26, v18  }
0x18d: {  	s5 =	sand.u32 $0x3FFFF800, s5;
	s2 =	sshll.u32 s2, $0x4;
	[tilespmem:s3+$0xD0] =	vst v57  }
0x18e: {  	s0 =	sadd.s32 $0x800, s0;
	s25 =	sadd.s32 $0x3800, s5;
	s2 =	sadd.s32 s6, s2;
	[tilespmem:s3+$0x90] =	vst v0  }
0x18f: {  	v63 =	vlaneseq.u32;
	[hbm4b:s2+s7] =	stream.linear.scatter [tilespmem:s25], [sflag:$0x3], $0x800, $0x38;
	[tilespmem:$0x1CA00] =	vst v63  }
0x190: {  	_ =	swait.ge [sflag:s24], $0x4000  }
0x191: {  	p0 =	seq.s32 s29, $0x18;
	[sflag:s24] =	ssyncset.done $0x0  }
0x192: {  	s0 =	simm.s32 @!p0 $0x3;
	[sflag:s24] =	ssyncadd.s32 $0xFFFFC000  }
0x193: {  	_ =	swait.ge @!p0 [sflag:s0], $0x4000  }
0x194: {  	s2 =	sshll.u32 @!p0 s29, $0x8;
	[sflag:s0] =	ssyncset.done @!p0 $0x0  }
0x195: {  	[sflag:s0] =	ssyncadd.s32 @!p0 $0xFFFFC000;
	s0 =	sand.u32 @!p0 $0x3FFFFF00, s2  }
0x196: {  	s3 =	simm.s32 @!p0 $0x3800;
	s2 =	simm.s32 @!p0 $0x80;
	s0 =	sadd.s32 @!p0 $0x100, s0  }
0x197: {  	[tilespmem:s3], [sflag:$0x1] =	stream.indirect.gather @!p0 [hbm4b:s1+s2], $0x80, s0, s2, $0xb8;
	[tilespmem:$0x1CA00] =	vst v63  }
0x198: {  	v25 =	vmov s30;
	s30 =	sadd.s32 s8, s30;
	s4 =	simm.s32 $0x0;
	s0 =	simm.s32 $0x7900  }
.LBB2_9:
0x199: {  	s2 =	sshll.u32 s4, $0x4;
	p0 =	por $0x1, $0x1;
	s3 =	simm.s32 $0x0  }
.LBB2_10:
0x19a: {  	s5 =	sor.u32 s2, s3  }
0x19b: {  	v0 =	vmov s5  }
0x19c: {  	v0 =	vand.u32 $0x78, v0  }
0x19d: {  	v0 =	vor.u32 v25, v0  }
0x19e: {  	v0 =	vbroadcast v0, $0x0  }
0x19f: {  	s5 =	sshll.u32 s5, $0x7  }
0x1a0: {  	s18 =	sand.u32 $0x3FFFFF80, s5  }
0x1a1: {  	v29 =	vld [tilespmem:s18+$0x7800]  }
0x1a2: {  	s10 =	sor.u32 $0x1, s3;
	v31 =	vld [tilespmem:s18+$0x7810]  }
0x1a3: {  	s15 =	sor.u32 $0x2, s3;
	s11 =	sor.u32 s2, s10;
	v33 =	vld [tilespmem:s18+$0x7820]  }
0x1a4: {  	s9 =	sor.u32 s2, s15;
	v28 =	vmov s11;
	v0 =	vld.idx.msk [tilespmem:v0+s13+$0x0], $0xffff  }
0x1a5: {  	v44 =	vmov s9;
	v28 =	vand.u32 $0x79, v28;
	v35 =	vld [tilespmem:s18+$0x7830]  }
0x1a6: {  	v37 =	vld [tilespmem:s18+$0x7840];
	v44 =	vand.u32 $0x7A, v44;
	v28 =	vor.u32 v25, v28  }
0x1a7: {  	v39 =	vld [tilespmem:s18+$0x7850];
	v44 =	vor.u32 v25, v44;
	v28 =	vbroadcast v28, $0x0  }
0x1a8: {  	s16 =	sshll.u32 s11, $0x7;
	v40 =	vld [tilespmem:s18+$0x7860];
	v44 =	vbroadcast v44, $0x0  }
0x1a9: {  	v42 =	vld [tilespmem:s18+$0x7870];
	s16 =	sand.u32 $0x3FFFFF80, s16;
	v0 =	vshll.u32 v0, $0x7  }
0x1aa: {  	v45 =	vld [tilespmem:s16+$0x7800];
	v26 =	vor.u32 v63, v0  }
0x1ab: {  	v47 =	vld [tilespmem:s16+$0x7810];
	v27 =	vor.u32 v1, v0  }
0x1ac: {  	v50 =	vld [tilespmem:s16+$0x7840];
	v30 =	vor.u32 v2, v0  }
0x1ad: {  	v28 =	vld.idx.msk [tilespmem:v28+s13+$0x0], $0xffff;
	v32 =	vor.u32 v3, v0  }
0x1ae: {  	v44 =	vld.idx.msk [tilespmem:v44+s13+$0x0], $0xffff;
	v34 =	vor.u32 v4, v0  }
0x1af: {  	v36 =	vor.u32 v5, v0;
	v26 =	vld.idx.msk [tilespmem:v26+s14+$0x0], $0xffff  }
0x1b0: {  	v38 =	vor.u32 v6, v0;
	v27 =	vld.idx.msk [tilespmem:v27+s14+$0x0], $0xffff  }
0x1b1: {  	v0 =	vor.u32 v7, v0;
	v30 =	vld.idx.msk [tilespmem:v30+s14+$0x0], $0xffff  }
0x1b2: {  	v28 =	vshll.u32 v28, $0x7;
	v32 =	vld.idx.msk [tilespmem:v32+s14+$0x0], $0xffff  }
0x1b3: {  	v41 =	vor.u32 v63, v28;
	v34 =	vld.idx.msk [tilespmem:v34+s14+$0x0], $0xffff  }
0x1b4: {  	v51 =	vor.u32 v6, v28;
	v36 =	vld.idx.msk [tilespmem:v36+s14+$0x0], $0xffff  }
0x1b5: {  	v43 =	vor.u32 v1, v28;
	v38 =	vld.idx.msk [tilespmem:v38+s14+$0x0], $0xffff  }
0x1b6: {  	v0 =	vld.idx.msk [tilespmem:v0+s14+$0x0], $0xffff  }
0x1b7: {  	v61 =	vmov s3;
	v55 =	vld [tilespmem:s16+$0x7850];
	v46 =	vor.u32 v2, v28  }
0x1b8: {  	v44 =	vshll.u32 v44, $0x7;
	v41 =	vld.idx.msk [tilespmem:v41+s14+$0x0], $0xffff;
	v26 =	vadd.f32 v26, v29;
	v27 =	vadd.f32 v27, v31  }
0x1b9: {  	v57 =	vor.u32 v3, v28;
	v51 =	vld.idx.msk [tilespmem:v51+s14+$0x0], $0xffff;
	v30 =	vadd.f32 v30, v33;
	v32 =	vadd.f32 v32, v35  }
0x1ba: {  	v58 =	vor.u32 v4, v28;
	v29 =	vld.idx.msk [tilespmem:v43+s14+$0x0], $0xffff;
	v34 =	vadd.f32 v34, v37;
	v35 =	vadd.f32 v36, v39  }
0x1bb: {  	v33 =	vld [tilespmem:s16+$0x7820];
	v38 =	vadd.f32 v38, v40;
	v0 =	vadd.f32 v0, v42;
	v43 =	vor.u32 v5, v28  }
0x1bc: {  	v36 =	vld.idx.msk [tilespmem:v46+s14+$0x0], $0xffff;
	v28 =	vor.u32 v7, v28;
	v59 =	vadd.f32 v27, v26;
	v60 =	vadd.f32 v32, v30  }
0x1bd: {  	v39 =	vld [tilespmem:s16+$0x7830];
	v48 =	vadd.f32 v35, v34;
	v62 =	vmul.f32 v26, v26;
	v52 =	vmul.f32 v30, v30  }
0x1be: {  	s9 =	sshll.u32 s9, $0x7;
	v31 =	vld.idx.msk [tilespmem:v57+s14+$0x0], $0xffff;
	v49 =	vadd.f32 v0, v38;
	v53 =	vmul.f32 v32, v32;
	v54 =	vmul.f32 v34, v34  }
0x1bf: {  	s9 =	sand.u32 $0x3FFFFF80, s9;
	v37 =	vld.idx.msk [tilespmem:v58+s14+$0x0], $0xffff;
	v56 =	vmul.f32 v35, v35;
	v57 =	vmul.f32 v38, v38;
	[tilespmem:s18+$0x7800] =	vst v26;
	v26 =	vand.u32 $0x78, v61  }
0x1c0: {  	v46 =	vld [tilespmem:s9+$0x7830];
	v58 =	vmul.f32 v0, v0;
	[tilespmem:s18+$0x7810] =	vst v27;
	v26 =	vbroadcast v26, $0x0;
	v40 =	vadd.f32 v60, v59  }
0x1c1: {  	[tilespmem:s18+$0x7830] =	vst v32;
	v32 =	vld [tilespmem:s9+$0x7800];
	v48 =	vadd.f32 v49, v48;
	v60 =	vmul.f32 v27, v27;
	v61 =	vadd.f32 v53, v52  }
0x1c2: {  	[tilespmem:s18+$0x7820] =	vst v30;
	v30 =	vld [tilespmem:s9+$0x7810];
	v59 =	vor.u32 v63, v44;
	v52 =	vadd.f32 v56, v54;
	v27 =	vadd.f32 v58, v57  }
0x1c3: {  	v49 =	vld [tilespmem:s16+$0x7860];
	v54 =	vor.u32 v1, v44;
	v56 =	vor.u32 v3, v44;
	v29 =	vadd.f32 v29, v47  }
0x1c4: {  	s5 =	sor.u32 $0x3, s3;
	v53 =	vld [tilespmem:s16+$0x7870];
	v57 =	vor.u32 v4, v44;
	v33 =	vadd.f32 v36, v33;
	v31 =	vadd.f32 v31, v39  }
0x1c5: {  	s25 =	sor.u32 s2, s5;
	v43 =	vld.idx.msk [tilespmem:v43+s14+$0x0], $0xffff;
	v26 =	vor.u32 v8, v26;
	v37 =	vadd.f32 v37, v50;
	v42 =	vadd.f32 v60, v62  }
0x1c6: {  	v28 =	vld.idx.msk [tilespmem:v28+s14+$0x0], $0xffff;
	v62 =	vmov s25;
	v27 =	vadd.f32 v27, v52;
	v52 =	vadd.f32 v48, v40  }
0x1c7: {  	[tilespmem:s18+$0x7840] =	vst v34;
	v36 =	vld [tilespmem:s9+$0x7820];
	v40 =	vadd.f32 v41, v45;
	v58 =	vadd.f32 v31, v33;
	v50 =	vmul.f32 v29, v29  }
0x1c8: {  	[tilespmem:s18+$0x7850] =	vst v35;
	v60 =	vadd.f32 v61, v42;
	v61 =	vand.u32 $0x7B, v62;
	v62 =	vor.u32 v2, v44;
	v34 =	vld.idx.msk [tilespmem:v59+s14+$0x0], $0xffff  }
0x1c9: {  	v47 =	vadd.f32 v29, v40;
	v48 =	vmul.f32 v40, v40;
	v42 =	vor.u32 v25, v61;
	v41 =	vld.idx.msk [tilespmem:v54+s14+$0x0], $0xffff  }
0x1ca: {  	[tilespmem:s18+$0x7870] =	vst v0;
	v0 =	vadd.f32 v51, v49;
	v59 =	vor.u32 v5, v44;
	v45 =	vld.idx.msk [tilespmem:v56+s14+$0x0], $0xffff;
	v42 =	vbroadcast v42, $0x0  }
0x1cb: {  	[tilespmem:s18+$0x7860] =	vst v38;
	v51 =	vor.u32 v6, v44;
	v44 =	vor.u32 v7, v44;
	v56 =	vld [tilespmem:s9+$0x7860];
	v27 =	vadd.f32 v27, v60  }
0x1cc: {  	v38 =	vadd.f32 v43, v55;
	v28 =	vadd.f32 v28, v53;
	[tilespmem:v26+s21+$0x0] =	vst.idx.msk $0xffff, v52;
	v43 =	vld.idx.msk [tilespmem:v57+s14+$0x0], $0xffff  }
0x1cd: {  	v47 =	vadd.f32 v58, v47;
	v52 =	vld [tilespmem:s9+$0x7850];
	v53 =	vmul.f32 v33, v33;
	v48 =	vadd.f32 v50, v48  }
0x1ce: {  	v60 =	vadd.f32 v38, v37;
	v61 =	vadd.f32 v28, v0;
	[tilespmem:v26+s22+$0x0] =	vst.idx.msk $0xffff, v27;
	v26 =	vmov s10;
	v27 =	vld [tilespmem:s9+$0x7840]  }
0x1cf: {  	v58 =	vmul.f32 v0, v0;
	v55 =	vmul.f32 v38, v38;
	v39 =	vld.idx.msk [tilespmem:v62+s14+$0x0], $0xffff;
	v26 =	vand.u32 $0x79, v26  }
0x1d0: {  	s10 =	sor.u32 $0x4, s3;
	v62 =	vmul.f32 v31, v31;
	v35 =	vadd.f32 v61, v60;
	v60 =	vmul.f32 v37, v37;
	v42 =	vld.idx.msk [tilespmem:v42+s13+$0x0], $0xffff  }
0x1d1: {  	[tilespmem:s16+$0x7810] =	vst v29;
	s11 =	sor.u32 s2, s10;
	v61 =	vmul.f32 v28, v28;
	v50 =	vld.idx.msk [tilespmem:v51+s14+$0x0], $0xffff;
	v26 =	vbroadcast v26, $0x0;
	v32 =	vadd.f32 v34, v32  }
0x1d2: {  	[tilespmem:s16+$0x7860] =	vst v0;
	v51 =	vld [tilespmem:s9+$0x7870];
	v0 =	vadd.f32 v41, v30;
	v29 =	vadd.f32 v62, v53;
	v62 =	vmov s11  }
0x1d3: {  	s25 =	sshll.u32 s25, $0x7;
	[tilespmem:s16+$0x7820] =	vst v33;
	v44 =	vld.idx.msk [tilespmem:v44+s14+$0x0], $0xffff;
	v60 =	vadd.f32 v55, v60;
	v61 =	vadd.f32 v61, v58;
	v54 =	vand.u32 $0x7C, v62  }
0x1d4: {  	s18 =	sand.u32 $0x3FFFFF80, s25;
	v49 =	vld.idx.msk [tilespmem:v59+s14+$0x0], $0xffff;
	v35 =	vadd.f32 v35, v47;
	v26 =	vor.u32 v8, v26;
	v47 =	vmul.f32 v0, v0  }
0x1d5: {  	[tilespmem:s16+$0x7850] =	vst v38;
	v38 =	vld [tilespmem:s18+$0x7810];
	v54 =	vor.u32 v25, v54;
	v29 =	vadd.f32 v29, v48;
	v42 =	vshll.u32 v42, $0x7  }
0x1d6: {  	[tilespmem:s16+$0x7830] =	vst v31;
	v31 =	vld [tilespmem:s18+$0x7800];
	v27 =	vadd.f32 v43, v27;
	v33 =	vadd.f32 v61, v60;
	v57 =	vor.u32 v63, v42  }
0x1d7: {  	v30 =	vadd.f32 v39, v36;
	v36 =	vld [tilespmem:s18+$0x7820];
	v39 =	vadd.f32 v45, v46;
	v62 =	vor.u32 v2, v42  }
0x1d8: {  	[tilespmem:s16+$0x7840] =	vst v37;
	v46 =	vld [tilespmem:s18+$0x7830];
	v44 =	vadd.f32 v44, v51;
	v51 =	vmul.f32 v32, v32;
	v53 =	vor.u32 v1, v42  }
0x1d9: {  	[tilespmem:s16+$0x7870] =	vst v28;
	v61 =	vadd.f32 v0, v32;
	v28 =	vadd.f32 v49, v52;
	v52 =	vld [tilespmem:s18+$0x7840];
	v58 =	vor.u32 v3, v42  }
0x1da: {  	[tilespmem:s16+$0x7800] =	vst v40;
	v45 =	vadd.f32 v50, v56;
	v47 =	vadd.f32 v47, v51;
	v51 =	vld [tilespmem:s18+$0x7860];
	v60 =	vor.u32 v4, v42  }
0x1db: {  	v56 =	vmul.f32 v27, v27;
	v29 =	vadd.f32 v33, v29;
	v59 =	vadd.f32 v39, v30;
	v37 =	vld.idx.msk [tilespmem:v57+s14+$0x0], $0xffff  }
0x1dc: {  	v55 =	vmul.f32 v39, v39;
	[tilespmem:v26+s21+$0x0] =	vst.idx.msk $0xffff, v35;
	v41 =	vld.idx.msk [tilespmem:v62+s14+$0x0], $0xffff;
	v62 =	vor.u32 v5, v42  }
0x1dd: {  	v49 =	vadd.f32 v28, v27;
	[tilespmem:v26+s22+$0x0] =	vst.idx.msk $0xffff, v29;
	v26 =	vmov s15;
	v33 =	vld.idx.msk [tilespmem:v53+s14+$0x0], $0xffff;
	v53 =	vor.u32 v6, v42  }
0x1de: {  	v57 =	vbroadcast v54, $0x0;
	v34 =	vld.idx.msk [tilespmem:v58+s14+$0x0], $0xffff;
	v54 =	vmul.f32 v30, v30;
	v42 =	vor.u32 v7, v42  }
0x1df: {  	[tilespmem:s9+$0x7800] =	vst v32;
	v50 =	vadd.f32 v44, v45;
	v35 =	vadd.f32 v59, v61;
	v26 =	vand.u32 $0x7A, v26;
	v43 =	vld.idx.msk [tilespmem:v60+s14+$0x0], $0xffff  }
0x1e0: {  	[tilespmem:s9+$0x7810] =	vst v0;
	v59 =	vmul.f32 v45, v45;
	v26 =	vbroadcast v26, $0x0;
	v29 =	vadd.f32 v55, v54;
	v55 =	vld [tilespmem:s18+$0x7870]  }
0x1e1: {  	[tilespmem:s9+$0x7840] =	vst v27;
	v58 =	vmul.f32 v28, v28;
	v60 =	vmul.f32 v44, v44;
	v48 =	vld.idx.msk [tilespmem:v62+s14+$0x0], $0xffff  }
0x1e2: {  	s16 =	sor.u32 $0x5, s3;
	[tilespmem:s9+$0x7820] =	vst v30;
	v0 =	vadd.f32 v50, v49;
	v26 =	vor.u32 v8, v26;
	v53 =	vld.idx.msk [tilespmem:v53+s14+$0x0], $0xffff  }
0x1e3: {  	s31 =	sor.u32 s2, s16;
	[tilespmem:s9+$0x7830] =	vst v39;
	v54 =	vadd.f32 v58, v56;
	v60 =	vadd.f32 v60, v59;
	v42 =	vld.idx.msk [tilespmem:v42+s14+$0x0], $0xffff  }
0x1e4: {  	s11 =	sshll.u32 s11, $0x7;
	[tilespmem:s9+$0x7850] =	vst v28;
	v0 =	vadd.f32 v0, v35;
	v29 =	vadd.f32 v29, v47;
	v62 =	vmov s31;
	v40 =	vld.idx.msk [tilespmem:v57+s13+$0x0], $0xffff  }
0x1e5: {  	[tilespmem:s9+$0x7860] =	vst v45;
	s15 =	sand.u32 $0x3FFFFF80, s11;
	v60 =	vadd.f32 v60, v54;
	v30 =	vadd.f32 v37, v31;
	v57 =	vld [tilespmem:s18+$0x7850];
	v59 =	vand.u32 $0x7D, v62  }
0x1e6: {  	[tilespmem:s9+$0x7870] =	vst v44;
	v32 =	vld [tilespmem:s15+$0x7800];
	v28 =	vadd.f32 v41, v36;
	v34 =	vadd.f32 v34, v46;
	v47 =	vor.u32 v25, v59  }
0x1e7: {  	[tilespmem:v26+s21+$0x0] =	vst.idx.msk $0xffff, v0;
	v0 =	vld [tilespmem:s15+$0x7840];
	v31 =	vadd.f32 v33, v38;
	v27 =	vadd.f32 v60, v29;
	v47 =	vbroadcast v47, $0x0  }
0x1e8: {  	v36 =	vld [tilespmem:s15+$0x7820];
	v37 =	vadd.f32 v43, v52;
	v58 =	vadd.f32 v34, v28  }
0x1e9: {  	s25 =	sshll.u32 s31, $0x7;
	v46 =	vld [tilespmem:s15+$0x7830];
	[tilespmem:v26+s22+$0x0] =	vst.idx.msk $0xffff, v27;
	v45 =	vadd.f32 v53, v51;
	v42 =	vadd.f32 v42, v55;
	v40 =	vshll.u32 v40, $0x7  }
0x1ea: {  	s9 =	sand.u32 $0x3FFFFF80, s25;
	v29 =	vld [tilespmem:s15+$0x7810];
	v38 =	vadd.f32 v48, v57;
	v57 =	vadd.f32 v31, v30;
	v61 =	vor.u32 v63, v40  }
0x1eb: {  	[tilespmem:s18+$0x7820] =	vst v28;
	v53 =	vmul.f32 v28, v28;
	v28 =	vld [tilespmem:s9+$0x7800];
	v56 =	vor.u32 v1, v40;
	v51 =	vadd.f32 v42, v45  }
0x1ec: {  	v62 =	vor.u32 v2, v40;
	v60 =	vadd.f32 v38, v37;
	v27 =	vadd.f32 v58, v57;
	v57 =	vld [tilespmem:s15+$0x7860]  }
0x1ed: {  	v54 =	vor.u32 v3, v40;
	v47 =	vld.idx.msk [tilespmem:v47+s13+$0x0], $0xffff  }
0x1ee: {  	[tilespmem:s18+$0x7800] =	vst v30;
	v26 =	vmov s5;
	v59 =	vor.u32 v5, v40;
	v44 =	vadd.f32 v51, v60;
	v51 =	vld [tilespmem:s15+$0x7850]  }
0x1ef: {  	[tilespmem:s18+$0x7810] =	vst v31;
	v26 =	vand.u32 $0x7B, v26;
	v52 =	vor.u32 v6, v40;
	v39 =	vld.idx.msk [tilespmem:v61+s14+$0x0], $0xffff  }
0x1f0: {  	v49 =	vmul.f32 v31, v31;
	[tilespmem:s18+$0x7830] =	vst v34;
	v26 =	vbroadcast v26, $0x0;
	v33 =	vld.idx.msk [tilespmem:v56+s14+$0x0], $0xffff  }
0x1f1: {  	v55 =	vmul.f32 v37, v37;
	v48 =	vmul.f32 v30, v30;
	v41 =	vld.idx.msk [tilespmem:v62+s14+$0x0], $0xffff;
	v56 =	vor.u32 v4, v40  }
0x1f2: {  	s5 =	sor.u32 $0x6, s3;
	v26 =	vor.u32 v8, v26;
	v60 =	vmul.f32 v42, v42;
	v35 =	vld.idx.msk [tilespmem:v54+s14+$0x0], $0xffff;
	v40 =	vor.u32 v7, v40  }
0x1f3: {  	s11 =	sor.u32 s2, s5;
	v48 =	vadd.f32 v49, v48;
	v54 =	vmul.f32 v34, v34;
	v50 =	vld.idx.msk [tilespmem:v59+s14+$0x0], $0xffff;
	v59 =	vmul.f32 v45, v45  }
0x1f4: {  	[tilespmem:s18+$0x7840] =	vst v37;
	v49 =	vld.idx.msk [tilespmem:v52+s14+$0x0], $0xffff;
	v61 =	vmov s11;
	v27 =	vadd.f32 v44, v27;
	v47 =	vshll.u32 v47, $0x7  }
0x1f5: {  	[tilespmem:s18+$0x7860] =	vst v45;
	v52 =	vld [tilespmem:s15+$0x7870];
	v30 =	vadd.f32 v54, v53;
	v60 =	vadd.f32 v60, v59;
	v54 =	vand.u32 $0x7E, v61  }
0x1f6: {  	v58 =	vor.u32 v63, v47;
	v53 =	vor.u32 v1, v47;
	v54 =	vor.u32 v25, v54;
	v43 =	vld.idx.msk [tilespmem:v56+s14+$0x0], $0xffff  }
0x1f7: {  	[tilespmem:s18+$0x7870] =	vst v42;
	v61 =	vor.u32 v2, v47;
	v30 =	vadd.f32 v30, v48;
	v48 =	vbroadcast v54, $0x0;
	v40 =	vld.idx.msk [tilespmem:v40+s14+$0x0], $0xffff  }
0x1f8: {  	[tilespmem:s18+$0x7850] =	vst v38;
	v56 =	vmul.f32 v38, v38;
	v32 =	vadd.f32 v39, v32;
	v29 =	vadd.f32 v33, v29;
	v33 =	vld [tilespmem:s9+$0x7810]  }
0x1f9: {  	[tilespmem:v26+s21+$0x0] =	vst.idx.msk $0xffff, v27;
	v36 =	vadd.f32 v41, v36;
	v35 =	vadd.f32 v35, v46;
	v41 =	vld [tilespmem:s9+$0x7820]  }
0x1fa: {  	v38 =	vadd.f32 v50, v51;
	v50 =	vld [tilespmem:s9+$0x7830];
	v62 =	vadd.f32 v56, v55;
	v56 =	vor.u32 v3, v47  }
0x1fb: {  	v59 =	vadd.f32 v29, v32;
	v45 =	vmul.f32 v32, v32;
	v54 =	vmul.f32 v36, v36;
	v34 =	vld.idx.msk [tilespmem:v58+s14+$0x0], $0xffff  }
0x1fc: {  	v44 =	vld.idx.msk [tilespmem:v61+s14+$0x0], $0xffff;
	v58 =	vor.u32 v4, v47;
	v61 =	vor.u32 v5, v47;
	v31 =	vadd.f32 v60, v62  }
0x1fd: {  	[tilespmem:s15+$0x7800] =	vst v32;
	v37 =	vld.idx.msk [tilespmem:v53+s14+$0x0], $0xffff;
	v62 =	vmov s10;
	v60 =	vadd.f32 v35, v36;
	v0 =	vadd.f32 v43, v0  }
0x1fe: {  	[tilespmem:s15+$0x7810] =	vst v29;
	v43 =	vadd.f32 v49, v57;
	v40 =	vadd.f32 v40, v52;
	v48 =	vld.idx.msk [tilespmem:v48+s13+$0x0], $0xffff;
	v32 =	vand.u32 $0x7C, v62  }
0x1ff: {  	[tilespmem:s15+$0x7830] =	vst v35;
	v49 =	vld [tilespmem:s9+$0x7840];
	v30 =	vadd.f32 v31, v30;
	v31 =	vadd.f32 v60, v59;
	v60 =	vmul.f32 v38, v38  }
0x200: {  	v51 =	vadd.f32 v38, v0;
	v52 =	vadd.f32 v40, v43;
	v39 =	vld.idx.msk [tilespmem:v56+s14+$0x0], $0xffff;
	v62 =	vmul.f32 v0, v0  }
0x201: {  	v56 =	vld [tilespmem:s9+$0x7850];
	v57 =	vmul.f32 v43, v43;
	[tilespmem:s15+$0x7840] =	vst v0;
	v0 =	vbroadcast v32, $0x0  }
0x202: {  	v53 =	vld.idx.msk [tilespmem:v61+s14+$0x0], $0xffff;
	v61 =	vmul.f32 v40, v40;
	v42 =	vadd.f32 v52, v51;
	v51 =	vor.u32 v6, v47  }
0x203: {  	[tilespmem:s15+$0x7850] =	vst v38;
	v38 =	vld [tilespmem:s9+$0x7870];
	v52 =	vmul.f32 v29, v29;
	v29 =	vmul.f32 v35, v35;
	v47 =	vor.u32 v7, v47  }
0x204: {  	s11 =	sshll.u32 s11, $0x7;
	v46 =	vld.idx.msk [tilespmem:v58+s14+$0x0], $0xffff;
	v62 =	vadd.f32 v60, v62;
	v0 =	vor.u32 v8, v0;
	v35 =	vadd.f32 v61, v57  }
0x205: {  	[tilespmem:s15+$0x7820] =	vst v36;
	s10 =	sand.u32 $0x3FFFFF80, s11;
	v48 =	vshll.u32 v48, $0x7;
	v45 =	vadd.f32 v52, v45;
	v52 =	vld [tilespmem:s9+$0x7860]  }
0x206: {  	[tilespmem:s15+$0x7860] =	vst v43;
	v58 =	vor.u32 v63, v48;
	v29 =	vadd.f32 v29, v54;
	v32 =	vadd.f32 v35, v62;
	v35 =	vld [tilespmem:s10+$0x7800]  }
0x207: {  	s3 =	sor.u32 $0x7, s3;
	[tilespmem:s15+$0x7870] =	vst v40;
	v57 =	vor.u32 v1, v48;
	v27 =	vadd.f32 v42, v31;
	v36 =	vld.idx.msk [tilespmem:v51+s14+$0x0], $0xffff  }
0x208: {  	s31 =	sor.u32 s2, s3;
	v28 =	vadd.f32 v34, v28;
	v55 =	vor.u32 v3, v48;
	v29 =	vadd.f32 v29, v45;
	v60 =	vld.idx.msk [tilespmem:v47+s14+$0x0], $0xffff  }
0x209: {  	v59 =	vmov s31;
	v62 =	vor.u32 v2, v48;
	[tilespmem:v0+s21+$0x0] =	vst.idx.msk $0xffff, v27;
	v27 =	vadd.f32 v39, v50;
	v39 =	vld [tilespmem:s10+$0x7820]  }
0x20a: {  	[tilespmem:v26+s22+$0x0] =	vst.idx.msk $0xffff, v30;
	v30 =	vadd.f32 v37, v33;
	v61 =	vand.u32 $0x7F, v59;
	v26 =	vadd.f32 v32, v29;
	v29 =	vld [tilespmem:s10+$0x7810]  }
0x20b: {  	v45 =	vor.u32 v25, v61;
	v37 =	vadd.f32 v46, v49;
	v46 =	vor.u32 v5, v48;
	v31 =	vld.idx.msk [tilespmem:v58+s14+$0x0], $0xffff  }
0x20c: {  	v54 =	vbroadcast v45, $0x0;
	v33 =	vld.idx.msk [tilespmem:v57+s14+$0x0], $0xffff  }
0x20d: {  	s25 =	sshll.u32 s31, $0x7;
	v50 =	vmul.f32 v28, v28;
	v32 =	vadd.f32 v44, v41;
	v41 =	vadd.f32 v53, v56;
	v34 =	vld.idx.msk [tilespmem:v55+s14+$0x0], $0xffff  }
0x20e: {  	s31 =	sand.u32 $0x3FFFFF80, s25;
	v53 =	vor.u32 v6, v48;
	v57 =	vor.u32 v4, v48;
	v61 =	vmul.f32 v27, v27;
	v40 =	vld.idx.msk [tilespmem:v62+s14+$0x0], $0xffff  }
0x20f: {  	[tilespmem:s9+$0x7840] =	vst v37;
	v48 =	vor.u32 v7, v48;
	v47 =	vadd.f32 v41, v37;
	v62 =	vmul.f32 v37, v37;
	v37 =	vld [tilespmem:s31+$0x7800]  }
0x210: {  	v58 =	vmov s16;
	[tilespmem:v0+s22+$0x0] =	vst.idx.msk $0xffff, v26;
	v26 =	vadd.f32 v30, v28;
	v59 =	vadd.f32 v27, v32;
	v46 =	vld.idx.msk [tilespmem:v46+s14+$0x0], $0xffff  }
0x211: {  	v43 =	vmul.f32 v32, v32;
	v56 =	vmul.f32 v41, v41;
	v0 =	vadd.f32 v60, v38;
	v38 =	vld [tilespmem:s10+$0x7830]  }
0x212: {  	[tilespmem:s9+$0x7800] =	vst v28;
	v45 =	vand.u32 $0x7D, v58;
	v36 =	vadd.f32 v36, v52;
	v52 =	vld [tilespmem:s10+$0x7840];
	v26 =	vadd.f32 v59, v26  }
0x213: {  	v60 =	vmul.f32 v30, v30;
	v43 =	vadd.f32 v61, v43;
	v62 =	vadd.f32 v56, v62;
	v42 =	vld.idx.msk [tilespmem:v54+s13+$0x0], $0xffff  }
0x214: {  	v53 =	vld.idx.msk [tilespmem:v53+s14+$0x0], $0xffff;
	v49 =	vadd.f32 v0, v36;
	v28 =	vmul.f32 v36, v36;
	v58 =	vmul.f32 v0, v0  }
0x215: {  	v45 =	vbroadcast v45, $0x0;
	v54 =	vld [tilespmem:s10+$0x7870];
	v60 =	vadd.f32 v60, v50;
	[tilespmem:s9+$0x7870] =	vst v0;
	v0 =	vadd.f32 v31, v35  }
0x216: {  	[tilespmem:s9+$0x7810] =	vst v30;
	v44 =	vld.idx.msk [tilespmem:v57+s14+$0x0], $0xffff;
	v29 =	vadd.f32 v33, v29;
	v28 =	vadd.f32 v58, v28  }
0x217: {  	[tilespmem:s9+$0x7830] =	vst v27;
	v45 =	vor.u32 v8, v45;
	v57 =	vld [tilespmem:s10+$0x7850];
	v27 =	vadd.f32 v49, v47;
	v30 =	vadd.f32 v43, v60  }
0x218: {  	v56 =	vld.idx.msk [tilespmem:v48+s14+$0x0], $0xffff;
	v43 =	vadd.f32 v29, v0;
	v48 =	vmul.f32 v29, v29;
	v33 =	vadd.f32 v34, v38  }
0x219: {  	v50 =	vld [tilespmem:s10+$0x7860];
	v42 =	vshll.u32 v42, $0x7;
	v28 =	vadd.f32 v28, v62;
	v26 =	vadd.f32 v27, v26  }
0x21a: {  	[tilespmem:s9+$0x7820] =	vst v32;
	v38 =	vld [tilespmem:s31+$0x7820];
	v61 =	vor.u32 v63, v42;
	v55 =	vor.u32 v1, v42;
	v58 =	vor.u32 v2, v42  }
0x21b: {  	[tilespmem:s9+$0x7850] =	vst v41;
	v59 =	vor.u32 v3, v42;
	v35 =	vadd.f32 v44, v52;
	v44 =	vmul.f32 v0, v0;
	v52 =	vld [tilespmem:s31+$0x7840]  }
0x21c: {  	[tilespmem:s9+$0x7860] =	vst v36;
	v36 =	vadd.f32 v46, v57;
	v60 =	vor.u32 v4, v42;
	v27 =	vadd.f32 v28, v30;
	v30 =	vld [tilespmem:s31+$0x7810]  }
0x21d: {  	v32 =	vadd.f32 v56, v54;
	[tilespmem:v45+s21+$0x0] =	vst.idx.msk $0xffff, v26;
	v44 =	vadd.f32 v48, v44;
	v48 =	vld [tilespmem:s31+$0x7850]  }
0x21e: {  	v46 =	vor.u32 v5, v42;
	v26 =	vadd.f32 v40, v39;
	[tilespmem:v45+s22+$0x0] =	vst.idx.msk $0xffff, v27;
	v45 =	vld [tilespmem:s31+$0x7830]  }
0x21f: {  	v40 =	vmov s5;
	v51 =	vmul.f32 v35, v35;
	v54 =	vadd.f32 v36, v35;
	v28 =	vld.idx.msk [tilespmem:v61+s14+$0x0], $0xffff  }
0x220: {  	[tilespmem:s10+$0x7800] =	vst v0;
	v62 =	vmul.f32 v36, v36;
	v40 =	vand.u32 $0x7E, v40;
	v27 =	vadd.f32 v53, v50;
	v34 =	vld.idx.msk [tilespmem:v55+s14+$0x0], $0xffff  }
0x221: {  	v47 =	vadd.f32 v33, v26;
	v49 =	vmul.f32 v26, v26;
	v41 =	vld.idx.msk [tilespmem:v58+s14+$0x0], $0xffff;
	v61 =	vmul.f32 v33, v33  }
0x222: {  	v53 =	vor.u32 v6, v42;
	v56 =	vmul.f32 v27, v27;
	v39 =	vld.idx.msk [tilespmem:v60+s14+$0x0], $0xffff;
	v60 =	vmul.f32 v32, v32  }
0x223: {  	v42 =	vor.u32 v7, v42;
	v31 =	vld.idx.msk [tilespmem:v59+s14+$0x0], $0xffff;
	v0 =	vadd.f32 v61, v49;
	v61 =	vadd.f32 v32, v27  }
0x224: {  	v40 =	vbroadcast v40, $0x0;
	v62 =	vadd.f32 v62, v51;
	v46 =	vld.idx.msk [tilespmem:v46+s14+$0x0], $0xffff;
	v55 =	vadd.f32 v60, v56  }
0x225: {  	[tilespmem:s10+$0x7820] =	vst v26;
	v26 =	vadd.f32 v47, v43;
	v56 =	vld [tilespmem:s31+$0x7860];
	v57 =	vadd.f32 v61, v54  }
0x226: {  	[tilespmem:s10+$0x7810] =	vst v29;
	v59 =	vor.u32 v8, v40;
	v60 =	vld [tilespmem:s31+$0x7870];
	v0 =	vadd.f32 v0, v44;
	v29 =	vadd.f32 v55, v62  }
0x227: {  	[tilespmem:s10+$0x7860] =	vst v27;
	v58 =	vld.idx.msk [tilespmem:v53+s14+$0x0], $0xffff;
	v27 =	vadd.f32 v28, v37;
	v62 =	vadd.f32 v34, v30  }
0x228: {  	[tilespmem:s10+$0x7830] =	vst v33;
	v61 =	vld.idx.msk [tilespmem:v42+s14+$0x0], $0xffff;
	v44 =	vadd.f32 v41, v38;
	v45 =	vadd.f32 v31, v45  }
0x229: {  	[tilespmem:s10+$0x7840] =	vst v35;
	v49 =	vmov s3;
	v50 =	vadd.f32 v46, v48;
	v26 =	vadd.f32 v57, v26  }
0x22a: {  	[tilespmem:s10+$0x7850] =	vst v36;
	v0 =	vadd.f32 v29, v0;
	v34 =	vadd.f32 v62, v27;
	v53 =	vmul.f32 v62, v62  }
0x22b: {  	[tilespmem:s10+$0x7870] =	vst v32;
	v54 =	vadd.f32 v45, v44;
	v38 =	vmul.f32 v44, v44;
	v55 =	vmul.f32 v45, v45  }
0x22c: {  	v31 =	vand.u32 $0x7F, v49;
	v57 =	vmul.f32 v50, v50;
	[tilespmem:v59+s21+$0x0] =	vst.idx.msk $0xffff, v26;
	v26 =	vadd.f32 v39, v52  }
0x22d: {  	v31 =	vbroadcast v31, $0x0;
	[tilespmem:v59+s22+$0x0] =	vst.idx.msk $0xffff, v0;
	v0 =	vadd.f32 v58, v56;
	v51 =	vadd.f32 v61, v60  }
0x22e: {  	[tilespmem:s31+$0x7800] =	vst v27;
	v52 =	vmul.f32 v27, v27;
	v60 =	vadd.f32 v55, v38;
	v56 =	vmul.f32 v26, v26  }
0x22f: {  	[tilespmem:s31+$0x7810] =	vst v62;
	v27 =	vadd.f32 v50, v26;
	v58 =	vmul.f32 v0, v0;
	v59 =	vmul.f32 v51, v51  }
0x230: {  	[tilespmem:s31+$0x7820] =	vst v44;
	v35 =	vadd.f32 v53, v52;
	v61 =	vadd.f32 v51, v0  }
0x231: {  	[tilespmem:s31+$0x7830] =	vst v45;
	v31 =	vor.u32 v8, v31;
	v62 =	vadd.f32 v57, v56;
	v28 =	vadd.f32 v59, v58  }
0x232: {  	p1 =	por p0, p0;
	[tilespmem:s31+$0x7840] =	vst v26;
	v26 =	vadd.f32 v54, v34;
	v27 =	vadd.f32 v61, v27  }
.Ltmp3:
0x233: {  	[tilespmem:s31+$0x7850] =	vst v50;
	v29 =	vadd.f32 v60, v35;
	v28 =	vadd.f32 v28, v62;
	(pc) =	sbr.rel @p1 .LBB2_10-.Ltmp3, $4  }
0x234: {  	[tilespmem:s31+$0x7860] =	vst v0;
	v0 =	vadd.f32 v27, v26  }
0x235: {  	[tilespmem:s31+$0x7870] =	vst v51;
	v26 =	vadd.f32 v28, v29  }
0x236: {  	[tilespmem:v31+s21+$0x0] =	vst.idx.msk $0xffff, v0  }
0x237: {  	p0 =	por $0x0, $0x0;
	s3 =	simm.s32 $0x8;
	[tilespmem:v31+s22+$0x0] =	vst.idx.msk $0xffff, v26  }
0x238: {  	v0 =	vld [tilespmem:$0x1B900]  }
0x239: {  	v26 =	vld [tilespmem:$0x1B980]  }
0x23a: {  	v27 =	vld [tilespmem:$0x1BA00]  }
0x23b: {  	v28 =	vld [tilespmem:$0x1BA80]  }
0x23c: {  	v29 =	vld [tilespmem:$0x1BB00]  }
0x23d: {  	v30 =	vld [tilespmem:$0x1BB80]  }
0x23e: {  	v31 =	vld [tilespmem:$0x1BC00]  }
0x23f: {  	v32 =	vld [tilespmem:$0x1BC80]  }
0x240: {  	v33 =	vld [tilespmem:$0x1BD00]  }
0x241: {  	v34 =	vld [tilespmem:$0x1BD80]  }
0x242: {  	v35 =	vld [tilespmem:$0x1BE00]  }
0x243: {  	v36 =	vld [tilespmem:$0x1BE80]  }
0x244: {  	v37 =	vld [tilespmem:$0x1BF00]  }
0x245: {  	v38 =	vld [tilespmem:$0x1BF80]  }
0x246: {  	v39 =	vld [tilespmem:$0x1C000]  }
0x247: {  	v40 =	vld [tilespmem:$0x1C080]  }
0x248: {  	v41 =	vld [tilespmem:$0x1C100]  }
0x249: {  	v42 =	vld [tilespmem:$0x1C180]  }
0x24a: {  	v43 =	vld [tilespmem:$0x1C200]  }
0x24b: {  	v44 =	vld [tilespmem:$0x1C280]  }
0x24c: {  	v45 =	vld [tilespmem:$0x1C300]  }
0x24d: {  	v46 =	vld [tilespmem:$0x1C380]  }
0x24e: {  	v47 =	vld [tilespmem:$0x1C400]  }
0x24f: {  	v48 =	vld [tilespmem:$0x1C480]  }
0x250: {  	v49 =	vld [tilespmem:$0x1C500]  }
0x251: {  	v59 =	vld [tilespmem:$0x1C680]  }
0x252: {  	v62 =	vld [tilespmem:$0x1C700];
	v0 =	vadd.f32 v26, v0;
	v26 =	vadd.f32 v28, v27  }
0x253: {  	v63 =	vld [tilespmem:$0x1C800];
	v28 =	vadd.f32 v30, v29;
	v29 =	vadd.f32 v32, v31  }
0x254: {  	v27 =	vld [tilespmem:$0x1C580];
	v31 =	vadd.f32 v34, v33;
	v58 =	vadd.f32 v36, v35  }
0x255: {  	v30 =	vld [tilespmem:$0x1C600];
	v60 =	vadd.f32 v38, v37;
	v61 =	vadd.f32 v40, v39  }
0x256: {  	v40 =	vld [tilespmem:$0x1C880];
	v0 =	vadd.f32 v26, v0;
	v26 =	vadd.f32 v29, v28  }
0x257: {  	v28 =	vld [tilespmem:$0x1C780];
	v29 =	vadd.f32 v58, v31;
	v31 =	vadd.f32 v61, v60  }
0x258: {  	v46 =	vadd.f32 v46, v45;
	v50 =	vadd.f32 v48, v47  }
0x259: {  	v0 =	vadd.f32 v26, v0;
	v26 =	vadd.f32 v31, v29  }
0x25a: {  	v29 =	vadd.f32 v42, v41;
	v31 =	vadd.f32 v44, v43  }
0x25b: {  	v27 =	vadd.f32 v27, v49;
	v30 =	vadd.f32 v59, v30  }
0x25c: {  	v32 =	vadd.f32 v40, v63;
	v28 =	vadd.f32 v28, v62  }
0x25d: {  	v29 =	vadd.f32 v31, v29;
	v31 =	vadd.f32 v50, v46  }
0x25e: {  	v27 =	vadd.f32 v30, v27;
	v28 =	vadd.f32 v32, v28  }
0x25f: {  	v0 =	vadd.f32 v26, v0  }
0x260: {  	v26 =	vadd.f32 v31, v29;
	v27 =	vadd.f32 v28, v27;
	_ =	sdelay $0x1  }
0x261: {  	v0 =	vmul.f32 $7.812500000e-03, v0;
	v26 =	vadd.f32 v27, v26;
	_ =	sdelay $0x1  }
0x262: {  	v27 =	vmul.f32 v0, v0;
	v26 =	vmul.f32 $7.812500000e-03, v26;
	_ =	sdelay $0x1  }
0x263: {  	v26 =	vsub.f32 v26, v27;
	_ =	sdelay $0x1  }
0x264: {  	v26 =	vadd.f32 $9.999999960e-13, v26;
	_ =	sdelay $0x1  }
0x265: {  	v27 =	vshra.s32 v26, $0x1;
	v26 =	vmul.f32 $5.000000000e-01, v26  }
0x266: {  	v27 =	vsub.s32 $0x5F3759DF, v27  }
0x267: {  	v28 =	vmul.f32 v27, v26;
	_ =	sdelay $0x1  }
0x268: {  	v28 =	vmul.f32 v27, v28;
	_ =	sdelay $0x1  }
0x269: {  	v28 =	vsub.f32 $1.500000000e+00, v28;
	_ =	sdelay $0x1  }
0x26a: {  	v27 =	vmul.f32 v27, v28;
	_ =	sdelay $0x1  }
0x26b: {  	v28 =	vmul.f32 v27, v26;
	_ =	sdelay $0x1  }
0x26c: {  	v28 =	vmul.f32 v28, v27;
	_ =	sdelay $0x1  }
0x26d: {  	v28 =	vsub.f32 $1.500000000e+00, v28;
	_ =	sdelay $0x1  }
0x26e: {  	v27 =	vmul.f32 v28, v27;
	_ =	sdelay $0x1  }
0x26f: {  	v26 =	vmul.f32 v27, v26;
	_ =	sdelay $0x1  }
0x270: {  	v26 =	vmul.f32 v26, v27;
	_ =	sdelay $0x1  }
0x271: {  	v26 =	vsub.f32 $1.500000000e+00, v26;
	_ =	sdelay $0x1  }
0x272: {  	v26 =	vmul.f32 v26, v27  }
0x273: {  	[tilespmem:$0x1C900] =	vst v0  }
0x274: {  	[tilespmem:$0x1C980] =	vst v26  }
0x275: {  	v0 =	vld [tilespmem:s0+$0xFFFFFFE0]  }
0x276: {  	v32 =	vld [tilespmem:s0+$0xC0]  }
0x277: {  	v29 =	vld [tilespmem:s0+$0xE0]  }
0x278: {  	s25 =	simm.s32 $0x2;
	v28 =	vld [tilespmem:s0+$0x70]  }
0x279: {  	s5 =	simm.s32 $0x1;
	v51 =	vmov s25;
	v31 =	vld [tilespmem:s0+$0xA0]  }
0x27a: {  	v53 =	vmov s5;
	v33 =	vld [tilespmem:s0+$0x40]  }
0x27b: {  	v35 =	vld [tilespmem:s0+$0xFFFFFFB0]  }
0x27c: {  	v52 =	vld [tilespmem:s0+$0x30]  }
0x27d: {  	v54 =	vld [tilespmem:s0+$0x60]  }
0x27e: {  	v56 =	vor.u32 $0x80, v51;
	v41 =	vld.idx.msk [tilespmem:v51+s23+$0x0], $0xffff  }
0x27f: {  	v34 =	vld.idx.msk [tilespmem:v53+s23+$0x0], $0xffff  }
0x280: {  	v57 =	vld [tilespmem:s0+$0x10]  }
0x281: {  	v43 =	vld [tilespmem:s0+$0xFFFFFFF0]  }
0x282: {  	s31 =	simm.s32 $0x0;
	v58 =	vld [tilespmem:s0+$0x50]  }
0x283: {  	s3 =	simm.s32 $0x3;
	v62 =	vmov s31;
	v45 =	vld.idx.msk [tilespmem:v56+s23+$0x0], $0xffff  }
0x284: {  	v27 =	vmov s3;
	v59 =	vld [tilespmem:s0+$0x20]  }
0x285: {  	v48 =	vld [tilespmem:s0+$0xFFFFFFA0]  }
0x286: {  	v61 =	vld [tilespmem:s0+$0x0]  }
0x287: {  	v56 =	vld [tilespmem:s0+$0xFFFFFF10]  }
0x288: {  	v26 =	vor.u32 $0x80, v27;
	v49 =	vld.idx.msk [tilespmem:v62+s23+$0x0], $0xffff;
	v46 =	vsub.f32 v28, v41;
	v42 =	vsub.f32 v57, v41  }
0x289: {  	v27 =	vld.idx.msk [tilespmem:v27+s23+$0x0], $0xffff;
	v44 =	vsub.f32 v58, v41;
	v36 =	vsub.f32 v52, v41  }
0x28a: {  	v30 =	vld [tilespmem:s0+$0xB0];
	v63 =	vsub.f32 v59, v41;
	v38 =	vsub.f32 v54, v41  }
0x28b: {  	v55 =	vld [tilespmem:s0+$0xFFFFFF90];
	v33 =	vsub.f32 v33, v41;
	v54 =	vsub.f32 v35, v34  }
0x28c: {  	v50 =	vld [tilespmem:s0+$0xFFFFFF80];
	v0 =	vsub.f32 v0, v34;
	v57 =	vsub.f32 v43, v34  }
0x28d: {  	v37 =	vor.u32 $0x80, v53;
	v26 =	vld.idx.msk [tilespmem:v26+s23+$0x0], $0xffff;
	v39 =	vsub.f32 v61, v41;
	v40 =	vsub.f32 v48, v34  }
0x28e: {  	v60 =	vld [tilespmem:s0+$0xFFFFFFD0];
	v52 =	vor.u32 $0x80, v62;
	v56 =	vsub.f32 v56, v49;
	v31 =	vsub.f32 v31, v27  }
0x28f: {  	v47 =	vld [tilespmem:s0+$0xFFFFFF30];
	v28 =	vsub.f32 v30, v27;
	v36 =	vmul.f32 v36, v45;
	v59 =	vmul.f32 v38, v45  }
0x290: {  	v61 =	vld [tilespmem:s0+$0xFFFFFF00];
	v29 =	vsub.f32 v29, v27;
	v33 =	vmul.f32 v33, v45;
	v42 =	vmul.f32 v42, v45  }
0x291: {  	v38 =	vsub.f32 v50, v34;
	v50 =	vld [tilespmem:s0+$0xFFFFFF40];
	v35 =	vmul.f32 v44, v45;
	v43 =	vmul.f32 v63, v45  }
0x292: {  	v63 =	vld [tilespmem:s0+$0xFFFFFF20];
	v30 =	vmul.f32 v31, v26;
	v31 =	vsub.f32 v55, v34;
	v29 =	vmul.f32 v29, v26  }
0x293: {  	v55 =	vsub.f32 v60, v34;
	v60 =	vmul.f32 v59, v15;
	v42 =	vmul.f32 v42, v10;
	v41 =	vld.idx.msk [tilespmem:v52+s23+$0x0], $0xffff  }
0x294: {  	v32 =	vsub.f32 v32, v27;
	v36 =	vmul.f32 v36, v12;
	v51 =	vmul.f32 v30, v11;
	v30 =	vld.idx.msk [tilespmem:v37+s23+$0x0], $0xffff  }
0x295: {  	v59 =	vld [tilespmem:s0+$0xFFFFFF50];
	v33 =	vmul.f32 v33, v13;
	v44 =	vadd.f32 v60, v23;
	v42 =	vadd.f32 v42, v18  }
0x296: {  	v58 =	vld [tilespmem:s0+$0xFFFFFF60];
	v37 =	vmul.f32 v39, v45;
	v36 =	vadd.f32 v36, v20;
	v60 =	vsub.f32 v61, v49  }
0x297: {  	v39 =	vmul.f32 v46, v45;
	v33 =	vadd.f32 v33, v21;
	v63 =	vsub.f32 v63, v49  }
0x298: {  	v53 =	vld [tilespmem:s0+$0xFFFFFF70];
	v50 =	vsub.f32 v50, v49;
	[tilespmem:s0+$0x60] =	vst v44;
	v44 =	vmul.f32 v56, v41;
	v46 =	vmul.f32 v60, v41  }
0x299: {  	v56 =	vsub.f32 v47, v49;
	v45 =	vmul.f32 v63, v41;
	v62 =	vmul.f32 v54, v30  }
0x29a: {  	v47 =	vsub.f32 v59, v49;
	v0 =	vmul.f32 v0, v30;
	v57 =	vmul.f32 v57, v30  }
0x29b: {  	[tilespmem:s0+$0x10] =	vst v42;
	v60 =	vld [tilespmem:s0+$0xD0];
	v54 =	vsub.f32 v58, v49;
	v58 =	vmul.f32 v50, v41;
	v52 =	vmul.f32 v62, v12  }
0x29c: {  	[tilespmem:s0+$0x30] =	vst v36;
	v63 =	vadd.f32 v51, v19;
	v0 =	vmul.f32 v0, v15;
	v62 =	vmul.f32 v57, v16;
	v57 =	vld [tilespmem:s0+$0x80]  }
0x29d: {  	[tilespmem:s0+$0x40] =	vst v33;
	v49 =	vsub.f32 v53, v49;
	v48 =	vmul.f32 v46, v9;
	v61 =	vadd.f32 v52, v20  }
0x29e: {  	v46 =	vmul.f32 v44, v10;
	[tilespmem:s0+$0xA0] =	vst v63;
	v42 =	vmul.f32 v54, v41;
	v54 =	vld [tilespmem:s0+$0xFFFFFFC0];
	v0 =	vadd.f32 v0, v23  }
0x29f: {  	v53 =	vmul.f32 v49, v41;
	[tilespmem:s0+$0xFFFFFFB0] =	vst v61;
	v61 =	vadd.f32 v62, v24;
	v62 =	vmul.f32 v55, v30  }
0x2a0: {  	v36 =	vld [tilespmem:s0+$0xF0];
	v49 =	vmul.f32 v45, v11;
	v52 =	vmul.f32 v58, v13;
	v50 =	vsub.f32 v60, v27;
	[tilespmem:s0+$0xFFFFFFE0] =	vst v0  }
0x2a1: {  	s15 =	sadd.s32 $0x200, s0;
	s5 =	simm.s32 $0x4;
	s3 =	smov.u32 s0;
	v33 =	vld [tilespmem:s0+$0x90];
	v55 =	vmul.f32 v56, v41;
	v45 =	vsub.f32 v57, v27;
	[tilespmem:s0+$0xFFFFFFF0] =	vst v61;
	v51 =	vmul.f32 v62, v14  }
.LBB2_12:
0x2a2: {  	v0 =	vmul.f32 v42, v15  }
0x2a3: {  	s9 =	sadd.s32 $0x1, s5;
	v44 =	vld [tilespmem:s15+$0xFFFFFFE0];
	s10 =	sadd.s32 $0x2, s5;
	s11 =	sadd.s32 $0x3, s5;
	v34 =	vsub.f32 v54, v34;
	v54 =	vmul.f32 v45, v26;
	v53 =	vmul.f32 v53, v16  }
0x2a4: {  	p0 =	slt.u32 s5, $0xC;
	v52 =	vadd.f32 v52, v21;
	v56 =	vmov s9;
	v57 =	vmov s10;
	v58 =	vld [tilespmem:s15+$0xF0];
	s9 =	smov.u32 s5;
	s5 =	sadd.s32 $0x4, s5  }
0x2a5: {  	v59 =	vmov s11;
	v55 =	vmul.f32 v55, v12;
	v45 =	vor.u32 $0x80, v56;
	v42 =	vld [tilespmem:s15+$0xC0]  }
0x2a6: {  	v41 =	vmul.f32 v47, v41;
	v48 =	vadd.f32 v48, v17;
	v60 =	vor.u32 $0x80, v59;
	v61 =	vld [tilespmem:s15+$0xE0]  }
0x2a7: {  	v43 =	vmul.f32 v43, v11;
	v0 =	vadd.f32 v0, v23;
	v55 =	vadd.f32 v55, v20;
	v47 =	vld [tilespmem:s15+$0x70]  }
0x2a8: {  	v41 =	vmul.f32 v41, v14;
	v34 =	vmul.f32 v34, v30;
	v62 =	vld [tilespmem:s15+$0xB0];
	[tilespmem:s3+$0xFFFFFF40] =	vst v52;
	v52 =	vadd.f32 v53, v24  }
0x2a9: {  	v49 =	vadd.f32 v49, v19;
	v40 =	vmul.f32 v40, v30;
	v50 =	vmul.f32 v50, v26;
	v53 =	vld [tilespmem:s15+$0xA0];
	[tilespmem:s3+$0xFFFFFF30] =	vst v55  }
0x2aa: {  	v51 =	vadd.f32 v51, v22;
	v43 =	vadd.f32 v43, v19;
	v34 =	vmul.f32 v34, v13;
	v55 =	vld [tilespmem:s15+$0x40];
	[tilespmem:s3+$0xFFFFFF70] =	vst v52  }
0x2ab: {  	v38 =	vmul.f32 v38, v30;
	v36 =	vsub.f32 v36, v27;
	v63 =	vor.u32 $0x80, v57;
	v52 =	vld [tilespmem:s15+$0xFFFFFFB0];
	[tilespmem:s3+$0xFFFFFF20] =	vst v49  }
0x2ac: {  	v40 =	vmul.f32 v40, v11;
	v50 =	vmul.f32 v50, v14;
	v34 =	vadd.f32 v34, v21;
	v49 =	vld [tilespmem:s15+$0x30];
	[tilespmem:s3+$0xFFFFFFD0] =	vst v51  }
0x2ad: {  	v46 =	vadd.f32 v46, v18;
	v38 =	vmul.f32 v38, v9;
	v51 =	vld [tilespmem:s15+$0x60];
	[tilespmem:s3+$0x20] =	vst v43  }
0x2ae: {  	[tilespmem:s3+$0xFFFFFFC0] =	vst v34;
	v34 =	vmul.f32 v36, v26;
	v36 =	vadd.f32 v40, v19  }
0x2af: {  	v30 =	vmul.f32 v31, v30;
	v31 =	vadd.f32 v50, v22;
	v43 =	vld [tilespmem:s15+$0x90]  }
0x2b0: {  	v33 =	vsub.f32 v33, v27;
	v40 =	vmul.f32 v28, v26;
	v50 =	vld [tilespmem:s15+$0xFFFFFF90];
	[tilespmem:s3+$0xFFFFFF00] =	vst v48  }
0x2b1: {  	v41 =	vadd.f32 v41, v22;
	v38 =	vadd.f32 v38, v17;
	v30 =	vmul.f32 v30, v10;
	v28 =	vld.idx.msk [tilespmem:v60+s23+$0x0], $0xffff  }
0x2b2: {  	v48 =	vmul.f32 v34, v16;
	v27 =	vld.idx.msk [tilespmem:v59+s23+$0x0], $0xffff;
	[tilespmem:s3+$0xFFFFFFA0] =	vst v36;
	v59 =	vmul.f32 v33, v26;
	v36 =	vmov v58  }
0x2b3: {  	v30 =	vadd.f32 v30, v18;
	v57 =	vld.idx.msk [tilespmem:v57+s23+$0x0], $0xffff;
	[tilespmem:s3+$0xFFFFFF50] =	vst v41;
	v41 =	vmul.f32 v54, v9  }
0x2b4: {  	v33 =	vmov v43;
	v34 =	vld.idx.msk [tilespmem:v56+s23+$0x0], $0xffff;
	[tilespmem:s3+$0xFFFFFF60] =	vst v0;
	v0 =	vmul.f32 v35, v14;
	v35 =	vmul.f32 v59, v10  }
0x2b5: {  	v37 =	vmul.f32 v37, v9;
	v43 =	vld [tilespmem:s15+$0x10];
	[tilespmem:s3+$0xFFFFFF10] =	vst v46;
	v41 =	vadd.f32 v41, v17;
	v46 =	vadd.f32 v48, v24  }
0x2b6: {  	v39 =	vmul.f32 v39, v16;
	v29 =	vmul.f32 v29, v15;
	v48 =	vld [tilespmem:s15+$0xFFFFFFF0];
	v35 =	vadd.f32 v35, v18;
	[tilespmem:s3+$0xD0] =	vst v31  }
0x2b7: {  	v37 =	vadd.f32 v37, v17;
	v0 =	vadd.f32 v0, v22;
	v31 =	vmul.f32 v32, v26;
	v54 =	vld [tilespmem:s15+$0x50];
	[tilespmem:s3+$0xF0] =	vst v46  }
0x2b8: {  	v29 =	vadd.f32 v29, v23;
	v32 =	vsub.f32 v53, v27;
	v26 =	vmov v28;
	v46 =	vld.idx.msk [tilespmem:v63+s23+$0x0], $0xffff;
	[tilespmem:s3+$0xFFFFFF90] =	vst v30  }
0x2b9: {  	v47 =	vsub.f32 v47, v57;
	v30 =	vmul.f32 v31, v13;
	v53 =	vld [tilespmem:s15+$0x20];
	[tilespmem:s3+$0x50] =	vst v0;
	v0 =	vadd.f32 v39, v24  }
0x2ba: {  	v28 =	vsub.f32 v62, v27;
	v32 =	vmul.f32 v32, v26;
	v39 =	vld [tilespmem:s15+$0xFFFFFFD0];
	v43 =	vsub.f32 v43, v57;
	[tilespmem:s3+$0xE0] =	vst v29  }
0x2bb: {  	v31 =	vsub.f32 v50, v34;
	v29 =	vsub.f32 v61, v27;
	v50 =	vld [tilespmem:s15+$0xFFFFFFA0];
	[tilespmem:s3+$0x0] =	vst v37;
	v37 =	vmul.f32 v40, v12  }
0x2bc: {  	v56 =	vmul.f32 v32, v11;
	v32 =	vadd.f32 v30, v21;
	v40 =	vld [tilespmem:s15+$0x0];
	v54 =	vsub.f32 v54, v57;
	[tilespmem:s3+$0x80] =	vst v41  }
0x2bd: {  	v49 =	vsub.f32 v49, v57;
	v41 =	vmov s9;
	v58 =	vld [tilespmem:s15+$0xFFFFFF80];
	[tilespmem:s3+$0x70] =	vst v0;
	v0 =	vadd.f32 v37, v20  }
0x2be: {  	v51 =	vsub.f32 v51, v57;
	v37 =	vor.u32 $0x80, v41;
	v30 =	vld.idx.msk [tilespmem:v45+s23+$0x0], $0xffff;
	v45 =	vsub.f32 v53, v57;
	[tilespmem:s3+$0xC0] =	vst v32  }
0x2bf: {  	v32 =	vsub.f32 v55, v57;
	v53 =	vld [tilespmem:s15+$0xFFFFFF70];
	v59 =	vsub.f32 v39, v34;
	v39 =	vmul.f32 v49, v46;
	[tilespmem:s3+$0xB0] =	vst v0  }
0x2c0: {  	v44 =	vsub.f32 v44, v34;
	v29 =	vmul.f32 v29, v26;
	v49 =	vsub.f32 v52, v34;
	v0 =	vld [tilespmem:s15+$0xFFFFFF30];
	[tilespmem:s3+$0xFFFFFF80] =	vst v38  }
0x2c1: {  	v48 =	vsub.f32 v48, v34;
	v55 =	vmul.f32 v32, v46;
	v32 =	vmul.f32 v51, v46;
	v52 =	vld [tilespmem:s15+$0xFFFFFF10];
	[tilespmem:s3+$0x90] =	vst v35;
	s3 =	smov.u32 s15  }
0x2c2: {  	v43 =	vmul.f32 v43, v46;
	v57 =	vsub.f32 v40, v57;
	v51 =	vld.idx.msk [tilespmem:v41+s23+$0x0], $0xffff;
	v38 =	vsub.f32 v58, v34  }
0x2c3: {  	v40 =	vsub.f32 v50, v34;
	v35 =	vmul.f32 v54, v46;
	v50 =	vmul.f32 v32, v15;
	v58 =	vld [tilespmem:s15+$0xFFFFFF40]  }
0x2c4: {  	v54 =	vmul.f32 v43, v10;
	v32 =	vsub.f32 v42, v27;
	v44 =	vmul.f32 v44, v30;
	v41 =	vld.idx.msk [tilespmem:v37+s23+$0x0], $0xffff  }
0x2c5: {  	v43 =	vmul.f32 v45, v46;
	v49 =	vmul.f32 v49, v30;
	v45 =	vadd.f32 v50, v23;
	v42 =	vld [tilespmem:s15+$0xFFFFFF00]  }
0x2c6: {  	v39 =	vmul.f32 v39, v12;
	v54 =	vadd.f32 v54, v18;
	v37 =	vmul.f32 v57, v46;
	v50 =	vld [tilespmem:s15+$0xFFFFFF20]  }
0x2c7: {  	v48 =	vmul.f32 v48, v30;
	v49 =	vmul.f32 v49, v12;
	v57 =	vld [tilespmem:s15+$0xFFFFFF60];
	[tilespmem:s15+$0x60] =	vst v45  }
0x2c8: {  	v45 =	vsub.f32 v58, v51;
	v58 =	vld [tilespmem:s15+$0xFFFFFF50];
	[tilespmem:s15+$0x10] =	vst v54;
	v54 =	vadd.f32 v39, v20;
	v39 =	vmul.f32 v47, v46  }
0x2c9: {  	v44 =	vmul.f32 v44, v15;
	v46 =	vsub.f32 v52, v51;
	v47 =	vmul.f32 v55, v13  }
0x2ca: {  	v48 =	vmul.f32 v48, v16;
	v49 =	vadd.f32 v49, v20;
	v42 =	vsub.f32 v42, v51;
	[tilespmem:s15+$0x30] =	vst v54  }
0x2cb: {  	v0 =	vsub.f32 v0, v51;
	v46 =	vmul.f32 v46, v41;
	v50 =	vsub.f32 v50, v51  }
0x2cc: {  	v55 =	vmul.f32 v42, v41;
	v42 =	vsub.f32 v57, v51;
	v57 =	vadd.f32 v47, v21;
	v60 =	vld [tilespmem:s15+$0x80]  }
0x2cd: {  	v45 =	vmul.f32 v45, v41;
	v47 =	vsub.f32 v58, v51;
	v51 =	vsub.f32 v53, v51;
	v58 =	vld [tilespmem:s15+$0xD0]  }
.Ltmp4:
0x2ce: {  	v48 =	vadd.f32 v48, v24;
	v50 =	vmul.f32 v50, v41;
	v42 =	vmul.f32 v42, v41;
	[tilespmem:s15+$0xFFFFFFB0] =	vst v49;
	v54 =	vld [tilespmem:s15+$0xFFFFFFC0];
	(pc) =	sbr.rel @p0 .LBB2_12-.Ltmp4, $4  }
0x2cf: {  	v44 =	vadd.f32 v44, v23;
	v52 =	vmul.f32 v45, v13;
	v53 =	vmul.f32 v51, v41;
	[tilespmem:s15+$0x40] =	vst v57  }
0x2d0: {  	v56 =	vadd.f32 v56, v19;
	v49 =	vmul.f32 v50, v11;
	v50 =	vmul.f32 v59, v30;
	[tilespmem:s15+$0xFFFFFFF0] =	vst v48  }
0x2d1: {  	v46 =	vmul.f32 v46, v10;
	v48 =	vmul.f32 v55, v9;
	[tilespmem:s15+$0xFFFFFFE0] =	vst v44;
	v45 =	vsub.f32 v60, v27  }
0x2d2: {  	v55 =	vmul.f32 v0, v41;
	v51 =	vmul.f32 v50, v14;
	s15 =	sadd.s32 $0x200, s15;
	[tilespmem:s3+$0xA0] =	vst v56;
	v50 =	vsub.f32 v58, v27  }
0x2d3: {  	v52 =	vadd.f32 v52, v21  }
0x2d4: {  	v49 =	vadd.f32 v49, v19  }
0x2d5: {  	v44 =	vmul.f32 v53, v16;
	v63 =	vadd.f32 v51, v22;
	[tilespmem:s3+$0xFFFFFF40] =	vst v52  }
0x2d6: {  	v34 =	vsub.f32 v54, v34;
	v0 =	vmul.f32 v55, v12;
	v51 =	vadd.f32 v48, v17;
	[tilespmem:s3+$0xFFFFFF20] =	vst v49  }
0x2d7: {  	v43 =	vmul.f32 v43, v11;
	v40 =	vmul.f32 v40, v30;
	v44 =	vadd.f32 v44, v24;
	[tilespmem:s3+$0xFFFFFFD0] =	vst v63  }
0x2d8: {  	v42 =	vmul.f32 v42, v15;
	v34 =	vmul.f32 v34, v30;
	v0 =	vadd.f32 v0, v20;
	[tilespmem:s3+$0xFFFFFF00] =	vst v51  }
0x2d9: {  	v41 =	vmul.f32 v47, v41;
	v35 =	vmul.f32 v35, v14;
	v43 =	vadd.f32 v43, v19;
	[tilespmem:s3+$0xFFFFFF70] =	vst v44  }
0x2da: {  	v36 =	vsub.f32 v36, v27;
	v55 =	vadd.f32 v42, v23;
	[tilespmem:s3+$0xFFFFFF30] =	vst v0;
	v0 =	vmul.f32 v34, v13  }
0x2db: {  	v31 =	vmul.f32 v31, v30;
	v29 =	vmul.f32 v29, v15;
	v35 =	vadd.f32 v35, v22;
	[tilespmem:s3+$0x20] =	vst v43  }
0x2dc: {  	v58 =	vmul.f32 v45, v26;
	v47 =	vmul.f32 v40, v11;
	[tilespmem:s3+$0xFFFFFF60] =	vst v55;
	v0 =	vadd.f32 v0, v21  }
0x2dd: {  	v27 =	vsub.f32 v33, v27;
	v59 =	vmul.f32 v37, v9;
	v29 =	vadd.f32 v29, v23;
	[tilespmem:s3+$0x50] =	vst v35  }
0x2de: {  	v32 =	vmul.f32 v32, v26;
	v53 =	vmul.f32 v36, v26;
	[tilespmem:s3+$0xFFFFFFC0] =	vst v0;
	v0 =	vadd.f32 v47, v19  }
0x2df: {  	v28 =	vmul.f32 v28, v26;
	v60 =	vmul.f32 v39, v16;
	v33 =	vadd.f32 v59, v17;
	[tilespmem:s3+$0xE0] =	vst v29  }
0x2e0: {  	v49 =	vmul.f32 v41, v14;
	v34 =	vmul.f32 v53, v16;
	[tilespmem:s3+$0xFFFFFFA0] =	vst v0;
	v0 =	vadd.f32 v46, v18  }
0x2e1: {  	v52 =	vmul.f32 v50, v26;
	v26 =	vmul.f32 v27, v26;
	v27 =	vadd.f32 v60, v24;
	[tilespmem:s3+$0x0] =	vst v33  }
0x2e2: {  	v31 =	vmul.f32 v31, v10;
	[tilespmem:s3+$0xFFFFFF10] =	vst v0;
	v0 =	vadd.f32 v34, v24  }
0x2e3: {  	v61 =	vmul.f32 v38, v30;
	v28 =	vmul.f32 v28, v12;
	v54 =	vadd.f32 v49, v22;
	[tilespmem:s3+$0x70] =	vst v27  }
0x2e4: {  	v31 =	vadd.f32 v31, v18;
	[tilespmem:s3+$0xF0] =	vst v0;
	v0 =	vmul.f32 v58, v9  }
0x2e5: {  	v62 =	vmul.f32 v61, v9;
	v27 =	vadd.f32 v28, v20;
	[tilespmem:s3+$0xFFFFFF50] =	vst v54  }
0x2e6: {  	v32 =	vmul.f32 v32, v13;
	[tilespmem:s3+$0xFFFFFF90] =	vst v31;
	v0 =	vadd.f32 v0, v17  }
0x2e7: {  	s5 =	sshll.u32 s4, $0xB;
	s4 =	sadd.s32 $0x1, s4;
	v56 =	vmul.f32 v52, v14;
	v63 =	vadd.f32 v62, v17;
	[tilespmem:s3+$0xB0] =	vst v27  }
0x2e8: {  	p0 =	sne.s32 s4, $0x8;
	v26 =	vmul.f32 v26, v10;
	[tilespmem:s3+$0x80] =	vst v0;
	v0 =	vadd.f32 v32, v21  }
.Ltmp5:
0x2e9: {  	v57 =	vadd.f32 v56, v22;
	[tilespmem:s3+$0xFFFFFF80] =	vst v63;
	(pc) =	sbr.rel @p0 .LBB2_9-.Ltmp5, $4  }
0x2ea: {  	s2 =	sadd.s32 s30, s2;
	[tilespmem:s3+$0xC0] =	vst v0;
	v0 =	vadd.f32 v26, v18  }
0x2eb: {  	s5 =	sand.u32 $0x3FFFF800, s5;
	s2 =	sshll.u32 s2, $0x4;
	[tilespmem:s3+$0xD0] =	vst v57  }
0x2ec: {  	s0 =	sadd.s32 $0x800, s0;
	s31 =	sadd.s32 $0x7800, s5;
	s2 =	sadd.s32 s6, s2;
	[tilespmem:s3+$0x90] =	vst v0  }
0x2ed: {  	v63 =	vlaneseq.u32;
	[hbm4b:s2+s7] =	stream.linear.scatter [tilespmem:s31], [sflag:$0x4], $0x800, $0x38;
	[tilespmem:$0x1CA00] =	vst v63  }
0x2ee: {  	s29 =	sadd.s32 $0x1, s29  }
0x2ef: {  	p0 =	sne.s32 s29, $0x19  }
.Ltmp6:
0x2f0: {  	_ = 	snop;
	(pc) =	sbr.rel @p0 .LBB2_2-.Ltmp6, $1  }
0x2f1: {  	_ =	sdelay $0x3  }
0x2f2: {  	s0 =	simm.s32 $0x3  }
0x2f3: {  	_ =	swait.ge [sflag:s0], $0x4000  }
0x2f4: {  	[sflag:s0] =	ssyncset.done $0x0  }
0x2f5: {  	[sflag:s0] =	ssyncadd.s32 $0xFFFFC000  }
0x2f6: {  	_ =	swait.ge [sflag:s26], $0x4000  }
0x2f7: {  	s28 =	sadd.s32 $0x1, s28;
	s31 =	rddreg [dreg:$0x9]  }
0x2f8: {  	p0 =	sne.s32 s28, s31  }
.Ltmp7:
0x2f9: {  	_ = 	snop;
	(pc) =	sbr.rel @p0 .LBB2_1-.Ltmp7, $3  }
0x2fa: {  	_ =	sdelay $0x1  }
0x2fb: {  	[sflag:s26] =	ssyncset.done $0x0  }
0x2fc: {  	[sflag:s26] =	ssyncadd.s32 $0xFFFFC000  }
0x2fd: {  	_ =	sfence.sel $0x180000  }
0x2fe: {  	[bflag:$0x0] =	sbarrier.arrive $0xFFFF  }
0x2ff: {  	_ =	strace $0x90000047  }
0x300: {  	s0 =	stileid.u32;
	[bflag:$0x2] =	sbarrier.arrive $0xFFFF  }
0x301: {  	p0 =	sne.s32 s0, $0x0;
	s0 =	rddreg [dreg:$0x6]  }
0x302: {  	s0 =	sadd.s32 @!p0 $0x100000, s0  }
0x303: {  	[sflag:s0] =	ssyncadd.tile.s32 @!p0 $0x1;
	_ =	shalt  }
.Lfunc_end2:
_tile_overlayer_lowered:
.L_overlay_start_2:
0x304: {  	(tag) =	ssettag $0x2  }
0x305: {  	s0 =	rddreg [dreg:$0x0];
	s2 =	stileid.u32  }
0x306: {  	s1 =	rddreg [dreg:$0x1];
	p0 =	sne.s32 s2, $0x0  }
0x307: {  	s3 =	rddreg [dreg:$0x2];
	[bflag:$0x3] =	sbarrier.arrive $0xFFFF;
	s2 =	simm.s32 @!p0 $0x1C05  }
0x308: {  	[timem:s3], [sflag:s2] =	dma.local @!p0 [hbm:s0], s1  }
0x309: {  	s0 =	simm.s32 @!p0 $0x5  }
0x30a: {  	_ =	swait.ge @!p0 [sflag:s0], s1  }
0x30b: {  	s1 =	ssub.s32 @!p0 $0x0, s1;
	[sflag:s0] =	ssyncset.done @!p0 $0x0  }
0x30c: {  	[sflag:s0] =	ssyncadd.s32 @!p0 s1  }
0x30d: {  	[bflag:$0x3] =	sbarrier.arrive $0xFFFF  }
0x30e: {  	_ =	shalt  }

</sc_bundles>
